<compile_context>
chip_gen: v7x
topology: tpu7x:2x2x1
jax: 0.10.2.dev20260603
libtpu: 0.0.44.dev20260713+nightly
codegen_flags: <defaults>
</compile_context>

<pallas_src>
import functools
import jax
import jax.numpy as jnp
from jax import lax
from jax.experimental import pallas as pl
from jax.experimental.pallas import tpu as pltpu, tpu_sc as plsc

_B = 8
_C = 19
_N = 512 * 512
_K = _N // 2
_CHUNK = 16384
_NCHUNK = _N // _CHUNK
_SEG = _N // 4
_NV = _SEG // 16


def _ce_kernel(x_ref, t_ref, out_ref):
    b = pl.program_id(0)
    c = pl.program_id(1)
    x = x_ref[0]
    t = t_ref[0]
    lse = jnp.log(jnp.sum(jnp.exp(x), axis=0, keepdims=True))
    cls = jax.lax.broadcasted_iota(jnp.int32, x.shape, 0)
    xt = jnp.sum(jnp.where(cls == t, x, 0.0), axis=0, keepdims=True)
    out_ref[0] = lse - xt


def _compute_nll(input, target):
    x = input.reshape(_B, _C, _N)
    t = target.astype(jnp.int32).reshape(_B, 1, _N)
    return pl.pallas_call(
        _ce_kernel,
        grid=(_B, _NCHUNK),
        in_specs=[
            pl.BlockSpec((1, _C, _CHUNK), lambda b, c: (b, 0, c)),
            pl.BlockSpec((1, 1, _CHUNK), lambda b, c: (b, 0, c)),
        ],
        out_specs=pl.BlockSpec(
            (1, 1, _CHUNK), lambda b, c: (b * _NCHUNK + c, 0, 0)),
        out_shape=jax.ShapeDtypeStruct((_B * _NCHUNK, 1, _CHUNK), jnp.float32),
    )(x, t).reshape(_B, _N)


def _keys_from_vals(v):
    sign = jnp.uint32(0x80000000)
    bu = lax.bitcast_convert_type(v, jnp.uint32)
    return jnp.where(v < 0.0, ~bu, bu | sign)


def _sel_kernel(vals_hbm, out_hbm, vseg, hist, merged, tmp, zvec, outv,
                shared1, shared2):
    c = lax.axis_index("c")
    s = lax.axis_index("s")
    lr = s // 4
    q = s % 4
    r = c * 4 + lr
    w = c * 16 + s
    lanes = lax.iota(jnp.int32, 16)
    kk = jnp.int32(_K)

    pltpu.sync_copy(vals_hbm.at[r, pl.ds(q * _SEG, _SEG)], vseg)

    def zero_hist(_i, _):
        hist[pl.ds(_i * 16, 16)] = jnp.zeros((16,), jnp.int32)
        return 0

    def lane_merge(_i, _):
        acc = jnp.zeros((16,), jnp.int32)
        for l in range(16):
            acc = acc + hist[pl.ds(l * 256 + _i * 16, 16)]
        merged[pl.ds(_i * 16, 16)] = acc
        return 0

    def hist_pass(shift, sel_shift, sel_val):
        lax.fori_loop(0, 256, zero_hist, 0)

        def body(_i, _):
            v = vseg[pl.ds(_i * 16, 16)]
            key = _keys_from_vals(v)
            bins = ((key >> shift) & jnp.uint32(0xFF)).astype(jnp.int32)
            idx = lanes * 256 + bins
            ones = jnp.ones((16,), jnp.int32)
            if sel_shift is None:
                plsc.addupdate_scatter(hist, [idx], ones)
            else:
                m = (key >> sel_shift).astype(jnp.int32) == sel_val
                plsc.addupdate_scatter(hist, [idx], ones, mask=m)
            return 0

        lax.fori_loop(0, _NV, body, 0)
        lax.fori_loop(0, 16, lane_merge, 0)

    def cross_merge(shared):
        pltpu.sync_copy(merged, shared.at[s])
        plsc.subcore_barrier()
        acc16 = [jnp.zeros((16,), jnp.int32)] * 16
        for j in range(4):
            pltpu.sync_copy(shared.at[lr * 4 + j], tmp)
            for g in range(16):
                acc16[g] = acc16[g] + tmp[pl.ds(g * 16, 16)]
        for g in range(16):
            merged[pl.ds(g * 16, 16)] = acc16[g]

    def suffix_find(k_need):
        gs = jnp.zeros((16,), jnp.int32)
        for g in range(16):
            tot = jnp.sum(merged[pl.ds(g * 16, 16)], axis=0)
            gs = jnp.where(lanes == g, tot, gs)
        rgs = lax.rev(gs, (0,))
        sufr = plsc.cumsum(rgs)
        suf = lax.rev(sufr, (0,))
        fr = jnp.max(plsc.all_reduce_ffs(sufr >= k_need), axis=0)
        gstar = 15 - fr
        above_g = jnp.sum(jnp.where(lanes == gstar + 1, suf, 0), axis=0)
        hbins = merged[pl.ds(gstar * 16, 16)]
        crev = plsc.cumsum(lax.rev(hbins, (0,))) + above_g
        sufh = lax.rev(crev, (0,))
        fb = jnp.max(plsc.all_reduce_ffs(crev >= k_need), axis=0)
        bstar = 15 - fb
        above_b = jnp.where(
            bstar >= 15, above_g,
            jnp.sum(jnp.where(lanes == bstar + 1, sufh, 0), axis=0))
        return gstar * 16 + bstar, above_b

    hist_pass(jnp.uint32(24), None, None)
    cross_merge(shared1)
    b1, above1 = suffix_find(kk)

    hist_pass(jnp.uint32(16), jnp.uint32(24), b1)
    cross_merge(shared2)
    b2, above2 = suffix_find(kk - above1)

    t16 = jnp.broadcast_to((b1 * 256 + b2).astype(jnp.uint32), (16,))
    sign = jnp.uint32(0x80000000)
    mask31 = jnp.uint32(0x7FFFFFFF)
    hi_key = (t16 + 1) << 16
    mid_key = (t16 << 16) | jnp.uint32(0x8000)

    def inv(u):
        ub = jnp.where(u >= sign, u & mask31, ~u)
        return lax.bitcast_convert_type(ub, jnp.float32)

    v_hi = inv(hi_key)
    v_mid = inv(mid_key)

    def body3(_i, carry):
        cnt, sm = carry
        v = vseg[pl.ds(_i * 16, 16)]
        m = v >= v_hi
        return (cnt + jnp.where(m, 1, 0).astype(jnp.int32),
                sm + jnp.where(m, v, 0.0))

    cnt, sm = lax.fori_loop(
        0, _NV, body3,
        (jnp.zeros((16,), jnp.int32), jnp.zeros((16,), jnp.float32)))
    cnt_t = jnp.sum(cnt, axis=0).astype(jnp.float32)
    sum_t = jnp.sum(sm, axis=0)

    o = jnp.where(lanes == 0, cnt_t, 0.0)
    o = jnp.where(lanes == 1, sum_t, o)
    o = jnp.where(lanes == 2, v_mid, o)
    outv[...] = o
    pltpu.sync_copy(outv, out_hbm.at[w])


def _select_sc(vals):
    mesh = plsc.VectorSubcoreMesh(core_axis_name="c", subcore_axis_name="s")
    f = pl.kernel(
        _sel_kernel,
        mesh=mesh,
        compiler_params=pltpu.CompilerParams(needs_layout_passes=False),
        out_type=jax.ShapeDtypeStruct((32, 16), jnp.float32),
        scratch_types=[
            pltpu.VMEM((_SEG,), jnp.float32),
            pltpu.VMEM((16 * 256,), jnp.int32),
            pltpu.VMEM((256,), jnp.int32),
            pltpu.VMEM((256,), jnp.int32),
            pltpu.VMEM((256,), jnp.int32),
            pltpu.VMEM((16,), jnp.float32),
            pltpu.VMEM_SHARED((16, 256), jnp.int32),
            pltpu.VMEM_SHARED((16, 256), jnp.int32),
        ],
    )
    return f(vals)


def kernel(input, target):
    vals = _compute_nll(input, target)
    o = _select_sc(vals)
    o4 = o.reshape(2, 4, 4, 16)
    cnt = o4[:, :, :, 0].sum(axis=2)
    sm = o4[:, :, :, 1].sum(axis=2)
    vmid = o4[:, :, 0, 2]
    row = sm + (_K - cnt) * vmid
    return (row.sum() / jnp.float32(_B * _K)).reshape(())

# --- scband reference (transcript-rebuilt; emitter-appended) ---
"""Pipeline reference for scband-topk-cross-entropy-74062416052272 (READ-ONLY COPY).

The authoritative reference and input builder live on the scoring server;
editing this copy changes nothing except your own understanding.
"""

import jax, jax.numpy as jnp
import numpy as np

TOP_K = 0.5

def setup_inputs(seed: int = 0) -> dict:
    key = jax.random.key(seed)
    k1, k2 = jax.random.split(key)
    input = jax.random.normal(k1, (8, 19, 512, 512), dtype=jnp.float32)
    target = jax.random.randint(k2, (8, 512, 512), 0, 19, dtype=jnp.int64)
    return {"input": input, "target": target}

def reference(input, target):
    # CrossEntropyLoss(reduction='none') over class dim (axis=1)
    logp = jax.nn.log_softmax(input, axis=1)
    nll = -jnp.take_along_axis(logp, target[:, None, :, :].astype(jnp.int32), axis=1)[:, 0]  # [B, H, W]
    sizes = target.shape
    num = int(np.prod(sizes[1:]))
    loss = nll.reshape(sizes[0], -1)  # [B, num]
    k = int(TOP_K * num)
    u, v = jax.lax.top_k(loss, k)
    # reduce=True -> scalar mean over topk losses
    return jnp.mean(u)

if __name__ == "__main__":
    import jax
    _d = setup_inputs()
    print(jax.jit(kernel)(*tuple(_d.values())))

</pallas_src>

<mosaic_0001>
#map = affine_map<(d0, d1) -> (0, 0)>
module attributes {stable_mosaic.version = 14 : i64} {
  func.func @_sel_kernel(%arg0: i32, %arg1: i32, %arg2: memref<8x262144xf32, #tpu.memory_space<hbm>>, %arg3: memref<32x16xf32, #tpu.memory_space<hbm>>, %arg4: memref<65536xf32, #tpu.memory_space<vmem>>, %arg5: memref<4096xi32, #tpu.memory_space<vmem>>, %arg6: memref<256xi32, #tpu.memory_space<vmem>>, %arg7: memref<256xi32, #tpu.memory_space<vmem>>, %arg8: memref<256xi32, #tpu.memory_space<vmem>>, %arg9: memref<16xf32, #tpu.memory_space<vmem>>, %arg10: memref<16x256xi32, #tpu.memory_space<vmem_shared>>, %arg11: memref<16x256xi32, #tpu.memory_space<vmem_shared>>) attributes {dimension_semantics = [#tpu.dimension_semantics<core_parallel>, #tpu.dimension_semantics<subcore_parallel>], iteration_bounds = array<i64: 2, 16>, scalar_prefetch = 0 : i64, scratch_operands = 8 : i64, tpu.core_type = #tpu.core_type<sc_vector_subcore>, window_params = [{transform_indices = #map}, {transform_indices = #map}]} {
    %jit3A = arith.constant 4 : i32
    %div3A = arith.divsi %arg1, %jit3A : i32
    %sign3A = arith.constant 0 : i32
    %sign3A_0 = arith.cmpi sgt, %arg1, %sign3A : i32
    %sign3A_1 = arith.extui %sign3A_0 : i1 to i32
    %sign3A_2 = arith.constant 0 : i32
    %sign3A_3 = arith.cmpi slt, %arg1, %sign3A_2 : i32
    %sign3A_4 = arith.extui %sign3A_3 : i1 to i32
    %sign3A_5 = arith.subi %sign3A_1, %sign3A_4 : i32
    %sign3A_6 = arith.constant 0 : i32
    %sign3A_7 = arith.cmpi sgt, %jit3A, %sign3A_6 : i32
    %sign3A_8 = arith.extui %sign3A_7 : i1 to i32
    %sign3A_9 = arith.constant 0 : i32
    %sign3A_10 = arith.cmpi slt, %jit3A, %sign3A_9 : i32
    %sign3A_11 = arith.extui %sign3A_10 : i1 to i32
    %sign3A_12 = arith.subi %sign3A_8, %sign3A_11 : i32
    %ne3A = arith.cmpi ne, %sign3A_5, %sign3A_12 : i32
    %rem3A = arith.remsi %arg1, %jit3A : i32
    %ne3A_13 = arith.constant 0 : i32
    %ne3A_14 = arith.cmpi ne, %rem3A, %ne3A_13 : i32
    %and3A = arith.andi %ne3A, %ne3A_14 : i1
    %sub3A = arith.constant 1 : i32
    %sub3A_15 = arith.subi %div3A, %sub3A : i32
    %select_n3A = arith.select %and3A, %sub3A_15, %div3A : i32
    %jit3A_16 = arith.constant 4 : i32
    %eq3A = arith.constant 0 : i32
    %eq3A_17 = arith.cmpi eq, %jit3A_16, %eq3A : i32
    %jit3A_18 = arith.constant 1 : i32
    %select_n3A_19 = arith.select %eq3A_17, %jit3A_18, %jit3A_16 : i32
    %rem3A_20 = arith.remsi %arg1, %select_n3A_19 : i32
    %ne3A_21 = arith.constant 0 : i32
    %ne3A_22 = arith.cmpi ne, %rem3A_20, %ne3A_21 : i32
    %lt3A = arith.constant 0 : i32
    %lt3A_23 = arith.cmpi slt, %rem3A_20, %lt3A : i32
    %lt3A_24 = arith.constant 0 : i32
    %lt3A_25 = arith.cmpi slt, %select_n3A_19, %lt3A_24 : i32
    %ne3A_26 = arith.xori %lt3A_23, %lt3A_25 : i1
    %and3A_27 = arith.andi %ne3A_26, %ne3A_22 : i1
    %add3A = arith.addi %rem3A_20, %select_n3A_19 : i32
    %select_n3A_28 = arith.select %and3A_27, %add3A, %rem3A_20 : i32
    %mul3A = arith.constant 4 : i32
    %mul3A_29 = arith.muli %arg0, %mul3A : i32
    %add3A_30 = arith.addi %mul3A_29, %select_n3A : i32
    %mul3A_31 = arith.constant 16 : i32
    %mul3A_32 = arith.muli %arg0, %mul3A_31 : i32
    %add3A_33 = arith.addi %mul3A_32, %arg1 : i32
    %iota3A = tpu.iota {dimensions = array<i32: 0>} : vector<16xi32>
    %mul3A_34 = arith.constant 65536 : i32
    %mul3A_35 = arith.muli %select_n3A_28, %mul3A_34 : i32
    "tpu.region"() ({
      %run_scoped3A = tpu.sem_alloc : memref<!tpu.dma_semaphore, #tpu.memory_space<semaphore_mem>>
      %dma_start3A = tpu.memref_slice %arg2[%add3A_30, %mul3A_35] : memref<8x262144xf32, #tpu.memory_space<hbm>> -> memref<1x65536xf32, #tpu.memory_space<hbm>>
      %dma_start3A_1156 = tpu.memref_squeeze %dma_start3A : memref<1x65536xf32, #tpu.memory_space<hbm>> -> memref<65536xf32, #tpu.memory_space<hbm>>
      %dma_start3A_1157 = tpu.memref_slice %arg2[%add3A_30, %mul3A_35] : memref<8x262144xf32, #tpu.memory_space<hbm>> -> memref<1x65536xf32, #tpu.memory_space<hbm>>
      %dma_start3A_1158 = tpu.memref_squeeze %dma_start3A_1157 : memref<1x65536xf32, #tpu.memory_space<hbm>> -> memref<65536xf32, #tpu.memory_space<hbm>>
      tpu.enqueue_dma source(%dma_start3A_1158 : memref<65536xf32, #tpu.memory_space<hbm>>) target(%arg4 : memref<65536xf32, #tpu.memory_space<vmem>>) target_semaphore(%run_scoped3A : memref<!tpu.dma_semaphore, #tpu.memory_space<semaphore_mem>>)
      %dma_wait3A = tpu.memref_slice %arg2[%add3A_30, %mul3A_35] : memref<8x262144xf32, #tpu.memory_space<hbm>> -> memref<1x65536xf32, #tpu.memory_space<hbm>>
      %dma_wait3A_1159 = tpu.memref_squeeze %dma_wait3A : memref<1x65536xf32, #tpu.memory_space<hbm>> -> memref<65536xf32, #tpu.memory_space<hbm>>
      %dma_wait3A_1160 = tpu.memref_slice %arg2[%add3A_30, %mul3A_35] : memref<8x262144xf32, #tpu.memory_space<hbm>> -> memref<1x65536xf32, #tpu.memory_space<hbm>>
      %dma_wait3A_1161 = tpu.memref_squeeze %dma_wait3A_1160 : memref<1x65536xf32, #tpu.memory_space<hbm>> -> memref<65536xf32, #tpu.memory_space<hbm>>
      tpu.wait_dma2 semaphore(%run_scoped3A : memref<!tpu.dma_semaphore, #tpu.memory_space<semaphore_mem>>) src(%dma_wait3A_1161 : memref<65536xf32, #tpu.memory_space<hbm>>) dst(%arg4 : memref<65536xf32, #tpu.memory_space<vmem>>)
      tpu.yield
    }) : () -> ()
    %scan3A = arith.constant 0 : i32
    %scan3A_36 = arith.constant 0 : i32
    %scan3A_37 = arith.constant 256 : i32
    %scan3A_38 = arith.addi %scan3A_36, %scan3A_37 : i32
    %scan3A_39 = arith.constant 1 : i32
    %scan3A_40 = scf.for %scan3A_1156 = %scan3A_36 to %scan3A_38 step %scan3A_39 iter_args(%scan3A_1157 = %scan3A) -> (i32)  : i32 {
      %broadcast_in_dim3A_1158 = arith.constant 0 : i32
      %broadcast_in_dim3A_1159 = vector.broadcast %broadcast_in_dim3A_1158 : i32 to vector<16xi32>
      %mul3A_1160 = arith.constant 16 : i32
      %mul3A_1161 = arith.muli %scan3A_1156, %mul3A_1160 : i32
      %swap3A_1162 = arith.index_cast %mul3A_1161 : i32 to index
      %swap3A_1163 = tpu.vector_load %arg5[%swap3A_1162] {strides = array<i32>} : memref<4096xi32, #tpu.memory_space<vmem>>, vector<16xi32>,
      tpu.vector_store %arg5[%swap3A_1162], %broadcast_in_dim3A_1159 {strides = array<i32>} : memref<4096xi32, #tpu.memory_space<vmem>>, vector<16xi32>,
      %scan3A_1164 = arith.constant 0 : i32
      scf.yield %scan3A_1164 : i32
    }
    %scan3A_41 = arith.constant 256 : i32
    %scan3A_42 = arith.constant 24 : i32
    %scan3A_43 = arith.constant 0 : i32
    %scan3A_44 = arith.constant 0 : i32
    %scan3A_45 = arith.constant 4096 : i32
    %scan3A_46 = arith.addi %scan3A_44, %scan3A_45 : i32
    %scan3A_47 = arith.constant 1 : i32
    %scan3A_48 = scf.for %scan3A_1156 = %scan3A_44 to %scan3A_46 step %scan3A_47 iter_args(%scan3A_1157 = %scan3A_43) -> (i32)  : i32 {
      %mul3A_1158 = arith.constant 16 : i32
      %mul3A_1159 = arith.muli %scan3A_1156, %mul3A_1158 : i32
      %get3A_1160 = arith.index_cast %mul3A_1159 : i32 to index
      %get3A_1161 = tpu.vector_load %arg4[%get3A_1160] {strides = array<i32>} : memref<65536xf32, #tpu.memory_space<vmem>>, vector<16xf32>,
      %bitcast_convert_type3A_1162 = tpu.bitcast %get3A_1161 : vector<16xf32> -> vector<16xi32>
      %lt3A_1163 = arith.constant 0.000000e+00 : f32
      %lt3A_1164 = vector.broadcast %lt3A_1163 : f32 to vector<16xf32>
      %lt3A_1165 = arith.cmpf olt, %get3A_1161, %lt3A_1164 : vector<16xf32>
      %not3A_1166 = arith.constant dense<-1> : vector<16xi32>
      %not3A_1167 = arith.xori %bitcast_convert_type3A_1162, %not3A_1166 : vector<16xi32>
      %or3A_1168 = arith.constant -2147483648 : i32
      %or3A_1169 = vector.broadcast %or3A_1168 : i32 to vector<16xi32>
      %or3A_1170 = arith.ori %bitcast_convert_type3A_1162, %or3A_1169 : vector<16xi32>
      %select_n3A_1171 = arith.select %lt3A_1165, %not3A_1167, %or3A_1170 : vector<16xi1>, vector<16xi32>
      %shift_right_logical3A = vector.broadcast %scan3A_42 : i32 to vector<16xi32>
      %shift_right_logical3A_1172 = arith.shrui %select_n3A_1171, %shift_right_logical3A : vector<16xi32>
      %and3A_1173 = arith.constant 255 : i32
      %and3A_1174 = vector.broadcast %and3A_1173 : i32 to vector<16xi32>
      %and3A_1175 = arith.andi %shift_right_logical3A_1172, %and3A_1174 : vector<16xi32>
      %mul3A_1176 = arith.constant 256 : i32
      %mul3A_1177 = vector.broadcast %mul3A_1176 : i32 to vector<16xi32>
      %mul3A_1178 = arith.muli %iota3A, %mul3A_1177 : vector<16xi32>
      %add3A_1179 = arith.addi %mul3A_1178, %and3A_1175 : vector<16xi32>
      %broadcast_in_dim3A_1180 = arith.constant 1 : i32
      %broadcast_in_dim3A_1181 = vector.broadcast %broadcast_in_dim3A_1180 : i32 to vector<16xi32>
      tpu.vector_store_idx %arg5[%add3A_1179], %broadcast_in_dim3A_1181 {add = true} : memref<4096xi32, #tpu.memory_space<vmem>>[vector<16xi32>], vector<16xi32>,
      %scan3A_1182 = arith.constant 0 : i32
      scf.yield %scan3A_1182 : i32
    }
    %scan3A_49 = arith.constant 4096 : i32
    %scan3A_50 = arith.constant 0 : i32
    %scan3A_51 = arith.constant 0 : i32
    %scan3A_52 = arith.constant 16 : i32
    %scan3A_53 = arith.addi %scan3A_51, %scan3A_52 : i32
    %scan3A_54 = arith.constant 1 : i32
    %scan3A_55 = scf.for %scan3A_1156 = %scan3A_51 to %scan3A_53 step %scan3A_54 iter_args(%scan3A_1157 = %scan3A_50) -> (i32)  : i32 {
      %broadcast_in_dim3A_1158 = arith.constant 0 : i32
      %broadcast_in_dim3A_1159 = vector.broadcast %broadcast_in_dim3A_1158 : i32 to vector<16xi32>
      %mul3A_1160 = arith.constant 16 : i32
      %mul3A_1161 = arith.muli %scan3A_1156, %mul3A_1160 : i32
      %add3A_1162 = arith.constant 0 : i32
      %add3A_1163 = arith.addi %add3A_1162, %mul3A_1161 : i32
      %get3A_1164 = arith.index_cast %add3A_1163 : i32 to index
      %get3A_1165 = tpu.vector_load %arg5[%get3A_1164] {strides = array<i32>} : memref<4096xi32, #tpu.memory_space<vmem>>, vector<16xi32>,
      %add3A_1166 = arith.addi %broadcast_in_dim3A_1159, %get3A_1165 : vector<16xi32>
      %mul3A_1167 = arith.constant 16 : i32
      %mul3A_1168 = arith.muli %scan3A_1156, %mul3A_1167 : i32
      %add3A_1169 = arith.constant 256 : i32
      %add3A_1170 = arith.addi %add3A_1169, %mul3A_1168 : i32
      %get3A_1171 = arith.index_cast %add3A_1170 : i32 to index
      %get3A_1172 = tpu.vector_load %arg5[%get3A_1171] {strides = array<i32>} : memref<4096xi32, #tpu.memory_space<vmem>>, vector<16xi32>,
      %add3A_1173 = arith.addi %add3A_1166, %get3A_1172 : vector<16xi32>
      %mul3A_1174 = arith.constant 16 : i32
      %mul3A_1175 = arith.muli %scan3A_1156, %mul3A_1174 : i32
      %add3A_1176 = arith.constant 512 : i32
      %add3A_1177 = arith.addi %add3A_1176, %mul3A_1175 : i32
      %get3A_1178 = arith.index_cast %add3A_1177 : i32 to index
      %get3A_1179 = tpu.vector_load %arg5[%get3A_1178] {strides = array<i32>} : memref<4096xi32, #tpu.memory_space<vmem>>, vector<16xi32>,
      %add3A_1180 = arith.addi %add3A_1173, %get3A_1179 : vector<16xi32>
      %mul3A_1181 = arith.constant 16 : i32
      %mul3A_1182 = arith.muli %scan3A_1156, %mul3A_1181 : i32
      %add3A_1183 = arith.constant 768 : i32
      %add3A_1184 = arith.addi %add3A_1183, %mul3A_1182 : i32
      %get3A_1185 = arith.index_cast %add3A_1184 : i32 to index
      %get3A_1186 = tpu.vector_load %arg5[%get3A_1185] {strides = array<i32>} : memref<4096xi32, #tpu.memory_space<vmem>>, vector<16xi32>,
      %add3A_1187 = arith.addi %add3A_1180, %get3A_1186 : vector<16xi32>
      %mul3A_1188 = arith.constant 16 : i32
      %mul3A_1189 = arith.muli %scan3A_1156, %mul3A_1188 : i32
      %add3A_1190 = arith.constant 1024 : i32
      %add3A_1191 = arith.addi %add3A_1190, %mul3A_1189 : i32
      %get3A_1192 = arith.index_cast %add3A_1191 : i32 to index
      %get3A_1193 = tpu.vector_load %arg5[%get3A_1192] {strides = array<i32>} : memref<4096xi32, #tpu.memory_space<vmem>>, vector<16xi32>,
      %add3A_1194 = arith.addi %add3A_1187, %get3A_1193 : vector<16xi32>
      %mul3A_1195 = arith.constant 16 : i32
      %mul3A_1196 = arith.muli %scan3A_1156, %mul3A_1195 : i32
      %add3A_1197 = arith.constant 1280 : i32
      %add3A_1198 = arith.addi %add3A_1197, %mul3A_1196 : i32
      %get3A_1199 = arith.index_cast %add3A_1198 : i32 to index
      %get3A_1200 = tpu.vector_load %arg5[%get3A_1199] {strides = array<i32>} : memref<4096xi32, #tpu.memory_space<vmem>>, vector<16xi32>,
      %add3A_1201 = arith.addi %add3A_1194, %get3A_1200 : vector<16xi32>
      %mul3A_1202 = arith.constant 16 : i32
      %mul3A_1203 = arith.muli %scan3A_1156, %mul3A_1202 : i32
      %add3A_1204 = arith.constant 1536 : i32
      %add3A_1205 = arith.addi %add3A_1204, %mul3A_1203 : i32
      %get3A_1206 = arith.index_cast %add3A_1205 : i32 to index
      %get3A_1207 = tpu.vector_load %arg5[%get3A_1206] {strides = array<i32>} : memref<4096xi32, #tpu.memory_space<vmem>>, vector<16xi32>,
      %add3A_1208 = arith.addi %add3A_1201, %get3A_1207 : vector<16xi32>
      %mul3A_1209 = arith.constant 16 : i32
      %mul3A_1210 = arith.muli %scan3A_1156, %mul3A_1209 : i32
      %add3A_1211 = arith.constant 1792 : i32
      %add3A_1212 = arith.addi %add3A_1211, %mul3A_1210 : i32
      %get3A_1213 = arith.index_cast %add3A_1212 : i32 to index
      %get3A_1214 = tpu.vector_load %arg5[%get3A_1213] {strides = array<i32>} : memref<4096xi32, #tpu.memory_space<vmem>>, vector<16xi32>,
      %add3A_1215 = arith.addi %add3A_1208, %get3A_1214 : vector<16xi32>
      %mul3A_1216 = arith.constant 16 : i32
      %mul3A_1217 = arith.muli %scan3A_1156, %mul3A_1216 : i32
      %add3A_1218 = arith.constant 2048 : i32
      %add3A_1219 = arith.addi %add3A_1218, %mul3A_1217 : i32
      %get3A_1220 = arith.index_cast %add3A_1219 : i32 to index
      %get3A_1221 = tpu.vector_load %arg5[%get3A_1220] {strides = array<i32>} : memref<4096xi32, #tpu.memory_space<vmem>>, vector<16xi32>,
      %add3A_1222 = arith.addi %add3A_1215, %get3A_1221 : vector<16xi32>
      %mul3A_1223 = arith.constant 16 : i32
      %mul3A_1224 = arith.muli %scan3A_1156, %mul3A_1223 : i32
      %add3A_1225 = arith.constant 2304 : i32
      %add3A_1226 = arith.addi %add3A_1225, %mul3A_1224 : i32
      %get3A_1227 = arith.index_cast %add3A_1226 : i32 to index
      %get3A_1228 = tpu.vector_load %arg5[%get3A_1227] {strides = array<i32>} : memref<4096xi32, #tpu.memory_space<vmem>>, vector<16xi32>,
      %add3A_1229 = arith.addi %add3A_1222, %get3A_1228 : vector<16xi32>
      %mul3A_1230 = arith.constant 16 : i32
      %mul3A_1231 = arith.muli %scan3A_1156, %mul3A_1230 : i32
      %add3A_1232 = arith.constant 2560 : i32
      %add3A_1233 = arith.addi %add3A_1232, %mul3A_1231 : i32
      %get3A_1234 = arith.index_cast %add3A_1233 : i32 to index
      %get3A_1235 = tpu.vector_load %arg5[%get3A_1234] {strides = array<i32>} : memref<4096xi32, #tpu.memory_space<vmem>>, vector<16xi32>,
      %add3A_1236 = arith.addi %add3A_1229, %get3A_1235 : vector<16xi32>
      %mul3A_1237 = arith.constant 16 : i32
      %mul3A_1238 = arith.muli %scan3A_1156, %mul3A_1237 : i32
      %add3A_1239 = arith.constant 2816 : i32
      %add3A_1240 = arith.addi %add3A_1239, %mul3A_1238 : i32
      %get3A_1241 = arith.index_cast %add3A_1240 : i32 to index
      %get3A_1242 = tpu.vector_load %arg5[%get3A_1241] {strides = array<i32>} : memref<4096xi32, #tpu.memory_space<vmem>>, vector<16xi32>,
      %add3A_1243 = arith.addi %add3A_1236, %get3A_1242 : vector<16xi32>
      %mul3A_1244 = arith.constant 16 : i32
      %mul3A_1245 = arith.muli %scan3A_1156, %mul3A_1244 : i32
      %add3A_1246 = arith.constant 3072 : i32
      %add3A_1247 = arith.addi %add3A_1246, %mul3A_1245 : i32
      %get3A_1248 = arith.index_cast %add3A_1247 : i32 to index
      %get3A_1249 = tpu.vector_load %arg5[%get3A_1248] {strides = array<i32>} : memref<4096xi32, #tpu.memory_space<vmem>>, vector<16xi32>,
      %add3A_1250 = arith.addi %add3A_1243, %get3A_1249 : vector<16xi32>
      %mul3A_1251 = arith.constant 16 : i32
      %mul3A_1252 = arith.muli %scan3A_1156, %mul3A_1251 : i32
      %add3A_1253 = arith.constant 3328 : i32
      %add3A_1254 = arith.addi %add3A_1253, %mul3A_1252 : i32
      %get3A_1255 = arith.index_cast %add3A_1254 : i32 to index
      %get3A_1256 = tpu.vector_load %arg5[%get3A_1255] {strides = array<i32>} : memref<4096xi32, #tpu.memory_space<vmem>>, vector<16xi32>,
      %add3A_1257 = arith.addi %add3A_1250, %get3A_1256 : vector<16xi32>
      %mul3A_1258 = arith.constant 16 : i32
      %mul3A_1259 = arith.muli %scan3A_1156, %mul3A_1258 : i32
      %add3A_1260 = arith.constant 3584 : i32
      %add3A_1261 = arith.addi %add3A_1260, %mul3A_1259 : i32
      %get3A_1262 = arith.index_cast %add3A_1261 : i32 to index
      %get3A_1263 = tpu.vector_load %arg5[%get3A_1262] {strides = array<i32>} : memref<4096xi32, #tpu.memory_space<vmem>>, vector<16xi32>,
      %add3A_1264 = arith.addi %add3A_1257, %get3A_1263 : vector<16xi32>
      %mul3A_1265 = arith.constant 16 : i32
      %mul3A_1266 = arith.muli %scan3A_1156, %mul3A_1265 : i32
      %add3A_1267 = arith.constant 3840 : i32
      %add3A_1268 = arith.addi %add3A_1267, %mul3A_1266 : i32
      %get3A_1269 = arith.index_cast %add3A_1268 : i32 to index
      %get3A_1270 = tpu.vector_load %arg5[%get3A_1269] {strides = array<i32>} : memref<4096xi32, #tpu.memory_space<vmem>>, vector<16xi32>,
      %add3A_1271 = arith.addi %add3A_1264, %get3A_1270 : vector<16xi32>
      %mul3A_1272 = arith.constant 16 : i32
      %mul3A_1273 = arith.muli %scan3A_1156, %mul3A_1272 : i32
      %swap3A_1274 = arith.index_cast %mul3A_1273 : i32 to index
      %swap3A_1275 = tpu.vector_load %arg6[%swap3A_1274] {strides = array<i32>} : memref<256xi32, #tpu.memory_space<vmem>>, vector<16xi32>,
      tpu.vector_store %arg6[%swap3A_1274], %add3A_1271 {strides = array<i32>} : memref<256xi32, #tpu.memory_space<vmem>>, vector<16xi32>,
      %scan3A_1276 = arith.constant 0 : i32
      scf.yield %scan3A_1276 : i32
    }
    %scan3A_56 = arith.constant 16 : i32
    "tpu.region"() ({
      %run_scoped3A = tpu.sem_alloc : memref<!tpu.dma_semaphore, #tpu.memory_space<semaphore_mem>>
      %dma_start3A = arith.constant 0 : i32
      %dma_start3A_1156 = tpu.memref_slice %arg10[%arg1, %dma_start3A] : memref<16x256xi32, #tpu.memory_space<vmem_shared>> -> memref<1x256xi32, #tpu.memory_space<vmem_shared>>
      %dma_start3A_1157 = tpu.memref_squeeze %dma_start3A_1156 : memref<1x256xi32, #tpu.memory_space<vmem_shared>> -> memref<256xi32, #tpu.memory_space<vmem_shared>>
      %dma_start3A_1158 = arith.constant 0 : i32
      %dma_start3A_1159 = tpu.memref_slice %arg10[%arg1, %dma_start3A_1158] : memref<16x256xi32, #tpu.memory_space<vmem_shared>> -> memref<1x256xi32, #tpu.memory_space<vmem_shared>>
      %dma_start3A_1160 = tpu.memref_squeeze %dma_start3A_1159 : memref<1x256xi32, #tpu.memory_space<vmem_shared>> -> memref<256xi32, #tpu.memory_space<vmem_shared>>
      tpu.enqueue_dma source(%arg6 : memref<256xi32, #tpu.memory_space<vmem>>) target(%dma_start3A_1160 : memref<256xi32, #tpu.memory_space<vmem_shared>>) target_semaphore(%run_scoped3A : memref<!tpu.dma_semaphore, #tpu.memory_space<semaphore_mem>>)
      %dma_wait3A = arith.constant 0 : i32
      %dma_wait3A_1161 = tpu.memref_slice %arg10[%arg1, %dma_wait3A] : memref<16x256xi32, #tpu.memory_space<vmem_shared>> -> memref<1x256xi32, #tpu.memory_space<vmem_shared>>
      %dma_wait3A_1162 = tpu.memref_squeeze %dma_wait3A_1161 : memref<1x256xi32, #tpu.memory_space<vmem_shared>> -> memref<256xi32, #tpu.memory_space<vmem_shared>>
      %dma_wait3A_1163 = arith.constant 0 : i32
      %dma_wait3A_1164 = tpu.memref_slice %arg10[%arg1, %dma_wait3A_1163] : memref<16x256xi32, #tpu.memory_space<vmem_shared>> -> memref<1x256xi32, #tpu.memory_space<vmem_shared>>
      %dma_wait3A_1165 = tpu.memref_squeeze %dma_wait3A_1164 : memref<1x256xi32, #tpu.memory_space<vmem_shared>> -> memref<256xi32, #tpu.memory_space<vmem_shared>>
      tpu.wait_dma2 semaphore(%run_scoped3A : memref<!tpu.dma_semaphore, #tpu.memory_space<semaphore_mem>>) src(%arg6 : memref<256xi32, #tpu.memory_space<vmem>>) dst(%dma_wait3A_1165 : memref<256xi32, #tpu.memory_space<vmem_shared>>)
      tpu.yield
    }) : () -> ()
    %barrier3A = arith.constant 0 : index
    tpu.barrier barrier_id(%barrier3A)
    %broadcast_in_dim3A = arith.constant 0 : i32
    %broadcast_in_dim3A_57 = vector.broadcast %broadcast_in_dim3A : i32 to vector<16xi32>
    %mul3A_58 = arith.constant 4 : i32
    %mul3A_59 = arith.muli %select_n3A, %mul3A_58 : i32
    %add3A_60 = arith.constant 0 : i32
    %add3A_61 = arith.addi %mul3A_59, %add3A_60 : i32
    "tpu.region"() ({
      %run_scoped3A = tpu.sem_alloc : memref<!tpu.dma_semaphore, #tpu.memory_space<semaphore_mem>>
      %dma_start3A = arith.constant 0 : i32
      %dma_start3A_1156 = tpu.memref_slice %arg10[%add3A_61, %dma_start3A] : memref<16x256xi32, #tpu.memory_space<vmem_shared>> -> memref<1x256xi32, #tpu.memory_space<vmem_shared>>
      %dma_start3A_1157 = tpu.memref_squeeze %dma_start3A_1156 : memref<1x256xi32, #tpu.memory_space<vmem_shared>> -> memref<256xi32, #tpu.memory_space<vmem_shared>>
      %dma_start3A_1158 = arith.constant 0 : i32
      %dma_start3A_1159 = tpu.memref_slice %arg10[%add3A_61, %dma_start3A_1158] : memref<16x256xi32, #tpu.memory_space<vmem_shared>> -> memref<1x256xi32, #tpu.memory_space<vmem_shared>>
      %dma_start3A_1160 = tpu.memref_squeeze %dma_start3A_1159 : memref<1x256xi32, #tpu.memory_space<vmem_shared>> -> memref<256xi32, #tpu.memory_space<vmem_shared>>
      tpu.enqueue_dma source(%dma_start3A_1160 : memref<256xi32, #tpu.memory_space<vmem_shared>>) target(%arg7 : memref<256xi32, #tpu.memory_space<vmem>>) target_semaphore(%run_scoped3A : memref<!tpu.dma_semaphore, #tpu.memory_space<semaphore_mem>>)
      %dma_wait3A = arith.constant 0 : i32
      %dma_wait3A_1161 = tpu.memref_slice %arg10[%add3A_61, %dma_wait3A] : memref<16x256xi32, #tpu.memory_space<vmem_shared>> -> memref<1x256xi32, #tpu.memory_space<vmem_shared>>
      %dma_wait3A_1162 = tpu.memref_squeeze %dma_wait3A_1161 : memref<1x256xi32, #tpu.memory_space<vmem_shared>> -> memref<256xi32, #tpu.memory_space<vmem_shared>>
      %dma_wait3A_1163 = arith.constant 0 : i32
      %dma_wait3A_1164 = tpu.memref_slice %arg10[%add3A_61, %dma_wait3A_1163] : memref<16x256xi32, #tpu.memory_space<vmem_shared>> -> memref<1x256xi32, #tpu.memory_space<vmem_shared>>
      %dma_wait3A_1165 = tpu.memref_squeeze %dma_wait3A_1164 : memref<1x256xi32, #tpu.memory_space<vmem_shared>> -> memref<256xi32, #tpu.memory_space<vmem_shared>>
      tpu.wait_dma2 semaphore(%run_scoped3A : memref<!tpu.dma_semaphore, #tpu.memory_space<semaphore_mem>>) src(%dma_wait3A_1165 : memref<256xi32, #tpu.memory_space<vmem_shared>>) dst(%arg7 : memref<256xi32, #tpu.memory_space<vmem>>)
      tpu.yield
    }) : () -> ()
    %get3A = arith.constant 0 : index
    %get3A_62 = tpu.vector_load %arg7[%get3A] {strides = array<i32>} : memref<256xi32, #tpu.memory_space<vmem>>, vector<16xi32>,
    %add3A_63 = arith.addi %broadcast_in_dim3A_57, %get3A_62 : vector<16xi32>
    %get3A_64 = arith.constant 16 : index
    %get3A_65 = tpu.vector_load %arg7[%get3A_64] {strides = array<i32>} : memref<256xi32, #tpu.memory_space<vmem>>, vector<16xi32>,
    %add3A_66 = arith.addi %broadcast_in_dim3A_57, %get3A_65 : vector<16xi32>
    %get3A_67 = arith.constant 32 : index
    %get3A_68 = tpu.vector_load %arg7[%get3A_67] {strides = array<i32>} : memref<256xi32, #tpu.memory_space<vmem>>, vector<16xi32>,
    %add3A_69 = arith.addi %broadcast_in_dim3A_57, %get3A_68 : vector<16xi32>
    %get3A_70 = arith.constant 48 : index
    %get3A_71 = tpu.vector_load %arg7[%get3A_70] {strides = array<i32>} : memref<256xi32, #tpu.memory_space<vmem>>, vector<16xi32>,
    %add3A_72 = arith.addi %broadcast_in_dim3A_57, %get3A_71 : vector<16xi32>
    %get3A_73 = arith.constant 64 : index
    %get3A_74 = tpu.vector_load %arg7[%get3A_73] {strides = array<i32>} : memref<256xi32, #tpu.memory_space<vmem>>, vector<16xi32>,
    %add3A_75 = arith.addi %broadcast_in_dim3A_57, %get3A_74 : vector<16xi32>
    %get3A_76 = arith.constant 80 : index
    %get3A_77 = tpu.vector_load %arg7[%get3A_76] {strides = array<i32>} : memref<256xi32, #tpu.memory_space<vmem>>, vector<16xi32>,
    %add3A_78 = arith.addi %broadcast_in_dim3A_57, %get3A_77 : vector<16xi32>
    %get3A_79 = arith.constant 96 : index
    %get3A_80 = tpu.vector_load %arg7[%get3A_79] {strides = array<i32>} : memref<256xi32, #tpu.memory_space<vmem>>, vector<16xi32>,
    %add3A_81 = arith.addi %broadcast_in_dim3A_57, %get3A_80 : vector<16xi32>
    %get3A_82 = arith.constant 112 : index
    %get3A_83 = tpu.vector_load %arg7[%get3A_82] {strides = array<i32>} : memref<256xi32, #tpu.memory_space<vmem>>, vector<16xi32>,
    %add3A_84 = arith.addi %broadcast_in_dim3A_57, %get3A_83 : vector<16xi32>
    %get3A_85 = arith.constant 128 : index
    %get3A_86 = tpu.vector_load %arg7[%get3A_85] {strides = array<i32>} : memref<256xi32, #tpu.memory_space<vmem>>, vector<16xi32>,
    %add3A_87 = arith.addi %broadcast_in_dim3A_57, %get3A_86 : vector<16xi32>
    %get3A_88 = arith.constant 144 : index
    %get3A_89 = tpu.vector_load %arg7[%get3A_88] {strides = array<i32>} : memref<256xi32, #tpu.memory_space<vmem>>, vector<16xi32>,
    %add3A_90 = arith.addi %broadcast_in_dim3A_57, %get3A_89 : vector<16xi32>
    %get3A_91 = arith.constant 160 : index
    %get3A_92 = tpu.vector_load %arg7[%get3A_91] {strides = array<i32>} : memref<256xi32, #tpu.memory_space<vmem>>, vector<16xi32>,
    %add3A_93 = arith.addi %broadcast_in_dim3A_57, %get3A_92 : vector<16xi32>
    %get3A_94 = arith.constant 176 : index
    %get3A_95 = tpu.vector_load %arg7[%get3A_94] {strides = array<i32>} : memref<256xi32, #tpu.memory_space<vmem>>, vector<16xi32>,
    %add3A_96 = arith.addi %broadcast_in_dim3A_57, %get3A_95 : vector<16xi32>
    %get3A_97 = arith.constant 192 : index
    %get3A_98 = tpu.vector_load %arg7[%get3A_97] {strides = array<i32>} : memref<256xi32, #tpu.memory_space<vmem>>, vector<16xi32>,
    %add3A_99 = arith.addi %broadcast_in_dim3A_57, %get3A_98 : vector<16xi32>
    %get3A_100 = arith.constant 208 : index
    %get3A_101 = tpu.vector_load %arg7[%get3A_100] {strides = array<i32>} : memref<256xi32, #tpu.memory_space<vmem>>, vector<16xi32>,
    %add3A_102 = arith.addi %broadcast_in_dim3A_57, %get3A_101 : vector<16xi32>
    %get3A_103 = arith.constant 224 : index
    %get3A_104 = tpu.vector_load %arg7[%get3A_103] {strides = array<i32>} : memref<256xi32, #tpu.memory_space<vmem>>, vector<16xi32>,
    %add3A_105 = arith.addi %broadcast_in_dim3A_57, %get3A_104 : vector<16xi32>
    %get3A_106 = arith.constant 240 : index
    %get3A_107 = tpu.vector_load %arg7[%get3A_106] {strides = array<i32>} : memref<256xi32, #tpu.memory_space<vmem>>, vector<16xi32>,
    %add3A_108 = arith.addi %broadcast_in_dim3A_57, %get3A_107 : vector<16xi32>
    %mul3A_109 = arith.constant 4 : i32
    %mul3A_110 = arith.muli %select_n3A, %mul3A_109 : i32
    %add3A_111 = arith.constant 1 : i32
    %add3A_112 = arith.addi %mul3A_110, %add3A_111 : i32
    "tpu.region"() ({
      %run_scoped3A = tpu.sem_alloc : memref<!tpu.dma_semaphore, #tpu.memory_space<semaphore_mem>>
      %dma_start3A = arith.constant 0 : i32
      %dma_start3A_1156 = tpu.memref_slice %arg10[%add3A_112, %dma_start3A] : memref<16x256xi32, #tpu.memory_space<vmem_shared>> -> memref<1x256xi32, #tpu.memory_space<vmem_shared>>
      %dma_start3A_1157 = tpu.memref_squeeze %dma_start3A_1156 : memref<1x256xi32, #tpu.memory_space<vmem_shared>> -> memref<256xi32, #tpu.memory_space<vmem_shared>>
      %dma_start3A_1158 = arith.constant 0 : i32
      %dma_start3A_1159 = tpu.memref_slice %arg10[%add3A_112, %dma_start3A_1158] : memref<16x256xi32, #tpu.memory_space<vmem_shared>> -> memref<1x256xi32, #tpu.memory_space<vmem_shared>>
      %dma_start3A_1160 = tpu.memref_squeeze %dma_start3A_1159 : memref<1x256xi32, #tpu.memory_space<vmem_shared>> -> memref<256xi32, #tpu.memory_space<vmem_shared>>
      tpu.enqueue_dma source(%dma_start3A_1160 : memref<256xi32, #tpu.memory_space<vmem_shared>>) target(%arg7 : memref<256xi32, #tpu.memory_space<vmem>>) target_semaphore(%run_scoped3A : memref<!tpu.dma_semaphore, #tpu.memory_space<semaphore_mem>>)
      %dma_wait3A = arith.constant 0 : i32
      %dma_wait3A_1161 = tpu.memref_slice %arg10[%add3A_112, %dma_wait3A] : memref<16x256xi32, #tpu.memory_space<vmem_shared>> -> memref<1x256xi32, #tpu.memory_space<vmem_shared>>
      %dma_wait3A_1162 = tpu.memref_squeeze %dma_wait3A_1161 : memref<1x256xi32, #tpu.memory_space<vmem_shared>> -> memref<256xi32, #tpu.memory_space<vmem_shared>>
      %dma_wait3A_1163 = arith.constant 0 : i32
      %dma_wait3A_1164 = tpu.memref_slice %arg10[%add3A_112, %dma_wait3A_1163] : memref<16x256xi32, #tpu.memory_space<vmem_shared>> -> memref<1x256xi32, #tpu.memory_space<vmem_shared>>
      %dma_wait3A_1165 = tpu.memref_squeeze %dma_wait3A_1164 : memref<1x256xi32, #tpu.memory_space<vmem_shared>> -> memref<256xi32, #tpu.memory_space<vmem_shared>>
      tpu.wait_dma2 semaphore(%run_scoped3A : memref<!tpu.dma_semaphore, #tpu.memory_space<semaphore_mem>>) src(%dma_wait3A_1165 : memref<256xi32, #tpu.memory_space<vmem_shared>>) dst(%arg7 : memref<256xi32, #tpu.memory_space<vmem>>)
      tpu.yield
    }) : () -> ()
    %get3A_113 = arith.constant 0 : index
    %get3A_114 = tpu.vector_load %arg7[%get3A_113] {strides = array<i32>} : memref<256xi32, #tpu.memory_space<vmem>>, vector<16xi32>,
    %add3A_115 = arith.addi %add3A_63, %get3A_114 : vector<16xi32>
    %get3A_116 = arith.constant 16 : index
    %get3A_117 = tpu.vector_load %arg7[%get3A_116] {strides = array<i32>} : memref<256xi32, #tpu.memory_space<vmem>>, vector<16xi32>,
    %add3A_118 = arith.addi %add3A_66, %get3A_117 : vector<16xi32>
    %get3A_119 = arith.constant 32 : index
    %get3A_120 = tpu.vector_load %arg7[%get3A_119] {strides = array<i32>} : memref<256xi32, #tpu.memory_space<vmem>>, vector<16xi32>,
    %add3A_121 = arith.addi %add3A_69, %get3A_120 : vector<16xi32>
    %get3A_122 = arith.constant 48 : index
    %get3A_123 = tpu.vector_load %arg7[%get3A_122] {strides = array<i32>} : memref<256xi32, #tpu.memory_space<vmem>>, vector<16xi32>,
    %add3A_124 = arith.addi %add3A_72, %get3A_123 : vector<16xi32>
    %get3A_125 = arith.constant 64 : index
    %get3A_126 = tpu.vector_load %arg7[%get3A_125] {strides = array<i32>} : memref<256xi32, #tpu.memory_space<vmem>>, vector<16xi32>,
    %add3A_127 = arith.addi %add3A_75, %get3A_126 : vector<16xi32>
    %get3A_128 = arith.constant 80 : index
    %get3A_129 = tpu.vector_load %arg7[%get3A_128] {strides = array<i32>} : memref<256xi32, #tpu.memory_space<vmem>>, vector<16xi32>,
    %add3A_130 = arith.addi %add3A_78, %get3A_129 : vector<16xi32>
    %get3A_131 = arith.constant 96 : index
    %get3A_132 = tpu.vector_load %arg7[%get3A_131] {strides = array<i32>} : memref<256xi32, #tpu.memory_space<vmem>>, vector<16xi32>,
    %add3A_133 = arith.addi %add3A_81, %get3A_132 : vector<16xi32>
    %get3A_134 = arith.constant 112 : index
    %get3A_135 = tpu.vector_load %arg7[%get3A_134] {strides = array<i32>} : memref<256xi32, #tpu.memory_space<vmem>>, vector<16xi32>,
    %add3A_136 = arith.addi %add3A_84, %get3A_135 : vector<16xi32>
    %get3A_137 = arith.constant 128 : index
    %get3A_138 = tpu.vector_load %arg7[%get3A_137] {strides = array<i32>} : memref<256xi32, #tpu.memory_space<vmem>>, vector<16xi32>,
    %add3A_139 = arith.addi %add3A_87, %get3A_138 : vector<16xi32>
    %get3A_140 = arith.constant 144 : index
    %get3A_141 = tpu.vector_load %arg7[%get3A_140] {strides = array<i32>} : memref<256xi32, #tpu.memory_space<vmem>>, vector<16xi32>,
    %add3A_142 = arith.addi %add3A_90, %get3A_141 : vector<16xi32>
    %get3A_143 = arith.constant 160 : index
    %get3A_144 = tpu.vector_load %arg7[%get3A_143] {strides = array<i32>} : memref<256xi32, #tpu.memory_space<vmem>>, vector<16xi32>,
    %add3A_145 = arith.addi %add3A_93, %get3A_144 : vector<16xi32>
    %get3A_146 = arith.constant 176 : index
    %get3A_147 = tpu.vector_load %arg7[%get3A_146] {strides = array<i32>} : memref<256xi32, #tpu.memory_space<vmem>>, vector<16xi32>,
    %add3A_148 = arith.addi %add3A_96, %get3A_147 : vector<16xi32>
    %get3A_149 = arith.constant 192 : index
    %get3A_150 = tpu.vector_load %arg7[%get3A_149] {strides = array<i32>} : memref<256xi32, #tpu.memory_space<vmem>>, vector<16xi32>,
    %add3A_151 = arith.addi %add3A_99, %get3A_150 : vector<16xi32>
    %get3A_152 = arith.constant 208 : index
    %get3A_153 = tpu.vector_load %arg7[%get3A_152] {strides = array<i32>} : memref<256xi32, #tpu.memory_space<vmem>>, vector<16xi32>,
    %add3A_154 = arith.addi %add3A_102, %get3A_153 : vector<16xi32>
    %get3A_155 = arith.constant 224 : index
    %get3A_156 = tpu.vector_load %arg7[%get3A_155] {strides = array<i32>} : memref<256xi32, #tpu.memory_space<vmem>>, vector<16xi32>,
    %add3A_157 = arith.addi %add3A_105, %get3A_156 : vector<16xi32>
    %get3A_158 = arith.constant 240 : index
    %get3A_159 = tpu.vector_load %arg7[%get3A_158] {strides = array<i32>} : memref<256xi32, #tpu.memory_space<vmem>>, vector<16xi32>,
    %add3A_160 = arith.addi %add3A_108, %get3A_159 : vector<16xi32>
    %mul3A_161 = arith.constant 4 : i32
    %mul3A_162 = arith.muli %select_n3A, %mul3A_161 : i32
    %add3A_163 = arith.constant 2 : i32
    %add3A_164 = arith.addi %mul3A_162, %add3A_163 : i32
    "tpu.region"() ({
      %run_scoped3A = tpu.sem_alloc : memref<!tpu.dma_semaphore, #tpu.memory_space<semaphore_mem>>
      %dma_start3A = arith.constant 0 : i32
      %dma_start3A_1156 = tpu.memref_slice %arg10[%add3A_164, %dma_start3A] : memref<16x256xi32, #tpu.memory_space<vmem_shared>> -> memref<1x256xi32, #tpu.memory_space<vmem_shared>>
      %dma_start3A_1157 = tpu.memref_squeeze %dma_start3A_1156 : memref<1x256xi32, #tpu.memory_space<vmem_shared>> -> memref<256xi32, #tpu.memory_space<vmem_shared>>
      %dma_start3A_1158 = arith.constant 0 : i32
      %dma_start3A_1159 = tpu.memref_slice %arg10[%add3A_164, %dma_start3A_1158] : memref<16x256xi32, #tpu.memory_space<vmem_shared>> -> memref<1x256xi32, #tpu.memory_space<vmem_shared>>
      %dma_start3A_1160 = tpu.memref_squeeze %dma_start3A_1159 : memref<1x256xi32, #tpu.memory_space<vmem_shared>> -> memref<256xi32, #tpu.memory_space<vmem_shared>>
      tpu.enqueue_dma source(%dma_start3A_1160 : memref<256xi32, #tpu.memory_space<vmem_shared>>) target(%arg7 : memref<256xi32, #tpu.memory_space<vmem>>) target_semaphore(%run_scoped3A : memref<!tpu.dma_semaphore, #tpu.memory_space<semaphore_mem>>)
      %dma_wait3A = arith.constant 0 : i32
      %dma_wait3A_1161 = tpu.memref_slice %arg10[%add3A_164, %dma_wait3A] : memref<16x256xi32, #tpu.memory_space<vmem_shared>> -> memref<1x256xi32, #tpu.memory_space<vmem_shared>>
      %dma_wait3A_1162 = tpu.memref_squeeze %dma_wait3A_1161 : memref<1x256xi32, #tpu.memory_space<vmem_shared>> -> memref<256xi32, #tpu.memory_space<vmem_shared>>
      %dma_wait3A_1163 = arith.constant 0 : i32
      %dma_wait3A_1164 = tpu.memref_slice %arg10[%add3A_164, %dma_wait3A_1163] : memref<16x256xi32, #tpu.memory_space<vmem_shared>> -> memref<1x256xi32, #tpu.memory_space<vmem_shared>>
      %dma_wait3A_1165 = tpu.memref_squeeze %dma_wait3A_1164 : memref<1x256xi32, #tpu.memory_space<vmem_shared>> -> memref<256xi32, #tpu.memory_space<vmem_shared>>
      tpu.wait_dma2 semaphore(%run_scoped3A : memref<!tpu.dma_semaphore, #tpu.memory_space<semaphore_mem>>) src(%dma_wait3A_1165 : memref<256xi32, #tpu.memory_space<vmem_shared>>) dst(%arg7 : memref<256xi32, #tpu.memory_space<vmem>>)
      tpu.yield
    }) : () -> ()
    %get3A_165 = arith.constant 0 : index
    %get3A_166 = tpu.vector_load %arg7[%get3A_165] {strides = array<i32>} : memref<256xi32, #tpu.memory_space<vmem>>, vector<16xi32>,
    %add3A_167 = arith.addi %add3A_115, %get3A_166 : vector<16xi32>
    %get3A_168 = arith.constant 16 : index
    %get3A_169 = tpu.vector_load %arg7[%get3A_168] {strides = array<i32>} : memref<256xi32, #tpu.memory_space<vmem>>, vector<16xi32>,
    %add3A_170 = arith.addi %add3A_118, %get3A_169 : vector<16xi32>
    %get3A_171 = arith.constant 32 : index
    %get3A_172 = tpu.vector_load %arg7[%get3A_171] {strides = array<i32>} : memref<256xi32, #tpu.memory_space<vmem>>, vector<16xi32>,
    %add3A_173 = arith.addi %add3A_121, %get3A_172 : vector<16xi32>
    %get3A_174 = arith.constant 48 : index
    %get3A_175 = tpu.vector_load %arg7[%get3A_174] {strides = array<i32>} : memref<256xi32, #tpu.memory_space<vmem>>, vector<16xi32>,
    %add3A_176 = arith.addi %add3A_124, %get3A_175 : vector<16xi32>
    %get3A_177 = arith.constant 64 : index
    %get3A_178 = tpu.vector_load %arg7[%get3A_177] {strides = array<i32>} : memref<256xi32, #tpu.memory_space<vmem>>, vector<16xi32>,
    %add3A_179 = arith.addi %add3A_127, %get3A_178 : vector<16xi32>
    %get3A_180 = arith.constant 80 : index
    %get3A_181 = tpu.vector_load %arg7[%get3A_180] {strides = array<i32>} : memref<256xi32, #tpu.memory_space<vmem>>, vector<16xi32>,
    %add3A_182 = arith.addi %add3A_130, %get3A_181 : vector<16xi32>
    %get3A_183 = arith.constant 96 : index
    %get3A_184 = tpu.vector_load %arg7[%get3A_183] {strides = array<i32>} : memref<256xi32, #tpu.memory_space<vmem>>, vector<16xi32>,
    %add3A_185 = arith.addi %add3A_133, %get3A_184 : vector<16xi32>
    %get3A_186 = arith.constant 112 : index
    %get3A_187 = tpu.vector_load %arg7[%get3A_186] {strides = array<i32>} : memref<256xi32, #tpu.memory_space<vmem>>, vector<16xi32>,
    %add3A_188 = arith.addi %add3A_136, %get3A_187 : vector<16xi32>
    %get3A_189 = arith.constant 128 : index
    %get3A_190 = tpu.vector_load %arg7[%get3A_189] {strides = array<i32>} : memref<256xi32, #tpu.memory_space<vmem>>, vector<16xi32>,
    %add3A_191 = arith.addi %add3A_139, %get3A_190 : vector<16xi32>
    %get3A_192 = arith.constant 144 : index
    %get3A_193 = tpu.vector_load %arg7[%get3A_192] {strides = array<i32>} : memref<256xi32, #tpu.memory_space<vmem>>, vector<16xi32>,
    %add3A_194 = arith.addi %add3A_142, %get3A_193 : vector<16xi32>
    %get3A_195 = arith.constant 160 : index
    %get3A_196 = tpu.vector_load %arg7[%get3A_195] {strides = array<i32>} : memref<256xi32, #tpu.memory_space<vmem>>, vector<16xi32>,
    %add3A_197 = arith.addi %add3A_145, %get3A_196 : vector<16xi32>
    %get3A_198 = arith.constant 176 : index
    %get3A_199 = tpu.vector_load %arg7[%get3A_198] {strides = array<i32>} : memref<256xi32, #tpu.memory_space<vmem>>, vector<16xi32>,
    %add3A_200 = arith.addi %add3A_148, %get3A_199 : vector<16xi32>
    %get3A_201 = arith.constant 192 : index
    %get3A_202 = tpu.vector_load %arg7[%get3A_201] {strides = array<i32>} : memref<256xi32, #tpu.memory_space<vmem>>, vector<16xi32>,
    %add3A_203 = arith.addi %add3A_151, %get3A_202 : vector<16xi32>
    %get3A_204 = arith.constant 208 : index
    %get3A_205 = tpu.vector_load %arg7[%get3A_204] {strides = array<i32>} : memref<256xi32, #tpu.memory_space<vmem>>, vector<16xi32>,
    %add3A_206 = arith.addi %add3A_154, %get3A_205 : vector<16xi32>
    %get3A_207 = arith.constant 224 : index
    %get3A_208 = tpu.vector_load %arg7[%get3A_207] {strides = array<i32>} : memref<256xi32, #tpu.memory_space<vmem>>, vector<16xi32>,
    %add3A_209 = arith.addi %add3A_157, %get3A_208 : vector<16xi32>
    %get3A_210 = arith.constant 240 : index
    %get3A_211 = tpu.vector_load %arg7[%get3A_210] {strides = array<i32>} : memref<256xi32, #tpu.memory_space<vmem>>, vector<16xi32>,
    %add3A_212 = arith.addi %add3A_160, %get3A_211 : vector<16xi32>
    %mul3A_213 = arith.constant 4 : i32
    %mul3A_214 = arith.muli %select_n3A, %mul3A_213 : i32
    %add3A_215 = arith.constant 3 : i32
    %add3A_216 = arith.addi %mul3A_214, %add3A_215 : i32
    "tpu.region"() ({
      %run_scoped3A = tpu.sem_alloc : memref<!tpu.dma_semaphore, #tpu.memory_space<semaphore_mem>>
      %dma_start3A = arith.constant 0 : i32
      %dma_start3A_1156 = tpu.memref_slice %arg10[%add3A_216, %dma_start3A] : memref<16x256xi32, #tpu.memory_space<vmem_shared>> -> memref<1x256xi32, #tpu.memory_space<vmem_shared>>
      %dma_start3A_1157 = tpu.memref_squeeze %dma_start3A_1156 : memref<1x256xi32, #tpu.memory_space<vmem_shared>> -> memref<256xi32, #tpu.memory_space<vmem_shared>>
      %dma_start3A_1158 = arith.constant 0 : i32
      %dma_start3A_1159 = tpu.memref_slice %arg10[%add3A_216, %dma_start3A_1158] : memref<16x256xi32, #tpu.memory_space<vmem_shared>> -> memref<1x256xi32, #tpu.memory_space<vmem_shared>>
      %dma_start3A_1160 = tpu.memref_squeeze %dma_start3A_1159 : memref<1x256xi32, #tpu.memory_space<vmem_shared>> -> memref<256xi32, #tpu.memory_space<vmem_shared>>
      tpu.enqueue_dma source(%dma_start3A_1160 : memref<256xi32, #tpu.memory_space<vmem_shared>>) target(%arg7 : memref<256xi32, #tpu.memory_space<vmem>>) target_semaphore(%run_scoped3A : memref<!tpu.dma_semaphore, #tpu.memory_space<semaphore_mem>>)
      %dma_wait3A = arith.constant 0 : i32
      %dma_wait3A_1161 = tpu.memref_slice %arg10[%add3A_216, %dma_wait3A] : memref<16x256xi32, #tpu.memory_space<vmem_shared>> -> memref<1x256xi32, #tpu.memory_space<vmem_shared>>
      %dma_wait3A_1162 = tpu.memref_squeeze %dma_wait3A_1161 : memref<1x256xi32, #tpu.memory_space<vmem_shared>> -> memref<256xi32, #tpu.memory_space<vmem_shared>>
      %dma_wait3A_1163 = arith.constant 0 : i32
      %dma_wait3A_1164 = tpu.memref_slice %arg10[%add3A_216, %dma_wait3A_1163] : memref<16x256xi32, #tpu.memory_space<vmem_shared>> -> memref<1x256xi32, #tpu.memory_space<vmem_shared>>
      %dma_wait3A_1165 = tpu.memref_squeeze %dma_wait3A_1164 : memref<1x256xi32, #tpu.memory_space<vmem_shared>> -> memref<256xi32, #tpu.memory_space<vmem_shared>>
      tpu.wait_dma2 semaphore(%run_scoped3A : memref<!tpu.dma_semaphore, #tpu.memory_space<semaphore_mem>>) src(%dma_wait3A_1165 : memref<256xi32, #tpu.memory_space<vmem_shared>>) dst(%arg7 : memref<256xi32, #tpu.memory_space<vmem>>)
      tpu.yield
    }) : () -> ()
    %get3A_217 = arith.constant 0 : index
    %get3A_218 = tpu.vector_load %arg7[%get3A_217] {strides = array<i32>} : memref<256xi32, #tpu.memory_space<vmem>>, vector<16xi32>,
    %add3A_219 = arith.addi %add3A_167, %get3A_218 : vector<16xi32>
    %get3A_220 = arith.constant 16 : index
    %get3A_221 = tpu.vector_load %arg7[%get3A_220] {strides = array<i32>} : memref<256xi32, #tpu.memory_space<vmem>>, vector<16xi32>,
    %add3A_222 = arith.addi %add3A_170, %get3A_221 : vector<16xi32>
    %get3A_223 = arith.constant 32 : index
    %get3A_224 = tpu.vector_load %arg7[%get3A_223] {strides = array<i32>} : memref<256xi32, #tpu.memory_space<vmem>>, vector<16xi32>,
    %add3A_225 = arith.addi %add3A_173, %get3A_224 : vector<16xi32>
    %get3A_226 = arith.constant 48 : index
    %get3A_227 = tpu.vector_load %arg7[%get3A_226] {strides = array<i32>} : memref<256xi32, #tpu.memory_space<vmem>>, vector<16xi32>,
    %add3A_228 = arith.addi %add3A_176, %get3A_227 : vector<16xi32>
    %get3A_229 = arith.constant 64 : index
    %get3A_230 = tpu.vector_load %arg7[%get3A_229] {strides = array<i32>} : memref<256xi32, #tpu.memory_space<vmem>>, vector<16xi32>,
    %add3A_231 = arith.addi %add3A_179, %get3A_230 : vector<16xi32>
    %get3A_232 = arith.constant 80 : index
    %get3A_233 = tpu.vector_load %arg7[%get3A_232] {strides = array<i32>} : memref<256xi32, #tpu.memory_space<vmem>>, vector<16xi32>,
    %add3A_234 = arith.addi %add3A_182, %get3A_233 : vector<16xi32>
    %get3A_235 = arith.constant 96 : index
    %get3A_236 = tpu.vector_load %arg7[%get3A_235] {strides = array<i32>} : memref<256xi32, #tpu.memory_space<vmem>>, vector<16xi32>,
    %add3A_237 = arith.addi %add3A_185, %get3A_236 : vector<16xi32>
    %get3A_238 = arith.constant 112 : index
    %get3A_239 = tpu.vector_load %arg7[%get3A_238] {strides = array<i32>} : memref<256xi32, #tpu.memory_space<vmem>>, vector<16xi32>,
    %add3A_240 = arith.addi %add3A_188, %get3A_239 : vector<16xi32>
    %get3A_241 = arith.constant 128 : index
    %get3A_242 = tpu.vector_load %arg7[%get3A_241] {strides = array<i32>} : memref<256xi32, #tpu.memory_space<vmem>>, vector<16xi32>,
    %add3A_243 = arith.addi %add3A_191, %get3A_242 : vector<16xi32>
    %get3A_244 = arith.constant 144 : index
    %get3A_245 = tpu.vector_load %arg7[%get3A_244] {strides = array<i32>} : memref<256xi32, #tpu.memory_space<vmem>>, vector<16xi32>,
    %add3A_246 = arith.addi %add3A_194, %get3A_245 : vector<16xi32>
    %get3A_247 = arith.constant 160 : index
    %get3A_248 = tpu.vector_load %arg7[%get3A_247] {strides = array<i32>} : memref<256xi32, #tpu.memory_space<vmem>>, vector<16xi32>,
    %add3A_249 = arith.addi %add3A_197, %get3A_248 : vector<16xi32>
    %get3A_250 = arith.constant 176 : index
    %get3A_251 = tpu.vector_load %arg7[%get3A_250] {strides = array<i32>} : memref<256xi32, #tpu.memory_space<vmem>>, vector<16xi32>,
    %add3A_252 = arith.addi %add3A_200, %get3A_251 : vector<16xi32>
    %get3A_253 = arith.constant 192 : index
    %get3A_254 = tpu.vector_load %arg7[%get3A_253] {strides = array<i32>} : memref<256xi32, #tpu.memory_space<vmem>>, vector<16xi32>,
    %add3A_255 = arith.addi %add3A_203, %get3A_254 : vector<16xi32>
    %get3A_256 = arith.constant 208 : index
    %get3A_257 = tpu.vector_load %arg7[%get3A_256] {strides = array<i32>} : memref<256xi32, #tpu.memory_space<vmem>>, vector<16xi32>,
    %add3A_258 = arith.addi %add3A_206, %get3A_257 : vector<16xi32>
    %get3A_259 = arith.constant 224 : index
    %get3A_260 = tpu.vector_load %arg7[%get3A_259] {strides = array<i32>} : memref<256xi32, #tpu.memory_space<vmem>>, vector<16xi32>,
    %add3A_261 = arith.addi %add3A_209, %get3A_260 : vector<16xi32>
    %get3A_262 = arith.constant 240 : index
    %get3A_263 = tpu.vector_load %arg7[%get3A_262] {strides = array<i32>} : memref<256xi32, #tpu.memory_space<vmem>>, vector<16xi32>,
    %add3A_264 = arith.addi %add3A_212, %get3A_263 : vector<16xi32>
    %swap3A = arith.constant 0 : index
    %swap3A_265 = tpu.vector_load %arg6[%swap3A] {strides = array<i32>} : memref<256xi32, #tpu.memory_space<vmem>>, vector<16xi32>,
    tpu.vector_store %arg6[%swap3A], %add3A_219 {strides = array<i32>} : memref<256xi32, #tpu.memory_space<vmem>>, vector<16xi32>,
    %swap3A_266 = arith.constant 16 : index
    %swap3A_267 = tpu.vector_load %arg6[%swap3A_266] {strides = array<i32>} : memref<256xi32, #tpu.memory_space<vmem>>, vector<16xi32>,
    tpu.vector_store %arg6[%swap3A_266], %add3A_222 {strides = array<i32>} : memref<256xi32, #tpu.memory_space<vmem>>, vector<16xi32>,
    %swap3A_268 = arith.constant 32 : index
    %swap3A_269 = tpu.vector_load %arg6[%swap3A_268] {strides = array<i32>} : memref<256xi32, #tpu.memory_space<vmem>>, vector<16xi32>,
    tpu.vector_store %arg6[%swap3A_268], %add3A_225 {strides = array<i32>} : memref<256xi32, #tpu.memory_space<vmem>>, vector<16xi32>,
    %swap3A_270 = arith.constant 48 : index
    %swap3A_271 = tpu.vector_load %arg6[%swap3A_270] {strides = array<i32>} : memref<256xi32, #tpu.memory_space<vmem>>, vector<16xi32>,
    tpu.vector_store %arg6[%swap3A_270], %add3A_228 {strides = array<i32>} : memref<256xi32, #tpu.memory_space<vmem>>, vector<16xi32>,
    %swap3A_272 = arith.constant 64 : index
    %swap3A_273 = tpu.vector_load %arg6[%swap3A_272] {strides = array<i32>} : memref<256xi32, #tpu.memory_space<vmem>>, vector<16xi32>,
    tpu.vector_store %arg6[%swap3A_272], %add3A_231 {strides = array<i32>} : memref<256xi32, #tpu.memory_space<vmem>>, vector<16xi32>,
    %swap3A_274 = arith.constant 80 : index
    %swap3A_275 = tpu.vector_load %arg6[%swap3A_274] {strides = array<i32>} : memref<256xi32, #tpu.memory_space<vmem>>, vector<16xi32>,
    tpu.vector_store %arg6[%swap3A_274], %add3A_234 {strides = array<i32>} : memref<256xi32, #tpu.memory_space<vmem>>, vector<16xi32>,
    %swap3A_276 = arith.constant 96 : index
    %swap3A_277 = tpu.vector_load %arg6[%swap3A_276] {strides = array<i32>} : memref<256xi32, #tpu.memory_space<vmem>>, vector<16xi32>,
    tpu.vector_store %arg6[%swap3A_276], %add3A_237 {strides = array<i32>} : memref<256xi32, #tpu.memory_space<vmem>>, vector<16xi32>,
    %swap3A_278 = arith.constant 112 : index
    %swap3A_279 = tpu.vector_load %arg6[%swap3A_278] {strides = array<i32>} : memref<256xi32, #tpu.memory_space<vmem>>, vector<16xi32>,
    tpu.vector_store %arg6[%swap3A_278], %add3A_240 {strides = array<i32>} : memref<256xi32, #tpu.memory_space<vmem>>, vector<16xi32>,
    %swap3A_280 = arith.constant 128 : index
    %swap3A_281 = tpu.vector_load %arg6[%swap3A_280] {strides = array<i32>} : memref<256xi32, #tpu.memory_space<vmem>>, vector<16xi32>,
    tpu.vector_store %arg6[%swap3A_280], %add3A_243 {strides = array<i32>} : memref<256xi32, #tpu.memory_space<vmem>>, vector<16xi32>,
    %swap3A_282 = arith.constant 144 : index
    %swap3A_283 = tpu.vector_load %arg6[%swap3A_282] {strides = array<i32>} : memref<256xi32, #tpu.memory_space<vmem>>, vector<16xi32>,
    tpu.vector_store %arg6[%swap3A_282], %add3A_246 {strides = array<i32>} : memref<256xi32, #tpu.memory_space<vmem>>, vector<16xi32>,
    %swap3A_284 = arith.constant 160 : index
    %swap3A_285 = tpu.vector_load %arg6[%swap3A_284] {strides = array<i32>} : memref<256xi32, #tpu.memory_space<vmem>>, vector<16xi32>,
    tpu.vector_store %arg6[%swap3A_284], %add3A_249 {strides = array<i32>} : memref<256xi32, #tpu.memory_space<vmem>>, vector<16xi32>,
    %swap3A_286 = arith.constant 176 : index
    %swap3A_287 = tpu.vector_load %arg6[%swap3A_286] {strides = array<i32>} : memref<256xi32, #tpu.memory_space<vmem>>, vector<16xi32>,
    tpu.vector_store %arg6[%swap3A_286], %add3A_252 {strides = array<i32>} : memref<256xi32, #tpu.memory_space<vmem>>, vector<16xi32>,
    %swap3A_288 = arith.constant 192 : index
    %swap3A_289 = tpu.vector_load %arg6[%swap3A_288] {strides = array<i32>} : memref<256xi32, #tpu.memory_space<vmem>>, vector<16xi32>,
    tpu.vector_store %arg6[%swap3A_288], %add3A_255 {strides = array<i32>} : memref<256xi32, #tpu.memory_space<vmem>>, vector<16xi32>,
    %swap3A_290 = arith.constant 208 : index
    %swap3A_291 = tpu.vector_load %arg6[%swap3A_290] {strides = array<i32>} : memref<256xi32, #tpu.memory_space<vmem>>, vector<16xi32>,
    tpu.vector_store %arg6[%swap3A_290], %add3A_258 {strides = array<i32>} : memref<256xi32, #tpu.memory_space<vmem>>, vector<16xi32>,
    %swap3A_292 = arith.constant 224 : index
    %swap3A_293 = tpu.vector_load %arg6[%swap3A_292] {strides = array<i32>} : memref<256xi32, #tpu.memory_space<vmem>>, vector<16xi32>,
    tpu.vector_store %arg6[%swap3A_292], %add3A_261 {strides = array<i32>} : memref<256xi32, #tpu.memory_space<vmem>>, vector<16xi32>,
    %swap3A_294 = arith.constant 240 : index
    %swap3A_295 = tpu.vector_load %arg6[%swap3A_294] {strides = array<i32>} : memref<256xi32, #tpu.memory_space<vmem>>, vector<16xi32>,
    tpu.vector_store %arg6[%swap3A_294], %add3A_264 {strides = array<i32>} : memref<256xi32, #tpu.memory_space<vmem>>, vector<16xi32>,
    %broadcast_in_dim3A_296 = arith.constant 0 : i32
    %broadcast_in_dim3A_297 = vector.broadcast %broadcast_in_dim3A_296 : i32 to vector<16xi32>
    %get3A_298 = arith.constant 0 : index
    %get3A_299 = tpu.vector_load %arg6[%get3A_298] {strides = array<i32>} : memref<256xi32, #tpu.memory_space<vmem>>, vector<16xi32>,
    %reduce_sum3A = arith.constant true
    %reduce_sum3A_300 = vector.broadcast %reduce_sum3A : i1 to vector<16xi1>
    %reduce_sum3A_301 = tpu.scan <sum>, %get3A_299 masked %reduce_sum3A_300 : vector<16xi32>, vector<16xi1> -> vector<16xi32>
    %reduce_sum3A_302 = vector.extract %reduce_sum3A_301[15] : i32 from vector<16xi32>
    %eq3A_303 = arith.constant 0 : i32
    %eq3A_304 = vector.broadcast %eq3A_303 : i32 to vector<16xi32>
    %eq3A_305 = arith.cmpi eq, %iota3A, %eq3A_304 : vector<16xi32>
    %broadcast_in_dim3A_306 = vector.broadcast %reduce_sum3A_302 : i32 to vector<16xi32>
    %select_n3A_307 = arith.select %eq3A_305, %broadcast_in_dim3A_306, %broadcast_in_dim3A_297 : vector<16xi1>, vector<16xi32>
    %get3A_308 = arith.constant 16 : index
    %get3A_309 = tpu.vector_load %arg6[%get3A_308] {strides = array<i32>} : memref<256xi32, #tpu.memory_space<vmem>>, vector<16xi32>,
    %reduce_sum3A_310 = arith.constant true
    %reduce_sum3A_311 = vector.broadcast %reduce_sum3A_310 : i1 to vector<16xi1>
    %reduce_sum3A_312 = tpu.scan <sum>, %get3A_309 masked %reduce_sum3A_311 : vector<16xi32>, vector<16xi1> -> vector<16xi32>
    %reduce_sum3A_313 = vector.extract %reduce_sum3A_312[15] : i32 from vector<16xi32>
    %eq3A_314 = arith.constant 1 : i32
    %eq3A_315 = vector.broadcast %eq3A_314 : i32 to vector<16xi32>
    %eq3A_316 = arith.cmpi eq, %iota3A, %eq3A_315 : vector<16xi32>
    %broadcast_in_dim3A_317 = vector.broadcast %reduce_sum3A_313 : i32 to vector<16xi32>
    %select_n3A_318 = arith.select %eq3A_316, %broadcast_in_dim3A_317, %select_n3A_307 : vector<16xi1>, vector<16xi32>
    %get3A_319 = arith.constant 32 : index
    %get3A_320 = tpu.vector_load %arg6[%get3A_319] {strides = array<i32>} : memref<256xi32, #tpu.memory_space<vmem>>, vector<16xi32>,
    %reduce_sum3A_321 = arith.constant true
    %reduce_sum3A_322 = vector.broadcast %reduce_sum3A_321 : i1 to vector<16xi1>
    %reduce_sum3A_323 = tpu.scan <sum>, %get3A_320 masked %reduce_sum3A_322 : vector<16xi32>, vector<16xi1> -> vector<16xi32>
    %reduce_sum3A_324 = vector.extract %reduce_sum3A_323[15] : i32 from vector<16xi32>
    %eq3A_325 = arith.constant 2 : i32
    %eq3A_326 = vector.broadcast %eq3A_325 : i32 to vector<16xi32>
    %eq3A_327 = arith.cmpi eq, %iota3A, %eq3A_326 : vector<16xi32>
    %broadcast_in_dim3A_328 = vector.broadcast %reduce_sum3A_324 : i32 to vector<16xi32>
    %select_n3A_329 = arith.select %eq3A_327, %broadcast_in_dim3A_328, %select_n3A_318 : vector<16xi1>, vector<16xi32>
    %get3A_330 = arith.constant 48 : index
    %get3A_331 = tpu.vector_load %arg6[%get3A_330] {strides = array<i32>} : memref<256xi32, #tpu.memory_space<vmem>>, vector<16xi32>,
    %reduce_sum3A_332 = arith.constant true
    %reduce_sum3A_333 = vector.broadcast %reduce_sum3A_332 : i1 to vector<16xi1>
    %reduce_sum3A_334 = tpu.scan <sum>, %get3A_331 masked %reduce_sum3A_333 : vector<16xi32>, vector<16xi1> -> vector<16xi32>
    %reduce_sum3A_335 = vector.extract %reduce_sum3A_334[15] : i32 from vector<16xi32>
    %eq3A_336 = arith.constant 3 : i32
    %eq3A_337 = vector.broadcast %eq3A_336 : i32 to vector<16xi32>
    %eq3A_338 = arith.cmpi eq, %iota3A, %eq3A_337 : vector<16xi32>
    %broadcast_in_dim3A_339 = vector.broadcast %reduce_sum3A_335 : i32 to vector<16xi32>
    %select_n3A_340 = arith.select %eq3A_338, %broadcast_in_dim3A_339, %select_n3A_329 : vector<16xi1>, vector<16xi32>
    %get3A_341 = arith.constant 64 : index
    %get3A_342 = tpu.vector_load %arg6[%get3A_341] {strides = array<i32>} : memref<256xi32, #tpu.memory_space<vmem>>, vector<16xi32>,
    %reduce_sum3A_343 = arith.constant true
    %reduce_sum3A_344 = vector.broadcast %reduce_sum3A_343 : i1 to vector<16xi1>
    %reduce_sum3A_345 = tpu.scan <sum>, %get3A_342 masked %reduce_sum3A_344 : vector<16xi32>, vector<16xi1> -> vector<16xi32>
    %reduce_sum3A_346 = vector.extract %reduce_sum3A_345[15] : i32 from vector<16xi32>
    %eq3A_347 = arith.constant 4 : i32
    %eq3A_348 = vector.broadcast %eq3A_347 : i32 to vector<16xi32>
    %eq3A_349 = arith.cmpi eq, %iota3A, %eq3A_348 : vector<16xi32>
    %broadcast_in_dim3A_350 = vector.broadcast %reduce_sum3A_346 : i32 to vector<16xi32>
    %select_n3A_351 = arith.select %eq3A_349, %broadcast_in_dim3A_350, %select_n3A_340 : vector<16xi1>, vector<16xi32>
    %get3A_352 = arith.constant 80 : index
    %get3A_353 = tpu.vector_load %arg6[%get3A_352] {strides = array<i32>} : memref<256xi32, #tpu.memory_space<vmem>>, vector<16xi32>,
    %reduce_sum3A_354 = arith.constant true
    %reduce_sum3A_355 = vector.broadcast %reduce_sum3A_354 : i1 to vector<16xi1>
    %reduce_sum3A_356 = tpu.scan <sum>, %get3A_353 masked %reduce_sum3A_355 : vector<16xi32>, vector<16xi1> -> vector<16xi32>
    %reduce_sum3A_357 = vector.extract %reduce_sum3A_356[15] : i32 from vector<16xi32>
    %eq3A_358 = arith.constant 5 : i32
    %eq3A_359 = vector.broadcast %eq3A_358 : i32 to vector<16xi32>
    %eq3A_360 = arith.cmpi eq, %iota3A, %eq3A_359 : vector<16xi32>
    %broadcast_in_dim3A_361 = vector.broadcast %reduce_sum3A_357 : i32 to vector<16xi32>
    %select_n3A_362 = arith.select %eq3A_360, %broadcast_in_dim3A_361, %select_n3A_351 : vector<16xi1>, vector<16xi32>
    %get3A_363 = arith.constant 96 : index
    %get3A_364 = tpu.vector_load %arg6[%get3A_363] {strides = array<i32>} : memref<256xi32, #tpu.memory_space<vmem>>, vector<16xi32>,
    %reduce_sum3A_365 = arith.constant true
    %reduce_sum3A_366 = vector.broadcast %reduce_sum3A_365 : i1 to vector<16xi1>
    %reduce_sum3A_367 = tpu.scan <sum>, %get3A_364 masked %reduce_sum3A_366 : vector<16xi32>, vector<16xi1> -> vector<16xi32>
    %reduce_sum3A_368 = vector.extract %reduce_sum3A_367[15] : i32 from vector<16xi32>
    %eq3A_369 = arith.constant 6 : i32
    %eq3A_370 = vector.broadcast %eq3A_369 : i32 to vector<16xi32>
    %eq3A_371 = arith.cmpi eq, %iota3A, %eq3A_370 : vector<16xi32>
    %broadcast_in_dim3A_372 = vector.broadcast %reduce_sum3A_368 : i32 to vector<16xi32>
    %select_n3A_373 = arith.select %eq3A_371, %broadcast_in_dim3A_372, %select_n3A_362 : vector<16xi1>, vector<16xi32>
    %get3A_374 = arith.constant 112 : index
    %get3A_375 = tpu.vector_load %arg6[%get3A_374] {strides = array<i32>} : memref<256xi32, #tpu.memory_space<vmem>>, vector<16xi32>,
    %reduce_sum3A_376 = arith.constant true
    %reduce_sum3A_377 = vector.broadcast %reduce_sum3A_376 : i1 to vector<16xi1>
    %reduce_sum3A_378 = tpu.scan <sum>, %get3A_375 masked %reduce_sum3A_377 : vector<16xi32>, vector<16xi1> -> vector<16xi32>
    %reduce_sum3A_379 = vector.extract %reduce_sum3A_378[15] : i32 from vector<16xi32>
    %eq3A_380 = arith.constant 7 : i32
    %eq3A_381 = vector.broadcast %eq3A_380 : i32 to vector<16xi32>
    %eq3A_382 = arith.cmpi eq, %iota3A, %eq3A_381 : vector<16xi32>
    %broadcast_in_dim3A_383 = vector.broadcast %reduce_sum3A_379 : i32 to vector<16xi32>
    %select_n3A_384 = arith.select %eq3A_382, %broadcast_in_dim3A_383, %select_n3A_373 : vector<16xi1>, vector<16xi32>
    %get3A_385 = arith.constant 128 : index
    %get3A_386 = tpu.vector_load %arg6[%get3A_385] {strides = array<i32>} : memref<256xi32, #tpu.memory_space<vmem>>, vector<16xi32>,
    %reduce_sum3A_387 = arith.constant true
    %reduce_sum3A_388 = vector.broadcast %reduce_sum3A_387 : i1 to vector<16xi1>
    %reduce_sum3A_389 = tpu.scan <sum>, %get3A_386 masked %reduce_sum3A_388 : vector<16xi32>, vector<16xi1> -> vector<16xi32>
    %reduce_sum3A_390 = vector.extract %reduce_sum3A_389[15] : i32 from vector<16xi32>
    %eq3A_391 = arith.constant 8 : i32
    %eq3A_392 = vector.broadcast %eq3A_391 : i32 to vector<16xi32>
    %eq3A_393 = arith.cmpi eq, %iota3A, %eq3A_392 : vector<16xi32>
    %broadcast_in_dim3A_394 = vector.broadcast %reduce_sum3A_390 : i32 to vector<16xi32>
    %select_n3A_395 = arith.select %eq3A_393, %broadcast_in_dim3A_394, %select_n3A_384 : vector<16xi1>, vector<16xi32>
    %get3A_396 = arith.constant 144 : index
    %get3A_397 = tpu.vector_load %arg6[%get3A_396] {strides = array<i32>} : memref<256xi32, #tpu.memory_space<vmem>>, vector<16xi32>,
    %reduce_sum3A_398 = arith.constant true
    %reduce_sum3A_399 = vector.broadcast %reduce_sum3A_398 : i1 to vector<16xi1>
    %reduce_sum3A_400 = tpu.scan <sum>, %get3A_397 masked %reduce_sum3A_399 : vector<16xi32>, vector<16xi1> -> vector<16xi32>
    %reduce_sum3A_401 = vector.extract %reduce_sum3A_400[15] : i32 from vector<16xi32>
    %eq3A_402 = arith.constant 9 : i32
    %eq3A_403 = vector.broadcast %eq3A_402 : i32 to vector<16xi32>
    %eq3A_404 = arith.cmpi eq, %iota3A, %eq3A_403 : vector<16xi32>
    %broadcast_in_dim3A_405 = vector.broadcast %reduce_sum3A_401 : i32 to vector<16xi32>
    %select_n3A_406 = arith.select %eq3A_404, %broadcast_in_dim3A_405, %select_n3A_395 : vector<16xi1>, vector<16xi32>
    %get3A_407 = arith.constant 160 : index
    %get3A_408 = tpu.vector_load %arg6[%get3A_407] {strides = array<i32>} : memref<256xi32, #tpu.memory_space<vmem>>, vector<16xi32>,
    %reduce_sum3A_409 = arith.constant true
    %reduce_sum3A_410 = vector.broadcast %reduce_sum3A_409 : i1 to vector<16xi1>
    %reduce_sum3A_411 = tpu.scan <sum>, %get3A_408 masked %reduce_sum3A_410 : vector<16xi32>, vector<16xi1> -> vector<16xi32>
    %reduce_sum3A_412 = vector.extract %reduce_sum3A_411[15] : i32 from vector<16xi32>
    %eq3A_413 = arith.constant 10 : i32
    %eq3A_414 = vector.broadcast %eq3A_413 : i32 to vector<16xi32>
    %eq3A_415 = arith.cmpi eq, %iota3A, %eq3A_414 : vector<16xi32>
    %broadcast_in_dim3A_416 = vector.broadcast %reduce_sum3A_412 : i32 to vector<16xi32>
    %select_n3A_417 = arith.select %eq3A_415, %broadcast_in_dim3A_416, %select_n3A_406 : vector<16xi1>, vector<16xi32>
    %get3A_418 = arith.constant 176 : index
    %get3A_419 = tpu.vector_load %arg6[%get3A_418] {strides = array<i32>} : memref<256xi32, #tpu.memory_space<vmem>>, vector<16xi32>,
    %reduce_sum3A_420 = arith.constant true
    %reduce_sum3A_421 = vector.broadcast %reduce_sum3A_420 : i1 to vector<16xi1>
    %reduce_sum3A_422 = tpu.scan <sum>, %get3A_419 masked %reduce_sum3A_421 : vector<16xi32>, vector<16xi1> -> vector<16xi32>
    %reduce_sum3A_423 = vector.extract %reduce_sum3A_422[15] : i32 from vector<16xi32>
    %eq3A_424 = arith.constant 11 : i32
    %eq3A_425 = vector.broadcast %eq3A_424 : i32 to vector<16xi32>
    %eq3A_426 = arith.cmpi eq, %iota3A, %eq3A_425 : vector<16xi32>
    %broadcast_in_dim3A_427 = vector.broadcast %reduce_sum3A_423 : i32 to vector<16xi32>
    %select_n3A_428 = arith.select %eq3A_426, %broadcast_in_dim3A_427, %select_n3A_417 : vector<16xi1>, vector<16xi32>
    %get3A_429 = arith.constant 192 : index
    %get3A_430 = tpu.vector_load %arg6[%get3A_429] {strides = array<i32>} : memref<256xi32, #tpu.memory_space<vmem>>, vector<16xi32>,
    %reduce_sum3A_431 = arith.constant true
    %reduce_sum3A_432 = vector.broadcast %reduce_sum3A_431 : i1 to vector<16xi1>
    %reduce_sum3A_433 = tpu.scan <sum>, %get3A_430 masked %reduce_sum3A_432 : vector<16xi32>, vector<16xi1> -> vector<16xi32>
    %reduce_sum3A_434 = vector.extract %reduce_sum3A_433[15] : i32 from vector<16xi32>
    %eq3A_435 = arith.constant 12 : i32
    %eq3A_436 = vector.broadcast %eq3A_435 : i32 to vector<16xi32>
    %eq3A_437 = arith.cmpi eq, %iota3A, %eq3A_436 : vector<16xi32>
    %broadcast_in_dim3A_438 = vector.broadcast %reduce_sum3A_434 : i32 to vector<16xi32>
    %select_n3A_439 = arith.select %eq3A_437, %broadcast_in_dim3A_438, %select_n3A_428 : vector<16xi1>, vector<16xi32>
    %get3A_440 = arith.constant 208 : index
    %get3A_441 = tpu.vector_load %arg6[%get3A_440] {strides = array<i32>} : memref<256xi32, #tpu.memory_space<vmem>>, vector<16xi32>,
    %reduce_sum3A_442 = arith.constant true
    %reduce_sum3A_443 = vector.broadcast %reduce_sum3A_442 : i1 to vector<16xi1>
    %reduce_sum3A_444 = tpu.scan <sum>, %get3A_441 masked %reduce_sum3A_443 : vector<16xi32>, vector<16xi1> -> vector<16xi32>
    %reduce_sum3A_445 = vector.extract %reduce_sum3A_444[15] : i32 from vector<16xi32>
    %eq3A_446 = arith.constant 13 : i32
    %eq3A_447 = vector.broadcast %eq3A_446 : i32 to vector<16xi32>
    %eq3A_448 = arith.cmpi eq, %iota3A, %eq3A_447 : vector<16xi32>
    %broadcast_in_dim3A_449 = vector.broadcast %reduce_sum3A_445 : i32 to vector<16xi32>
    %select_n3A_450 = arith.select %eq3A_448, %broadcast_in_dim3A_449, %select_n3A_439 : vector<16xi1>, vector<16xi32>
    %get3A_451 = arith.constant 224 : index
    %get3A_452 = tpu.vector_load %arg6[%get3A_451] {strides = array<i32>} : memref<256xi32, #tpu.memory_space<vmem>>, vector<16xi32>,
    %reduce_sum3A_453 = arith.constant true
    %reduce_sum3A_454 = vector.broadcast %reduce_sum3A_453 : i1 to vector<16xi1>
    %reduce_sum3A_455 = tpu.scan <sum>, %get3A_452 masked %reduce_sum3A_454 : vector<16xi32>, vector<16xi1> -> vector<16xi32>
    %reduce_sum3A_456 = vector.extract %reduce_sum3A_455[15] : i32 from vector<16xi32>
    %eq3A_457 = arith.constant 14 : i32
    %eq3A_458 = vector.broadcast %eq3A_457 : i32 to vector<16xi32>
    %eq3A_459 = arith.cmpi eq, %iota3A, %eq3A_458 : vector<16xi32>
    %broadcast_in_dim3A_460 = vector.broadcast %reduce_sum3A_456 : i32 to vector<16xi32>
    %select_n3A_461 = arith.select %eq3A_459, %broadcast_in_dim3A_460, %select_n3A_450 : vector<16xi1>, vector<16xi32>
    %get3A_462 = arith.constant 240 : index
    %get3A_463 = tpu.vector_load %arg6[%get3A_462] {strides = array<i32>} : memref<256xi32, #tpu.memory_space<vmem>>, vector<16xi32>,
    %reduce_sum3A_464 = arith.constant true
    %reduce_sum3A_465 = vector.broadcast %reduce_sum3A_464 : i1 to vector<16xi1>
    %reduce_sum3A_466 = tpu.scan <sum>, %get3A_463 masked %reduce_sum3A_465 : vector<16xi32>, vector<16xi1> -> vector<16xi32>
    %reduce_sum3A_467 = vector.extract %reduce_sum3A_466[15] : i32 from vector<16xi32>
    %eq3A_468 = arith.constant 15 : i32
    %eq3A_469 = vector.broadcast %eq3A_468 : i32 to vector<16xi32>
    %eq3A_470 = arith.cmpi eq, %iota3A, %eq3A_469 : vector<16xi32>
    %broadcast_in_dim3A_471 = vector.broadcast %reduce_sum3A_467 : i32 to vector<16xi32>
    %select_n3A_472 = arith.select %eq3A_470, %broadcast_in_dim3A_471, %select_n3A_461 : vector<16xi1>, vector<16xi32>
    %rev3A = arith.constant 15 : i32
    %rev3A_473 = vector.broadcast %rev3A : i32 to vector<16xi32>
    %rev3A_474 = tpu.iota {dimensions = array<i32: 0>} : vector<16xi32>
    %rev3A_475 = arith.subi %rev3A_473, %rev3A_474 : vector<16xi32>
    %rev3A_476 = tpu.dynamic_gather %select_n3A_472[%rev3A_475] in [0] : vector<16xi32>, vector<16xi32> -> vector<16xi32>
    %broadcast_in_dim3A_477 = arith.constant true
    %broadcast_in_dim3A_478 = vector.broadcast %broadcast_in_dim3A_477 : i1 to vector<16xi1>
    %masked_cumsum3A = tpu.scan <sum>, %rev3A_476 masked %broadcast_in_dim3A_478 : vector<16xi32>, vector<16xi1> -> vector<16xi32>
    %rev3A_479 = arith.constant 15 : i32
    %rev3A_480 = vector.broadcast %rev3A_479 : i32 to vector<16xi32>
    %rev3A_481 = tpu.iota {dimensions = array<i32: 0>} : vector<16xi32>
    %rev3A_482 = arith.subi %rev3A_480, %rev3A_481 : vector<16xi32>
    %rev3A_483 = tpu.dynamic_gather %masked_cumsum3A[%rev3A_482] in [0] : vector<16xi32>, vector<16xi32> -> vector<16xi32>
    %ge3A = arith.constant 131072 : i32
    %ge3A_484 = vector.broadcast %ge3A : i32 to vector<16xi32>
    %ge3A_485 = arith.cmpi sge, %masked_cumsum3A, %ge3A_484 : vector<16xi32>
    %all_reduce_ffs3A = tpu.all_reduce %ge3A_485 {dim = 0 : i64, kind = #tpu.reduction_kind<find_first_set>} : vector<16xi1> -> vector<16xi32>
    %reduce_max3A = arith.constant true
    %reduce_max3A_486 = vector.broadcast %reduce_max3A : i1 to vector<16xi1>
    %reduce_max3A_487 = arith.constant -2147483648 : i32
    %reduce_max3A_488 = vector.broadcast %reduce_max3A_487 : i32 to vector<16xi32>
    %reduce_max3A_489 = arith.xori %all_reduce_ffs3A, %reduce_max3A_488 : vector<16xi32>
    %reduce_max3A_490 = tpu.scan <max>, %reduce_max3A_489 masked %reduce_max3A_486 : vector<16xi32>, vector<16xi1> -> vector<16xi32>
    %reduce_max3A_491 = arith.xori %reduce_max3A_490, %reduce_max3A_488 : vector<16xi32>
    %reduce_max3A_492 = vector.extract %reduce_max3A_491[15] : i32 from vector<16xi32>
    %sub3A_493 = arith.constant 15 : i32
    %sub3A_494 = arith.subi %sub3A_493, %reduce_max3A_492 : i32
    %add3A_495 = arith.constant 1 : i32
    %add3A_496 = arith.addi %sub3A_494, %add3A_495 : i32
    %eq3A_497 = vector.broadcast %add3A_496 : i32 to vector<16xi32>
    %eq3A_498 = arith.cmpi eq, %iota3A, %eq3A_497 : vector<16xi32>
    %jit3A_499 = arith.constant 0 : i32
    %broadcast_in_dim3A_500 = vector.broadcast %jit3A_499 : i32 to vector<16xi32>
    %select_n3A_501 = arith.select %eq3A_498, %rev3A_483, %broadcast_in_dim3A_500 : vector<16xi1>, vector<16xi32>
    %reduce_sum3A_502 = arith.constant true
    %reduce_sum3A_503 = vector.broadcast %reduce_sum3A_502 : i1 to vector<16xi1>
    %reduce_sum3A_504 = tpu.scan <sum>, %select_n3A_501 masked %reduce_sum3A_503 : vector<16xi32>, vector<16xi1> -> vector<16xi32>
    %reduce_sum3A_505 = vector.extract %reduce_sum3A_504[15] : i32 from vector<16xi32>
    %mul3A_506 = arith.constant 16 : i32
    %mul3A_507 = arith.muli %sub3A_494, %mul3A_506 : i32
    %get3A_508 = arith.index_cast %mul3A_507 : i32 to index
    %get3A_509 = tpu.vector_load %arg6[%get3A_508] {strides = array<i32>} : memref<256xi32, #tpu.memory_space<vmem>>, vector<16xi32>,
    %rev3A_510 = arith.constant 15 : i32
    %rev3A_511 = vector.broadcast %rev3A_510 : i32 to vector<16xi32>
    %rev3A_512 = tpu.iota {dimensions = array<i32: 0>} : vector<16xi32>
    %rev3A_513 = arith.subi %rev3A_511, %rev3A_512 : vector<16xi32>
    %rev3A_514 = tpu.dynamic_gather %get3A_509[%rev3A_513] in [0] : vector<16xi32>, vector<16xi32> -> vector<16xi32>
    %broadcast_in_dim3A_515 = arith.constant true
    %broadcast_in_dim3A_516 = vector.broadcast %broadcast_in_dim3A_515 : i1 to vector<16xi1>
    %masked_cumsum3A_517 = tpu.scan <sum>, %rev3A_514 masked %broadcast_in_dim3A_516 : vector<16xi32>, vector<16xi1> -> vector<16xi32>
    %add3A_518 = vector.broadcast %reduce_sum3A_505 : i32 to vector<16xi32>
    %add3A_519 = arith.addi %masked_cumsum3A_517, %add3A_518 : vector<16xi32>
    %rev3A_520 = arith.constant 15 : i32
    %rev3A_521 = vector.broadcast %rev3A_520 : i32 to vector<16xi32>
    %rev3A_522 = tpu.iota {dimensions = array<i32: 0>} : vector<16xi32>
    %rev3A_523 = arith.subi %rev3A_521, %rev3A_522 : vector<16xi32>
    %rev3A_524 = tpu.dynamic_gather %add3A_519[%rev3A_523] in [0] : vector<16xi32>, vector<16xi32> -> vector<16xi32>
    %ge3A_525 = arith.constant 131072 : i32
    %ge3A_526 = vector.broadcast %ge3A_525 : i32 to vector<16xi32>
    %ge3A_527 = arith.cmpi sge, %add3A_519, %ge3A_526 : vector<16xi32>
    %all_reduce_ffs3A_528 = tpu.all_reduce %ge3A_527 {dim = 0 : i64, kind = #tpu.reduction_kind<find_first_set>} : vector<16xi1> -> vector<16xi32>
    %reduce_max3A_529 = arith.constant true
    %reduce_max3A_530 = vector.broadcast %reduce_max3A_529 : i1 to vector<16xi1>
    %reduce_max3A_531 = arith.constant -2147483648 : i32
    %reduce_max3A_532 = vector.broadcast %reduce_max3A_531 : i32 to vector<16xi32>
    %reduce_max3A_533 = arith.xori %all_reduce_ffs3A_528, %reduce_max3A_532 : vector<16xi32>
    %reduce_max3A_534 = tpu.scan <max>, %reduce_max3A_533 masked %reduce_max3A_530 : vector<16xi32>, vector<16xi1> -> vector<16xi32>
    %reduce_max3A_535 = arith.xori %reduce_max3A_534, %reduce_max3A_532 : vector<16xi32>
    %reduce_max3A_536 = vector.extract %reduce_max3A_535[15] : i32 from vector<16xi32>
    %sub3A_537 = arith.constant 15 : i32
    %sub3A_538 = arith.subi %sub3A_537, %reduce_max3A_536 : i32
    %ge3A_539 = arith.constant 15 : i32
    %ge3A_540 = arith.cmpi sge, %sub3A_538, %ge3A_539 : i32
    %add3A_541 = arith.constant 1 : i32
    %add3A_542 = arith.addi %sub3A_538, %add3A_541 : i32
    %eq3A_543 = vector.broadcast %add3A_542 : i32 to vector<16xi32>
    %eq3A_544 = arith.cmpi eq, %iota3A, %eq3A_543 : vector<16xi32>
    %jit3A_545 = arith.constant 0 : i32
    %broadcast_in_dim3A_546 = vector.broadcast %jit3A_545 : i32 to vector<16xi32>
    %select_n3A_547 = arith.select %eq3A_544, %rev3A_524, %broadcast_in_dim3A_546 : vector<16xi1>, vector<16xi32>
    %reduce_sum3A_548 = arith.constant true
    %reduce_sum3A_549 = vector.broadcast %reduce_sum3A_548 : i1 to vector<16xi1>
    %reduce_sum3A_550 = tpu.scan <sum>, %select_n3A_547 masked %reduce_sum3A_549 : vector<16xi32>, vector<16xi1> -> vector<16xi32>
    %reduce_sum3A_551 = vector.extract %reduce_sum3A_550[15] : i32 from vector<16xi32>
    %select_n3A_552 = arith.select %ge3A_540, %reduce_sum3A_505, %reduce_sum3A_551 : i32
    %mul3A_553 = arith.constant 16 : i32
    %mul3A_554 = arith.muli %sub3A_494, %mul3A_553 : i32
    %add3A_555 = arith.addi %mul3A_554, %sub3A_538 : i32
    %scan3A_556 = arith.constant 0 : i32
    %scan3A_557 = arith.constant 0 : i32
    %scan3A_558 = arith.constant 256 : i32
    %scan3A_559 = arith.addi %scan3A_557, %scan3A_558 : i32
    %scan3A_560 = arith.constant 1 : i32
    %scan3A_561 = scf.for %scan3A_1156 = %scan3A_557 to %scan3A_559 step %scan3A_560 iter_args(%scan3A_1157 = %scan3A_556) -> (i32)  : i32 {
      %broadcast_in_dim3A_1158 = arith.constant 0 : i32
      %broadcast_in_dim3A_1159 = vector.broadcast %broadcast_in_dim3A_1158 : i32 to vector<16xi32>
      %mul3A_1160 = arith.constant 16 : i32
      %mul3A_1161 = arith.muli %scan3A_1156, %mul3A_1160 : i32
      %swap3A_1162 = arith.index_cast %mul3A_1161 : i32 to index
      %swap3A_1163 = tpu.vector_load %arg5[%swap3A_1162] {strides = array<i32>} : memref<4096xi32, #tpu.memory_space<vmem>>, vector<16xi32>,
      tpu.vector_store %arg5[%swap3A_1162], %broadcast_in_dim3A_1159 {strides = array<i32>} : memref<4096xi32, #tpu.memory_space<vmem>>, vector<16xi32>,
      %scan3A_1164 = arith.constant 0 : i32
      scf.yield %scan3A_1164 : i32
    }
    %scan3A_562 = arith.constant 256 : i32
    %scan3A_563 = arith.constant 16 : i32
    %scan3A_564 = arith.constant 24 : i32
    %scan3A_565 = arith.constant 0 : i32
    %scan3A_566 = arith.constant 0 : i32
    %scan3A_567 = arith.constant 4096 : i32
    %scan3A_568 = arith.addi %scan3A_566, %scan3A_567 : i32
    %scan3A_569 = arith.constant 1 : i32
    %scan3A_570 = scf.for %scan3A_1156 = %scan3A_566 to %scan3A_568 step %scan3A_569 iter_args(%scan3A_1157 = %scan3A_565) -> (i32)  : i32 {
      %mul3A_1158 = arith.constant 16 : i32
      %mul3A_1159 = arith.muli %scan3A_1156, %mul3A_1158 : i32
      %get3A_1160 = arith.index_cast %mul3A_1159 : i32 to index
      %get3A_1161 = tpu.vector_load %arg4[%get3A_1160] {strides = array<i32>} : memref<65536xf32, #tpu.memory_space<vmem>>, vector<16xf32>,
      %bitcast_convert_type3A_1162 = tpu.bitcast %get3A_1161 : vector<16xf32> -> vector<16xi32>
      %lt3A_1163 = arith.constant 0.000000e+00 : f32
      %lt3A_1164 = vector.broadcast %lt3A_1163 : f32 to vector<16xf32>
      %lt3A_1165 = arith.cmpf olt, %get3A_1161, %lt3A_1164 : vector<16xf32>
      %not3A_1166 = arith.constant dense<-1> : vector<16xi32>
      %not3A_1167 = arith.xori %bitcast_convert_type3A_1162, %not3A_1166 : vector<16xi32>
      %or3A_1168 = arith.constant -2147483648 : i32
      %or3A_1169 = vector.broadcast %or3A_1168 : i32 to vector<16xi32>
      %or3A_1170 = arith.ori %bitcast_convert_type3A_1162, %or3A_1169 : vector<16xi32>
      %select_n3A_1171 = arith.select %lt3A_1165, %not3A_1167, %or3A_1170 : vector<16xi1>, vector<16xi32>
      %shift_right_logical3A = vector.broadcast %scan3A_563 : i32 to vector<16xi32>
      %shift_right_logical3A_1172 = arith.shrui %select_n3A_1171, %shift_right_logical3A : vector<16xi32>
      %and3A_1173 = arith.constant 255 : i32
      %and3A_1174 = vector.broadcast %and3A_1173 : i32 to vector<16xi32>
      %and3A_1175 = arith.andi %shift_right_logical3A_1172, %and3A_1174 : vector<16xi32>
      %mul3A_1176 = arith.constant 256 : i32
      %mul3A_1177 = vector.broadcast %mul3A_1176 : i32 to vector<16xi32>
      %mul3A_1178 = arith.muli %iota3A, %mul3A_1177 : vector<16xi32>
      %add3A_1179 = arith.addi %mul3A_1178, %and3A_1175 : vector<16xi32>
      %broadcast_in_dim3A_1180 = arith.constant 1 : i32
      %broadcast_in_dim3A_1181 = vector.broadcast %broadcast_in_dim3A_1180 : i32 to vector<16xi32>
      %shift_right_logical3A_1182 = vector.broadcast %scan3A_564 : i32 to vector<16xi32>
      %shift_right_logical3A_1183 = arith.shrui %select_n3A_1171, %shift_right_logical3A_1182 : vector<16xi32>
      %eq3A_1184 = vector.broadcast %add3A_555 : i32 to vector<16xi32>
      %eq3A_1185 = arith.cmpi eq, %shift_right_logical3A_1183, %eq3A_1184 : vector<16xi32>
      tpu.vector_store_idx %arg5[%add3A_1179], %broadcast_in_dim3A_1181 masked %eq3A_1185 {add = true} : memref<4096xi32, #tpu.memory_space<vmem>>[vector<16xi32>], vector<16xi32>, vector<16xi1>
      %scan3A_1186 = arith.constant 0 : i32
      scf.yield %scan3A_1186 : i32
    }
    %scan3A_571 = arith.constant 4096 : i32
    %scan3A_572 = arith.constant 0 : i32
    %scan3A_573 = arith.constant 0 : i32
    %scan3A_574 = arith.constant 16 : i32
    %scan3A_575 = arith.addi %scan3A_573, %scan3A_574 : i32
    %scan3A_576 = arith.constant 1 : i32
    %scan3A_577 = scf.for %scan3A_1156 = %scan3A_573 to %scan3A_575 step %scan3A_576 iter_args(%scan3A_1157 = %scan3A_572) -> (i32)  : i32 {
      %broadcast_in_dim3A_1158 = arith.constant 0 : i32
      %broadcast_in_dim3A_1159 = vector.broadcast %broadcast_in_dim3A_1158 : i32 to vector<16xi32>
      %mul3A_1160 = arith.constant 16 : i32
      %mul3A_1161 = arith.muli %scan3A_1156, %mul3A_1160 : i32
      %add3A_1162 = arith.constant 0 : i32
      %add3A_1163 = arith.addi %add3A_1162, %mul3A_1161 : i32
      %get3A_1164 = arith.index_cast %add3A_1163 : i32 to index
      %get3A_1165 = tpu.vector_load %arg5[%get3A_1164] {strides = array<i32>} : memref<4096xi32, #tpu.memory_space<vmem>>, vector<16xi32>,
      %add3A_1166 = arith.addi %broadcast_in_dim3A_1159, %get3A_1165 : vector<16xi32>
      %mul3A_1167 = arith.constant 16 : i32
      %mul3A_1168 = arith.muli %scan3A_1156, %mul3A_1167 : i32
      %add3A_1169 = arith.constant 256 : i32
      %add3A_1170 = arith.addi %add3A_1169, %mul3A_1168 : i32
      %get3A_1171 = arith.index_cast %add3A_1170 : i32 to index
      %get3A_1172 = tpu.vector_load %arg5[%get3A_1171] {strides = array<i32>} : memref<4096xi32, #tpu.memory_space<vmem>>, vector<16xi32>,
      %add3A_1173 = arith.addi %add3A_1166, %get3A_1172 : vector<16xi32>
      %mul3A_1174 = arith.constant 16 : i32
      %mul3A_1175 = arith.muli %scan3A_1156, %mul3A_1174 : i32
      %add3A_1176 = arith.constant 512 : i32
      %add3A_1177 = arith.addi %add3A_1176, %mul3A_1175 : i32
      %get3A_1178 = arith.index_cast %add3A_1177 : i32 to index
      %get3A_1179 = tpu.vector_load %arg5[%get3A_1178] {strides = array<i32>} : memref<4096xi32, #tpu.memory_space<vmem>>, vector<16xi32>,
      %add3A_1180 = arith.addi %add3A_1173, %get3A_1179 : vector<16xi32>
      %mul3A_1181 = arith.constant 16 : i32
      %mul3A_1182 = arith.muli %scan3A_1156, %mul3A_1181 : i32
      %add3A_1183 = arith.constant 768 : i32
      %add3A_1184 = arith.addi %add3A_1183, %mul3A_1182 : i32
      %get3A_1185 = arith.index_cast %add3A_1184 : i32 to index
      %get3A_1186 = tpu.vector_load %arg5[%get3A_1185] {strides = array<i32>} : memref<4096xi32, #tpu.memory_space<vmem>>, vector<16xi32>,
      %add3A_1187 = arith.addi %add3A_1180, %get3A_1186 : vector<16xi32>
      %mul3A_1188 = arith.constant 16 : i32
      %mul3A_1189 = arith.muli %scan3A_1156, %mul3A_1188 : i32
      %add3A_1190 = arith.constant 1024 : i32
      %add3A_1191 = arith.addi %add3A_1190, %mul3A_1189 : i32
      %get3A_1192 = arith.index_cast %add3A_1191 : i32 to index
      %get3A_1193 = tpu.vector_load %arg5[%get3A_1192] {strides = array<i32>} : memref<4096xi32, #tpu.memory_space<vmem>>, vector<16xi32>,
      %add3A_1194 = arith.addi %add3A_1187, %get3A_1193 : vector<16xi32>
      %mul3A_1195 = arith.constant 16 : i32
      %mul3A_1196 = arith.muli %scan3A_1156, %mul3A_1195 : i32
      %add3A_1197 = arith.constant 1280 : i32
      %add3A_1198 = arith.addi %add3A_1197, %mul3A_1196 : i32
      %get3A_1199 = arith.index_cast %add3A_1198 : i32 to index
      %get3A_1200 = tpu.vector_load %arg5[%get3A_1199] {strides = array<i32>} : memref<4096xi32, #tpu.memory_space<vmem>>, vector<16xi32>,
      %add3A_1201 = arith.addi %add3A_1194, %get3A_1200 : vector<16xi32>
      %mul3A_1202 = arith.constant 16 : i32
      %mul3A_1203 = arith.muli %scan3A_1156, %mul3A_1202 : i32
      %add3A_1204 = arith.constant 1536 : i32
      %add3A_1205 = arith.addi %add3A_1204, %mul3A_1203 : i32
      %get3A_1206 = arith.index_cast %add3A_1205 : i32 to index
      %get3A_1207 = tpu.vector_load %arg5[%get3A_1206] {strides = array<i32>} : memref<4096xi32, #tpu.memory_space<vmem>>, vector<16xi32>,
      %add3A_1208 = arith.addi %add3A_1201, %get3A_1207 : vector<16xi32>
      %mul3A_1209 = arith.constant 16 : i32
      %mul3A_1210 = arith.muli %scan3A_1156, %mul3A_1209 : i32
      %add3A_1211 = arith.constant 1792 : i32
      %add3A_1212 = arith.addi %add3A_1211, %mul3A_1210 : i32
      %get3A_1213 = arith.index_cast %add3A_1212 : i32 to index
      %get3A_1214 = tpu.vector_load %arg5[%get3A_1213] {strides = array<i32>} : memref<4096xi32, #tpu.memory_space<vmem>>, vector<16xi32>,
      %add3A_1215 = arith.addi %add3A_1208, %get3A_1214 : vector<16xi32>
      %mul3A_1216 = arith.constant 16 : i32
      %mul3A_1217 = arith.muli %scan3A_1156, %mul3A_1216 : i32
      %add3A_1218 = arith.constant 2048 : i32
      %add3A_1219 = arith.addi %add3A_1218, %mul3A_1217 : i32
      %get3A_1220 = arith.index_cast %add3A_1219 : i32 to index
      %get3A_1221 = tpu.vector_load %arg5[%get3A_1220] {strides = array<i32>} : memref<4096xi32, #tpu.memory_space<vmem>>, vector<16xi32>,
      %add3A_1222 = arith.addi %add3A_1215, %get3A_1221 : vector<16xi32>
      %mul3A_1223 = arith.constant 16 : i32
      %mul3A_1224 = arith.muli %scan3A_1156, %mul3A_1223 : i32
      %add3A_1225 = arith.constant 2304 : i32
      %add3A_1226 = arith.addi %add3A_1225, %mul3A_1224 : i32
      %get3A_1227 = arith.index_cast %add3A_1226 : i32 to index
      %get3A_1228 = tpu.vector_load %arg5[%get3A_1227] {strides = array<i32>} : memref<4096xi32, #tpu.memory_space<vmem>>, vector<16xi32>,
      %add3A_1229 = arith.addi %add3A_1222, %get3A_1228 : vector<16xi32>
      %mul3A_1230 = arith.constant 16 : i32
      %mul3A_1231 = arith.muli %scan3A_1156, %mul3A_1230 : i32
      %add3A_1232 = arith.constant 2560 : i32
      %add3A_1233 = arith.addi %add3A_1232, %mul3A_1231 : i32
      %get3A_1234 = arith.index_cast %add3A_1233 : i32 to index
      %get3A_1235 = tpu.vector_load %arg5[%get3A_1234] {strides = array<i32>} : memref<4096xi32, #tpu.memory_space<vmem>>, vector<16xi32>,
      %add3A_1236 = arith.addi %add3A_1229, %get3A_1235 : vector<16xi32>
      %mul3A_1237 = arith.constant 16 : i32
      %mul3A_1238 = arith.muli %scan3A_1156, %mul3A_1237 : i32
      %add3A_1239 = arith.constant 2816 : i32
      %add3A_1240 = arith.addi %add3A_1239, %mul3A_1238 : i32
      %get3A_1241 = arith.index_cast %add3A_1240 : i32 to index
      %get3A_1242 = tpu.vector_load %arg5[%get3A_1241] {strides = array<i32>} : memref<4096xi32, #tpu.memory_space<vmem>>, vector<16xi32>,
      %add3A_1243 = arith.addi %add3A_1236, %get3A_1242 : vector<16xi32>
      %mul3A_1244 = arith.constant 16 : i32
      %mul3A_1245 = arith.muli %scan3A_1156, %mul3A_1244 : i32
      %add3A_1246 = arith.constant 3072 : i32
      %add3A_1247 = arith.addi %add3A_1246, %mul3A_1245 : i32
      %get3A_1248 = arith.index_cast %add3A_1247 : i32 to index
      %get3A_1249 = tpu.vector_load %arg5[%get3A_1248] {strides = array<i32>} : memref<4096xi32, #tpu.memory_space<vmem>>, vector<16xi32>,
      %add3A_1250 = arith.addi %add3A_1243, %get3A_1249 : vector<16xi32>
      %mul3A_1251 = arith.constant 16 : i32
      %mul3A_1252 = arith.muli %scan3A_1156, %mul3A_1251 : i32
      %add3A_1253 = arith.constant 3328 : i32
      %add3A_1254 = arith.addi %add3A_1253, %mul3A_1252 : i32
      %get3A_1255 = arith.index_cast %add3A_1254 : i32 to index
      %get3A_1256 = tpu.vector_load %arg5[%get3A_1255] {strides = array<i32>} : memref<4096xi32, #tpu.memory_space<vmem>>, vector<16xi32>,
      %add3A_1257 = arith.addi %add3A_1250, %get3A_1256 : vector<16xi32>
      %mul3A_1258 = arith.constant 16 : i32
      %mul3A_1259 = arith.muli %scan3A_1156, %mul3A_1258 : i32
      %add3A_1260 = arith.constant 3584 : i32
      %add3A_1261 = arith.addi %add3A_1260, %mul3A_1259 : i32
      %get3A_1262 = arith.index_cast %add3A_1261 : i32 to index
      %get3A_1263 = tpu.vector_load %arg5[%get3A_1262] {strides = array<i32>} : memref<4096xi32, #tpu.memory_space<vmem>>, vector<16xi32>,
      %add3A_1264 = arith.addi %add3A_1257, %get3A_1263 : vector<16xi32>
      %mul3A_1265 = arith.constant 16 : i32
      %mul3A_1266 = arith.muli %scan3A_1156, %mul3A_1265 : i32
      %add3A_1267 = arith.constant 3840 : i32
      %add3A_1268 = arith.addi %add3A_1267, %mul3A_1266 : i32
      %get3A_1269 = arith.index_cast %add3A_1268 : i32 to index
      %get3A_1270 = tpu.vector_load %arg5[%get3A_1269] {strides = array<i32>} : memref<4096xi32, #tpu.memory_space<vmem>>, vector<16xi32>,
      %add3A_1271 = arith.addi %add3A_1264, %get3A_1270 : vector<16xi32>
      %mul3A_1272 = arith.constant 16 : i32
      %mul3A_1273 = arith.muli %scan3A_1156, %mul3A_1272 : i32
      %swap3A_1274 = arith.index_cast %mul3A_1273 : i32 to index
      %swap3A_1275 = tpu.vector_load %arg6[%swap3A_1274] {strides = array<i32>} : memref<256xi32, #tpu.memory_space<vmem>>, vector<16xi32>,
      tpu.vector_store %arg6[%swap3A_1274], %add3A_1271 {strides = array<i32>} : memref<256xi32, #tpu.memory_space<vmem>>, vector<16xi32>,
      %scan3A_1276 = arith.constant 0 : i32
      scf.yield %scan3A_1276 : i32
    }
    %scan3A_578 = arith.constant 16 : i32
    "tpu.region"() ({
      %run_scoped3A = tpu.sem_alloc : memref<!tpu.dma_semaphore, #tpu.memory_space<semaphore_mem>>
      %dma_start3A = arith.constant 0 : i32
      %dma_start3A_1156 = tpu.memref_slice %arg11[%arg1, %dma_start3A] : memref<16x256xi32, #tpu.memory_space<vmem_shared>> -> memref<1x256xi32, #tpu.memory_space<vmem_shared>>
      %dma_start3A_1157 = tpu.memref_squeeze %dma_start3A_1156 : memref<1x256xi32, #tpu.memory_space<vmem_shared>> -> memref<256xi32, #tpu.memory_space<vmem_shared>>
      %dma_start3A_1158 = arith.constant 0 : i32
      %dma_start3A_1159 = tpu.memref_slice %arg11[%arg1, %dma_start3A_1158] : memref<16x256xi32, #tpu.memory_space<vmem_shared>> -> memref<1x256xi32, #tpu.memory_space<vmem_shared>>
      %dma_start3A_1160 = tpu.memref_squeeze %dma_start3A_1159 : memref<1x256xi32, #tpu.memory_space<vmem_shared>> -> memref<256xi32, #tpu.memory_space<vmem_shared>>
      tpu.enqueue_dma source(%arg6 : memref<256xi32, #tpu.memory_space<vmem>>) target(%dma_start3A_1160 : memref<256xi32, #tpu.memory_space<vmem_shared>>) target_semaphore(%run_scoped3A : memref<!tpu.dma_semaphore, #tpu.memory_space<semaphore_mem>>)
      %dma_wait3A = arith.constant 0 : i32
      %dma_wait3A_1161 = tpu.memref_slice %arg11[%arg1, %dma_wait3A] : memref<16x256xi32, #tpu.memory_space<vmem_shared>> -> memref<1x256xi32, #tpu.memory_space<vmem_shared>>
      %dma_wait3A_1162 = tpu.memref_squeeze %dma_wait3A_1161 : memref<1x256xi32, #tpu.memory_space<vmem_shared>> -> memref<256xi32, #tpu.memory_space<vmem_shared>>
      %dma_wait3A_1163 = arith.constant 0 : i32
      %dma_wait3A_1164 = tpu.memref_slice %arg11[%arg1, %dma_wait3A_1163] : memref<16x256xi32, #tpu.memory_space<vmem_shared>> -> memref<1x256xi32, #tpu.memory_space<vmem_shared>>
      %dma_wait3A_1165 = tpu.memref_squeeze %dma_wait3A_1164 : memref<1x256xi32, #tpu.memory_space<vmem_shared>> -> memref<256xi32, #tpu.memory_space<vmem_shared>>
      tpu.wait_dma2 semaphore(%run_scoped3A : memref<!tpu.dma_semaphore, #tpu.memory_space<semaphore_mem>>) src(%arg6 : memref<256xi32, #tpu.memory_space<vmem>>) dst(%dma_wait3A_1165 : memref<256xi32, #tpu.memory_space<vmem_shared>>)
      tpu.yield
    }) : () -> ()
    %barrier3A_579 = arith.constant 0 : index
    tpu.barrier barrier_id(%barrier3A_579)
    %broadcast_in_dim3A_580 = arith.constant 0 : i32
    %broadcast_in_dim3A_581 = vector.broadcast %broadcast_in_dim3A_580 : i32 to vector<16xi32>
    %mul3A_582 = arith.constant 4 : i32
    %mul3A_583 = arith.muli %select_n3A, %mul3A_582 : i32
    %add3A_584 = arith.constant 0 : i32
    %add3A_585 = arith.addi %mul3A_583, %add3A_584 : i32
    "tpu.region"() ({
      %run_scoped3A = tpu.sem_alloc : memref<!tpu.dma_semaphore, #tpu.memory_space<semaphore_mem>>
      %dma_start3A = arith.constant 0 : i32
      %dma_start3A_1156 = tpu.memref_slice %arg11[%add3A_585, %dma_start3A] : memref<16x256xi32, #tpu.memory_space<vmem_shared>> -> memref<1x256xi32, #tpu.memory_space<vmem_shared>>
      %dma_start3A_1157 = tpu.memref_squeeze %dma_start3A_1156 : memref<1x256xi32, #tpu.memory_space<vmem_shared>> -> memref<256xi32, #tpu.memory_space<vmem_shared>>
      %dma_start3A_1158 = arith.constant 0 : i32
      %dma_start3A_1159 = tpu.memref_slice %arg11[%add3A_585, %dma_start3A_1158] : memref<16x256xi32, #tpu.memory_space<vmem_shared>> -> memref<1x256xi32, #tpu.memory_space<vmem_shared>>
      %dma_start3A_1160 = tpu.memref_squeeze %dma_start3A_1159 : memref<1x256xi32, #tpu.memory_space<vmem_shared>> -> memref<256xi32, #tpu.memory_space<vmem_shared>>
      tpu.enqueue_dma source(%dma_start3A_1160 : memref<256xi32, #tpu.memory_space<vmem_shared>>) target(%arg7 : memref<256xi32, #tpu.memory_space<vmem>>) target_semaphore(%run_scoped3A : memref<!tpu.dma_semaphore, #tpu.memory_space<semaphore_mem>>)
      %dma_wait3A = arith.constant 0 : i32
      %dma_wait3A_1161 = tpu.memref_slice %arg11[%add3A_585, %dma_wait3A] : memref<16x256xi32, #tpu.memory_space<vmem_shared>> -> memref<1x256xi32, #tpu.memory_space<vmem_shared>>
      %dma_wait3A_1162 = tpu.memref_squeeze %dma_wait3A_1161 : memref<1x256xi32, #tpu.memory_space<vmem_shared>> -> memref<256xi32, #tpu.memory_space<vmem_shared>>
      %dma_wait3A_1163 = arith.constant 0 : i32
      %dma_wait3A_1164 = tpu.memref_slice %arg11[%add3A_585, %dma_wait3A_1163] : memref<16x256xi32, #tpu.memory_space<vmem_shared>> -> memref<1x256xi32, #tpu.memory_space<vmem_shared>>
      %dma_wait3A_1165 = tpu.memref_squeeze %dma_wait3A_1164 : memref<1x256xi32, #tpu.memory_space<vmem_shared>> -> memref<256xi32, #tpu.memory_space<vmem_shared>>
      tpu.wait_dma2 semaphore(%run_scoped3A : memref<!tpu.dma_semaphore, #tpu.memory_space<semaphore_mem>>) src(%dma_wait3A_1165 : memref<256xi32, #tpu.memory_space<vmem_shared>>) dst(%arg7 : memref<256xi32, #tpu.memory_space<vmem>>)
      tpu.yield
    }) : () -> ()
    %get3A_586 = arith.constant 0 : index
    %get3A_587 = tpu.vector_load %arg7[%get3A_586] {strides = array<i32>} : memref<256xi32, #tpu.memory_space<vmem>>, vector<16xi32>,
    %add3A_588 = arith.addi %broadcast_in_dim3A_581, %get3A_587 : vector<16xi32>
    %get3A_589 = arith.constant 16 : index
    %get3A_590 = tpu.vector_load %arg7[%get3A_589] {strides = array<i32>} : memref<256xi32, #tpu.memory_space<vmem>>, vector<16xi32>,
    %add3A_591 = arith.addi %broadcast_in_dim3A_581, %get3A_590 : vector<16xi32>
    %get3A_592 = arith.constant 32 : index
    %get3A_593 = tpu.vector_load %arg7[%get3A_592] {strides = array<i32>} : memref<256xi32, #tpu.memory_space<vmem>>, vector<16xi32>,
    %add3A_594 = arith.addi %broadcast_in_dim3A_581, %get3A_593 : vector<16xi32>
    %get3A_595 = arith.constant 48 : index
    %get3A_596 = tpu.vector_load %arg7[%get3A_595] {strides = array<i32>} : memref<256xi32, #tpu.memory_space<vmem>>, vector<16xi32>,
    %add3A_597 = arith.addi %broadcast_in_dim3A_581, %get3A_596 : vector<16xi32>
    %get3A_598 = arith.constant 64 : index
    %get3A_599 = tpu.vector_load %arg7[%get3A_598] {strides = array<i32>} : memref<256xi32, #tpu.memory_space<vmem>>, vector<16xi32>,
    %add3A_600 = arith.addi %broadcast_in_dim3A_581, %get3A_599 : vector<16xi32>
    %get3A_601 = arith.constant 80 : index
    %get3A_602 = tpu.vector_load %arg7[%get3A_601] {strides = array<i32>} : memref<256xi32, #tpu.memory_space<vmem>>, vector<16xi32>,
    %add3A_603 = arith.addi %broadcast_in_dim3A_581, %get3A_602 : vector<16xi32>
    %get3A_604 = arith.constant 96 : index
    %get3A_605 = tpu.vector_load %arg7[%get3A_604] {strides = array<i32>} : memref<256xi32, #tpu.memory_space<vmem>>, vector<16xi32>,
    %add3A_606 = arith.addi %broadcast_in_dim3A_581, %get3A_605 : vector<16xi32>
    %get3A_607 = arith.constant 112 : index
    %get3A_608 = tpu.vector_load %arg7[%get3A_607] {strides = array<i32>} : memref<256xi32, #tpu.memory_space<vmem>>, vector<16xi32>,
    %add3A_609 = arith.addi %broadcast_in_dim3A_581, %get3A_608 : vector<16xi32>
    %get3A_610 = arith.constant 128 : index
    %get3A_611 = tpu.vector_load %arg7[%get3A_610] {strides = array<i32>} : memref<256xi32, #tpu.memory_space<vmem>>, vector<16xi32>,
    %add3A_612 = arith.addi %broadcast_in_dim3A_581, %get3A_611 : vector<16xi32>
    %get3A_613 = arith.constant 144 : index
    %get3A_614 = tpu.vector_load %arg7[%get3A_613] {strides = array<i32>} : memref<256xi32, #tpu.memory_space<vmem>>, vector<16xi32>,
    %add3A_615 = arith.addi %broadcast_in_dim3A_581, %get3A_614 : vector<16xi32>
    %get3A_616 = arith.constant 160 : index
    %get3A_617 = tpu.vector_load %arg7[%get3A_616] {strides = array<i32>} : memref<256xi32, #tpu.memory_space<vmem>>, vector<16xi32>,
    %add3A_618 = arith.addi %broadcast_in_dim3A_581, %get3A_617 : vector<16xi32>
    %get3A_619 = arith.constant 176 : index
    %get3A_620 = tpu.vector_load %arg7[%get3A_619] {strides = array<i32>} : memref<256xi32, #tpu.memory_space<vmem>>, vector<16xi32>,
    %add3A_621 = arith.addi %broadcast_in_dim3A_581, %get3A_620 : vector<16xi32>
    %get3A_622 = arith.constant 192 : index
    %get3A_623 = tpu.vector_load %arg7[%get3A_622] {strides = array<i32>} : memref<256xi32, #tpu.memory_space<vmem>>, vector<16xi32>,
    %add3A_624 = arith.addi %broadcast_in_dim3A_581, %get3A_623 : vector<16xi32>
    %get3A_625 = arith.constant 208 : index
    %get3A_626 = tpu.vector_load %arg7[%get3A_625] {strides = array<i32>} : memref<256xi32, #tpu.memory_space<vmem>>, vector<16xi32>,
    %add3A_627 = arith.addi %broadcast_in_dim3A_581, %get3A_626 : vector<16xi32>
    %get3A_628 = arith.constant 224 : index
    %get3A_629 = tpu.vector_load %arg7[%get3A_628] {strides = array<i32>} : memref<256xi32, #tpu.memory_space<vmem>>, vector<16xi32>,
    %add3A_630 = arith.addi %broadcast_in_dim3A_581, %get3A_629 : vector<16xi32>
    %get3A_631 = arith.constant 240 : index
    %get3A_632 = tpu.vector_load %arg7[%get3A_631] {strides = array<i32>} : memref<256xi32, #tpu.memory_space<vmem>>, vector<16xi32>,
    %add3A_633 = arith.addi %broadcast_in_dim3A_581, %get3A_632 : vector<16xi32>
    %mul3A_634 = arith.constant 4 : i32
    %mul3A_635 = arith.muli %select_n3A, %mul3A_634 : i32
    %add3A_636 = arith.constant 1 : i32
    %add3A_637 = arith.addi %mul3A_635, %add3A_636 : i32
    "tpu.region"() ({
      %run_scoped3A = tpu.sem_alloc : memref<!tpu.dma_semaphore, #tpu.memory_space<semaphore_mem>>
      %dma_start3A = arith.constant 0 : i32
      %dma_start3A_1156 = tpu.memref_slice %arg11[%add3A_637, %dma_start3A] : memref<16x256xi32, #tpu.memory_space<vmem_shared>> -> memref<1x256xi32, #tpu.memory_space<vmem_shared>>
      %dma_start3A_1157 = tpu.memref_squeeze %dma_start3A_1156 : memref<1x256xi32, #tpu.memory_space<vmem_shared>> -> memref<256xi32, #tpu.memory_space<vmem_shared>>
      %dma_start3A_1158 = arith.constant 0 : i32
      %dma_start3A_1159 = tpu.memref_slice %arg11[%add3A_637, %dma_start3A_1158] : memref<16x256xi32, #tpu.memory_space<vmem_shared>> -> memref<1x256xi32, #tpu.memory_space<vmem_shared>>
      %dma_start3A_1160 = tpu.memref_squeeze %dma_start3A_1159 : memref<1x256xi32, #tpu.memory_space<vmem_shared>> -> memref<256xi32, #tpu.memory_space<vmem_shared>>
      tpu.enqueue_dma source(%dma_start3A_1160 : memref<256xi32, #tpu.memory_space<vmem_shared>>) target(%arg7 : memref<256xi32, #tpu.memory_space<vmem>>) target_semaphore(%run_scoped3A : memref<!tpu.dma_semaphore, #tpu.memory_space<semaphore_mem>>)
      %dma_wait3A = arith.constant 0 : i32
      %dma_wait3A_1161 = tpu.memref_slice %arg11[%add3A_637, %dma_wait3A] : memref<16x256xi32, #tpu.memory_space<vmem_shared>> -> memref<1x256xi32, #tpu.memory_space<vmem_shared>>
      %dma_wait3A_1162 = tpu.memref_squeeze %dma_wait3A_1161 : memref<1x256xi32, #tpu.memory_space<vmem_shared>> -> memref<256xi32, #tpu.memory_space<vmem_shared>>
      %dma_wait3A_1163 = arith.constant 0 : i32
      %dma_wait3A_1164 = tpu.memref_slice %arg11[%add3A_637, %dma_wait3A_1163] : memref<16x256xi32, #tpu.memory_space<vmem_shared>> -> memref<1x256xi32, #tpu.memory_space<vmem_shared>>
      %dma_wait3A_1165 = tpu.memref_squeeze %dma_wait3A_1164 : memref<1x256xi32, #tpu.memory_space<vmem_shared>> -> memref<256xi32, #tpu.memory_space<vmem_shared>>
      tpu.wait_dma2 semaphore(%run_scoped3A : memref<!tpu.dma_semaphore, #tpu.memory_space<semaphore_mem>>) src(%dma_wait3A_1165 : memref<256xi32, #tpu.memory_space<vmem_shared>>) dst(%arg7 : memref<256xi32, #tpu.memory_space<vmem>>)
      tpu.yield
    }) : () -> ()
    %get3A_638 = arith.constant 0 : index
    %get3A_639 = tpu.vector_load %arg7[%get3A_638] {strides = array<i32>} : memref<256xi32, #tpu.memory_space<vmem>>, vector<16xi32>,
    %add3A_640 = arith.addi %add3A_588, %get3A_639 : vector<16xi32>
    %get3A_641 = arith.constant 16 : index
    %get3A_642 = tpu.vector_load %arg7[%get3A_641] {strides = array<i32>} : memref<256xi32, #tpu.memory_space<vmem>>, vector<16xi32>,
    %add3A_643 = arith.addi %add3A_591, %get3A_642 : vector<16xi32>
    %get3A_644 = arith.constant 32 : index
    %get3A_645 = tpu.vector_load %arg7[%get3A_644] {strides = array<i32>} : memref<256xi32, #tpu.memory_space<vmem>>, vector<16xi32>,
    %add3A_646 = arith.addi %add3A_594, %get3A_645 : vector<16xi32>
    %get3A_647 = arith.constant 48 : index
    %get3A_648 = tpu.vector_load %arg7[%get3A_647] {strides = array<i32>} : memref<256xi32, #tpu.memory_space<vmem>>, vector<16xi32>,
    %add3A_649 = arith.addi %add3A_597, %get3A_648 : vector<16xi32>
    %get3A_650 = arith.constant 64 : index
    %get3A_651 = tpu.vector_load %arg7[%get3A_650] {strides = array<i32>} : memref<256xi32, #tpu.memory_space<vmem>>, vector<16xi32>,
    %add3A_652 = arith.addi %add3A_600, %get3A_651 : vector<16xi32>
    %get3A_653 = arith.constant 80 : index
    %get3A_654 = tpu.vector_load %arg7[%get3A_653] {strides = array<i32>} : memref<256xi32, #tpu.memory_space<vmem>>, vector<16xi32>,
    %add3A_655 = arith.addi %add3A_603, %get3A_654 : vector<16xi32>
    %get3A_656 = arith.constant 96 : index
    %get3A_657 = tpu.vector_load %arg7[%get3A_656] {strides = array<i32>} : memref<256xi32, #tpu.memory_space<vmem>>, vector<16xi32>,
    %add3A_658 = arith.addi %add3A_606, %get3A_657 : vector<16xi32>
    %get3A_659 = arith.constant 112 : index
    %get3A_660 = tpu.vector_load %arg7[%get3A_659] {strides = array<i32>} : memref<256xi32, #tpu.memory_space<vmem>>, vector<16xi32>,
    %add3A_661 = arith.addi %add3A_609, %get3A_660 : vector<16xi32>
    %get3A_662 = arith.constant 128 : index
    %get3A_663 = tpu.vector_load %arg7[%get3A_662] {strides = array<i32>} : memref<256xi32, #tpu.memory_space<vmem>>, vector<16xi32>,
    %add3A_664 = arith.addi %add3A_612, %get3A_663 : vector<16xi32>
    %get3A_665 = arith.constant 144 : index
    %get3A_666 = tpu.vector_load %arg7[%get3A_665] {strides = array<i32>} : memref<256xi32, #tpu.memory_space<vmem>>, vector<16xi32>,
    %add3A_667 = arith.addi %add3A_615, %get3A_666 : vector<16xi32>
    %get3A_668 = arith.constant 160 : index
    %get3A_669 = tpu.vector_load %arg7[%get3A_668] {strides = array<i32>} : memref<256xi32, #tpu.memory_space<vmem>>, vector<16xi32>,
    %add3A_670 = arith.addi %add3A_618, %get3A_669 : vector<16xi32>
    %get3A_671 = arith.constant 176 : index
    %get3A_672 = tpu.vector_load %arg7[%get3A_671] {strides = array<i32>} : memref<256xi32, #tpu.memory_space<vmem>>, vector<16xi32>,
    %add3A_673 = arith.addi %add3A_621, %get3A_672 : vector<16xi32>
    %get3A_674 = arith.constant 192 : index
    %get3A_675 = tpu.vector_load %arg7[%get3A_674] {strides = array<i32>} : memref<256xi32, #tpu.memory_space<vmem>>, vector<16xi32>,
    %add3A_676 = arith.addi %add3A_624, %get3A_675 : vector<16xi32>
    %get3A_677 = arith.constant 208 : index
    %get3A_678 = tpu.vector_load %arg7[%get3A_677] {strides = array<i32>} : memref<256xi32, #tpu.memory_space<vmem>>, vector<16xi32>,
    %add3A_679 = arith.addi %add3A_627, %get3A_678 : vector<16xi32>
    %get3A_680 = arith.constant 224 : index
    %get3A_681 = tpu.vector_load %arg7[%get3A_680] {strides = array<i32>} : memref<256xi32, #tpu.memory_space<vmem>>, vector<16xi32>,
    %add3A_682 = arith.addi %add3A_630, %get3A_681 : vector<16xi32>
    %get3A_683 = arith.constant 240 : index
    %get3A_684 = tpu.vector_load %arg7[%get3A_683] {strides = array<i32>} : memref<256xi32, #tpu.memory_space<vmem>>, vector<16xi32>,
    %add3A_685 = arith.addi %add3A_633, %get3A_684 : vector<16xi32>
    %mul3A_686 = arith.constant 4 : i32
    %mul3A_687 = arith.muli %select_n3A, %mul3A_686 : i32
    %add3A_688 = arith.constant 2 : i32
    %add3A_689 = arith.addi %mul3A_687, %add3A_688 : i32
    "tpu.region"() ({
      %run_scoped3A = tpu.sem_alloc : memref<!tpu.dma_semaphore, #tpu.memory_space<semaphore_mem>>
      %dma_start3A = arith.constant 0 : i32
      %dma_start3A_1156 = tpu.memref_slice %arg11[%add3A_689, %dma_start3A] : memref<16x256xi32, #tpu.memory_space<vmem_shared>> -> memref<1x256xi32, #tpu.memory_space<vmem_shared>>
      %dma_start3A_1157 = tpu.memref_squeeze %dma_start3A_1156 : memref<1x256xi32, #tpu.memory_space<vmem_shared>> -> memref<256xi32, #tpu.memory_space<vmem_shared>>
      %dma_start3A_1158 = arith.constant 0 : i32
      %dma_start3A_1159 = tpu.memref_slice %arg11[%add3A_689, %dma_start3A_1158] : memref<16x256xi32, #tpu.memory_space<vmem_shared>> -> memref<1x256xi32, #tpu.memory_space<vmem_shared>>
      %dma_start3A_1160 = tpu.memref_squeeze %dma_start3A_1159 : memref<1x256xi32, #tpu.memory_space<vmem_shared>> -> memref<256xi32, #tpu.memory_space<vmem_shared>>
      tpu.enqueue_dma source(%dma_start3A_1160 : memref<256xi32, #tpu.memory_space<vmem_shared>>) target(%arg7 : memref<256xi32, #tpu.memory_space<vmem>>) target_semaphore(%run_scoped3A : memref<!tpu.dma_semaphore, #tpu.memory_space<semaphore_mem>>)
      %dma_wait3A = arith.constant 0 : i32
      %dma_wait3A_1161 = tpu.memref_slice %arg11[%add3A_689, %dma_wait3A] : memref<16x256xi32, #tpu.memory_space<vmem_shared>> -> memref<1x256xi32, #tpu.memory_space<vmem_shared>>
      %dma_wait3A_1162 = tpu.memref_squeeze %dma_wait3A_1161 : memref<1x256xi32, #tpu.memory_space<vmem_shared>> -> memref<256xi32, #tpu.memory_space<vmem_shared>>
      %dma_wait3A_1163 = arith.constant 0 : i32
      %dma_wait3A_1164 = tpu.memref_slice %arg11[%add3A_689, %dma_wait3A_1163] : memref<16x256xi32, #tpu.memory_space<vmem_shared>> -> memref<1x256xi32, #tpu.memory_space<vmem_shared>>
      %dma_wait3A_1165 = tpu.memref_squeeze %dma_wait3A_1164 : memref<1x256xi32, #tpu.memory_space<vmem_shared>> -> memref<256xi32, #tpu.memory_space<vmem_shared>>
      tpu.wait_dma2 semaphore(%run_scoped3A : memref<!tpu.dma_semaphore, #tpu.memory_space<semaphore_mem>>) src(%dma_wait3A_1165 : memref<256xi32, #tpu.memory_space<vmem_shared>>) dst(%arg7 : memref<256xi32, #tpu.memory_space<vmem>>)
      tpu.yield
    }) : () -> ()
    %get3A_690 = arith.constant 0 : index
    %get3A_691 = tpu.vector_load %arg7[%get3A_690] {strides = array<i32>} : memref<256xi32, #tpu.memory_space<vmem>>, vector<16xi32>,
    %add3A_692 = arith.addi %add3A_640, %get3A_691 : vector<16xi32>
    %get3A_693 = arith.constant 16 : index
    %get3A_694 = tpu.vector_load %arg7[%get3A_693] {strides = array<i32>} : memref<256xi32, #tpu.memory_space<vmem>>, vector<16xi32>,
    %add3A_695 = arith.addi %add3A_643, %get3A_694 : vector<16xi32>
    %get3A_696 = arith.constant 32 : index
    %get3A_697 = tpu.vector_load %arg7[%get3A_696] {strides = array<i32>} : memref<256xi32, #tpu.memory_space<vmem>>, vector<16xi32>,
    %add3A_698 = arith.addi %add3A_646, %get3A_697 : vector<16xi32>
    %get3A_699 = arith.constant 48 : index
    %get3A_700 = tpu.vector_load %arg7[%get3A_699] {strides = array<i32>} : memref<256xi32, #tpu.memory_space<vmem>>, vector<16xi32>,
    %add3A_701 = arith.addi %add3A_649, %get3A_700 : vector<16xi32>
    %get3A_702 = arith.constant 64 : index
    %get3A_703 = tpu.vector_load %arg7[%get3A_702] {strides = array<i32>} : memref<256xi32, #tpu.memory_space<vmem>>, vector<16xi32>,
    %add3A_704 = arith.addi %add3A_652, %get3A_703 : vector<16xi32>
    %get3A_705 = arith.constant 80 : index
    %get3A_706 = tpu.vector_load %arg7[%get3A_705] {strides = array<i32>} : memref<256xi32, #tpu.memory_space<vmem>>, vector<16xi32>,
    %add3A_707 = arith.addi %add3A_655, %get3A_706 : vector<16xi32>
    %get3A_708 = arith.constant 96 : index
    %get3A_709 = tpu.vector_load %arg7[%get3A_708] {strides = array<i32>} : memref<256xi32, #tpu.memory_space<vmem>>, vector<16xi32>,
    %add3A_710 = arith.addi %add3A_658, %get3A_709 : vector<16xi32>
    %get3A_711 = arith.constant 112 : index
    %get3A_712 = tpu.vector_load %arg7[%get3A_711] {strides = array<i32>} : memref<256xi32, #tpu.memory_space<vmem>>, vector<16xi32>,
    %add3A_713 = arith.addi %add3A_661, %get3A_712 : vector<16xi32>
    %get3A_714 = arith.constant 128 : index
    %get3A_715 = tpu.vector_load %arg7[%get3A_714] {strides = array<i32>} : memref<256xi32, #tpu.memory_space<vmem>>, vector<16xi32>,
    %add3A_716 = arith.addi %add3A_664, %get3A_715 : vector<16xi32>
    %get3A_717 = arith.constant 144 : index
    %get3A_718 = tpu.vector_load %arg7[%get3A_717] {strides = array<i32>} : memref<256xi32, #tpu.memory_space<vmem>>, vector<16xi32>,
    %add3A_719 = arith.addi %add3A_667, %get3A_718 : vector<16xi32>
    %get3A_720 = arith.constant 160 : index
    %get3A_721 = tpu.vector_load %arg7[%get3A_720] {strides = array<i32>} : memref<256xi32, #tpu.memory_space<vmem>>, vector<16xi32>,
    %add3A_722 = arith.addi %add3A_670, %get3A_721 : vector<16xi32>
    %get3A_723 = arith.constant 176 : index
    %get3A_724 = tpu.vector_load %arg7[%get3A_723] {strides = array<i32>} : memref<256xi32, #tpu.memory_space<vmem>>, vector<16xi32>,
    %add3A_725 = arith.addi %add3A_673, %get3A_724 : vector<16xi32>
    %get3A_726 = arith.constant 192 : index
    %get3A_727 = tpu.vector_load %arg7[%get3A_726] {strides = array<i32>} : memref<256xi32, #tpu.memory_space<vmem>>, vector<16xi32>,
    %add3A_728 = arith.addi %add3A_676, %get3A_727 : vector<16xi32>
    %get3A_729 = arith.constant 208 : index
    %get3A_730 = tpu.vector_load %arg7[%get3A_729] {strides = array<i32>} : memref<256xi32, #tpu.memory_space<vmem>>, vector<16xi32>,
    %add3A_731 = arith.addi %add3A_679, %get3A_730 : vector<16xi32>
    %get3A_732 = arith.constant 224 : index
    %get3A_733 = tpu.vector_load %arg7[%get3A_732] {strides = array<i32>} : memref<256xi32, #tpu.memory_space<vmem>>, vector<16xi32>,
    %add3A_734 = arith.addi %add3A_682, %get3A_733 : vector<16xi32>
    %get3A_735 = arith.constant 240 : index
    %get3A_736 = tpu.vector_load %arg7[%get3A_735] {strides = array<i32>} : memref<256xi32, #tpu.memory_space<vmem>>, vector<16xi32>,
    %add3A_737 = arith.addi %add3A_685, %get3A_736 : vector<16xi32>
    %mul3A_738 = arith.constant 4 : i32
    %mul3A_739 = arith.muli %select_n3A, %mul3A_738 : i32
    %add3A_740 = arith.constant 3 : i32
    %add3A_741 = arith.addi %mul3A_739, %add3A_740 : i32
    "tpu.region"() ({
      %run_scoped3A = tpu.sem_alloc : memref<!tpu.dma_semaphore, #tpu.memory_space<semaphore_mem>>
      %dma_start3A = arith.constant 0 : i32
      %dma_start3A_1156 = tpu.memref_slice %arg11[%add3A_741, %dma_start3A] : memref<16x256xi32, #tpu.memory_space<vmem_shared>> -> memref<1x256xi32, #tpu.memory_space<vmem_shared>>
      %dma_start3A_1157 = tpu.memref_squeeze %dma_start3A_1156 : memref<1x256xi32, #tpu.memory_space<vmem_shared>> -> memref<256xi32, #tpu.memory_space<vmem_shared>>
      %dma_start3A_1158 = arith.constant 0 : i32
      %dma_start3A_1159 = tpu.memref_slice %arg11[%add3A_741, %dma_start3A_1158] : memref<16x256xi32, #tpu.memory_space<vmem_shared>> -> memref<1x256xi32, #tpu.memory_space<vmem_shared>>
      %dma_start3A_1160 = tpu.memref_squeeze %dma_start3A_1159 : memref<1x256xi32, #tpu.memory_space<vmem_shared>> -> memref<256xi32, #tpu.memory_space<vmem_shared>>
      tpu.enqueue_dma source(%dma_start3A_1160 : memref<256xi32, #tpu.memory_space<vmem_shared>>) target(%arg7 : memref<256xi32, #tpu.memory_space<vmem>>) target_semaphore(%run_scoped3A : memref<!tpu.dma_semaphore, #tpu.memory_space<semaphore_mem>>)
      %dma_wait3A = arith.constant 0 : i32
      %dma_wait3A_1161 = tpu.memref_slice %arg11[%add3A_741, %dma_wait3A] : memref<16x256xi32, #tpu.memory_space<vmem_shared>> -> memref<1x256xi32, #tpu.memory_space<vmem_shared>>
      %dma_wait3A_1162 = tpu.memref_squeeze %dma_wait3A_1161 : memref<1x256xi32, #tpu.memory_space<vmem_shared>> -> memref<256xi32, #tpu.memory_space<vmem_shared>>
      %dma_wait3A_1163 = arith.constant 0 : i32
      %dma_wait3A_1164 = tpu.memref_slice %arg11[%add3A_741, %dma_wait3A_1163] : memref<16x256xi32, #tpu.memory_space<vmem_shared>> -> memref<1x256xi32, #tpu.memory_space<vmem_shared>>
      %dma_wait3A_1165 = tpu.memref_squeeze %dma_wait3A_1164 : memref<1x256xi32, #tpu.memory_space<vmem_shared>> -> memref<256xi32, #tpu.memory_space<vmem_shared>>
      tpu.wait_dma2 semaphore(%run_scoped3A : memref<!tpu.dma_semaphore, #tpu.memory_space<semaphore_mem>>) src(%dma_wait3A_1165 : memref<256xi32, #tpu.memory_space<vmem_shared>>) dst(%arg7 : memref<256xi32, #tpu.memory_space<vmem>>)
      tpu.yield
    }) : () -> ()
    %get3A_742 = arith.constant 0 : index
    %get3A_743 = tpu.vector_load %arg7[%get3A_742] {strides = array<i32>} : memref<256xi32, #tpu.memory_space<vmem>>, vector<16xi32>,
    %add3A_744 = arith.addi %add3A_692, %get3A_743 : vector<16xi32>
    %get3A_745 = arith.constant 16 : index
    %get3A_746 = tpu.vector_load %arg7[%get3A_745] {strides = array<i32>} : memref<256xi32, #tpu.memory_space<vmem>>, vector<16xi32>,
    %add3A_747 = arith.addi %add3A_695, %get3A_746 : vector<16xi32>
    %get3A_748 = arith.constant 32 : index
    %get3A_749 = tpu.vector_load %arg7[%get3A_748] {strides = array<i32>} : memref<256xi32, #tpu.memory_space<vmem>>, vector<16xi32>,
    %add3A_750 = arith.addi %add3A_698, %get3A_749 : vector<16xi32>
    %get3A_751 = arith.constant 48 : index
    %get3A_752 = tpu.vector_load %arg7[%get3A_751] {strides = array<i32>} : memref<256xi32, #tpu.memory_space<vmem>>, vector<16xi32>,
    %add3A_753 = arith.addi %add3A_701, %get3A_752 : vector<16xi32>
    %get3A_754 = arith.constant 64 : index
    %get3A_755 = tpu.vector_load %arg7[%get3A_754] {strides = array<i32>} : memref<256xi32, #tpu.memory_space<vmem>>, vector<16xi32>,
    %add3A_756 = arith.addi %add3A_704, %get3A_755 : vector<16xi32>
    %get3A_757 = arith.constant 80 : index
    %get3A_758 = tpu.vector_load %arg7[%get3A_757] {strides = array<i32>} : memref<256xi32, #tpu.memory_space<vmem>>, vector<16xi32>,
    %add3A_759 = arith.addi %add3A_707, %get3A_758 : vector<16xi32>
    %get3A_760 = arith.constant 96 : index
    %get3A_761 = tpu.vector_load %arg7[%get3A_760] {strides = array<i32>} : memref<256xi32, #tpu.memory_space<vmem>>, vector<16xi32>,
    %add3A_762 = arith.addi %add3A_710, %get3A_761 : vector<16xi32>
    %get3A_763 = arith.constant 112 : index
    %get3A_764 = tpu.vector_load %arg7[%get3A_763] {strides = array<i32>} : memref<256xi32, #tpu.memory_space<vmem>>, vector<16xi32>,
    %add3A_765 = arith.addi %add3A_713, %get3A_764 : vector<16xi32>
    %get3A_766 = arith.constant 128 : index
    %get3A_767 = tpu.vector_load %arg7[%get3A_766] {strides = array<i32>} : memref<256xi32, #tpu.memory_space<vmem>>, vector<16xi32>,
    %add3A_768 = arith.addi %add3A_716, %get3A_767 : vector<16xi32>
    %get3A_769 = arith.constant 144 : index
    %get3A_770 = tpu.vector_load %arg7[%get3A_769] {strides = array<i32>} : memref<256xi32, #tpu.memory_space<vmem>>, vector<16xi32>,
    %add3A_771 = arith.addi %add3A_719, %get3A_770 : vector<16xi32>
    %get3A_772 = arith.constant 160 : index
    %get3A_773 = tpu.vector_load %arg7[%get3A_772] {strides = array<i32>} : memref<256xi32, #tpu.memory_space<vmem>>, vector<16xi32>,
    %add3A_774 = arith.addi %add3A_722, %get3A_773 : vector<16xi32>
    %get3A_775 = arith.constant 176 : index
    %get3A_776 = tpu.vector_load %arg7[%get3A_775] {strides = array<i32>} : memref<256xi32, #tpu.memory_space<vmem>>, vector<16xi32>,
    %add3A_777 = arith.addi %add3A_725, %get3A_776 : vector<16xi32>
    %get3A_778 = arith.constant 192 : index
    %get3A_779 = tpu.vector_load %arg7[%get3A_778] {strides = array<i32>} : memref<256xi32, #tpu.memory_space<vmem>>, vector<16xi32>,
    %add3A_780 = arith.addi %add3A_728, %get3A_779 : vector<16xi32>
    %get3A_781 = arith.constant 208 : index
    %get3A_782 = tpu.vector_load %arg7[%get3A_781] {strides = array<i32>} : memref<256xi32, #tpu.memory_space<vmem>>, vector<16xi32>,
    %add3A_783 = arith.addi %add3A_731, %get3A_782 : vector<16xi32>
    %get3A_784 = arith.constant 224 : index
    %get3A_785 = tpu.vector_load %arg7[%get3A_784] {strides = array<i32>} : memref<256xi32, #tpu.memory_space<vmem>>, vector<16xi32>,
    %add3A_786 = arith.addi %add3A_734, %get3A_785 : vector<16xi32>
    %get3A_787 = arith.constant 240 : index
    %get3A_788 = tpu.vector_load %arg7[%get3A_787] {strides = array<i32>} : memref<256xi32, #tpu.memory_space<vmem>>, vector<16xi32>,
    %add3A_789 = arith.addi %add3A_737, %get3A_788 : vector<16xi32>
    %swap3A_790 = arith.constant 0 : index
    %swap3A_791 = tpu.vector_load %arg6[%swap3A_790] {strides = array<i32>} : memref<256xi32, #tpu.memory_space<vmem>>, vector<16xi32>,
    tpu.vector_store %arg6[%swap3A_790], %add3A_744 {strides = array<i32>} : memref<256xi32, #tpu.memory_space<vmem>>, vector<16xi32>,
    %swap3A_792 = arith.constant 16 : index
    %swap3A_793 = tpu.vector_load %arg6[%swap3A_792] {strides = array<i32>} : memref<256xi32, #tpu.memory_space<vmem>>, vector<16xi32>,
    tpu.vector_store %arg6[%swap3A_792], %add3A_747 {strides = array<i32>} : memref<256xi32, #tpu.memory_space<vmem>>, vector<16xi32>,
    %swap3A_794 = arith.constant 32 : index
    %swap3A_795 = tpu.vector_load %arg6[%swap3A_794] {strides = array<i32>} : memref<256xi32, #tpu.memory_space<vmem>>, vector<16xi32>,
    tpu.vector_store %arg6[%swap3A_794], %add3A_750 {strides = array<i32>} : memref<256xi32, #tpu.memory_space<vmem>>, vector<16xi32>,
    %swap3A_796 = arith.constant 48 : index
    %swap3A_797 = tpu.vector_load %arg6[%swap3A_796] {strides = array<i32>} : memref<256xi32, #tpu.memory_space<vmem>>, vector<16xi32>,
    tpu.vector_store %arg6[%swap3A_796], %add3A_753 {strides = array<i32>} : memref<256xi32, #tpu.memory_space<vmem>>, vector<16xi32>,
    %swap3A_798 = arith.constant 64 : index
    %swap3A_799 = tpu.vector_load %arg6[%swap3A_798] {strides = array<i32>} : memref<256xi32, #tpu.memory_space<vmem>>, vector<16xi32>,
    tpu.vector_store %arg6[%swap3A_798], %add3A_756 {strides = array<i32>} : memref<256xi32, #tpu.memory_space<vmem>>, vector<16xi32>,
    %swap3A_800 = arith.constant 80 : index
    %swap3A_801 = tpu.vector_load %arg6[%swap3A_800] {strides = array<i32>} : memref<256xi32, #tpu.memory_space<vmem>>, vector<16xi32>,
    tpu.vector_store %arg6[%swap3A_800], %add3A_759 {strides = array<i32>} : memref<256xi32, #tpu.memory_space<vmem>>, vector<16xi32>,
    %swap3A_802 = arith.constant 96 : index
    %swap3A_803 = tpu.vector_load %arg6[%swap3A_802] {strides = array<i32>} : memref<256xi32, #tpu.memory_space<vmem>>, vector<16xi32>,
    tpu.vector_store %arg6[%swap3A_802], %add3A_762 {strides = array<i32>} : memref<256xi32, #tpu.memory_space<vmem>>, vector<16xi32>,
    %swap3A_804 = arith.constant 112 : index
    %swap3A_805 = tpu.vector_load %arg6[%swap3A_804] {strides = array<i32>} : memref<256xi32, #tpu.memory_space<vmem>>, vector<16xi32>,
    tpu.vector_store %arg6[%swap3A_804], %add3A_765 {strides = array<i32>} : memref<256xi32, #tpu.memory_space<vmem>>, vector<16xi32>,
    %swap3A_806 = arith.constant 128 : index
    %swap3A_807 = tpu.vector_load %arg6[%swap3A_806] {strides = array<i32>} : memref<256xi32, #tpu.memory_space<vmem>>, vector<16xi32>,
    tpu.vector_store %arg6[%swap3A_806], %add3A_768 {strides = array<i32>} : memref<256xi32, #tpu.memory_space<vmem>>, vector<16xi32>,
    %swap3A_808 = arith.constant 144 : index
    %swap3A_809 = tpu.vector_load %arg6[%swap3A_808] {strides = array<i32>} : memref<256xi32, #tpu.memory_space<vmem>>, vector<16xi32>,
    tpu.vector_store %arg6[%swap3A_808], %add3A_771 {strides = array<i32>} : memref<256xi32, #tpu.memory_space<vmem>>, vector<16xi32>,
    %swap3A_810 = arith.constant 160 : index
    %swap3A_811 = tpu.vector_load %arg6[%swap3A_810] {strides = array<i32>} : memref<256xi32, #tpu.memory_space<vmem>>, vector<16xi32>,
    tpu.vector_store %arg6[%swap3A_810], %add3A_774 {strides = array<i32>} : memref<256xi32, #tpu.memory_space<vmem>>, vector<16xi32>,
    %swap3A_812 = arith.constant 176 : index
    %swap3A_813 = tpu.vector_load %arg6[%swap3A_812] {strides = array<i32>} : memref<256xi32, #tpu.memory_space<vmem>>, vector<16xi32>,
    tpu.vector_store %arg6[%swap3A_812], %add3A_777 {strides = array<i32>} : memref<256xi32, #tpu.memory_space<vmem>>, vector<16xi32>,
    %swap3A_814 = arith.constant 192 : index
    %swap3A_815 = tpu.vector_load %arg6[%swap3A_814] {strides = array<i32>} : memref<256xi32, #tpu.memory_space<vmem>>, vector<16xi32>,
    tpu.vector_store %arg6[%swap3A_814], %add3A_780 {strides = array<i32>} : memref<256xi32, #tpu.memory_space<vmem>>, vector<16xi32>,
    %swap3A_816 = arith.constant 208 : index
    %swap3A_817 = tpu.vector_load %arg6[%swap3A_816] {strides = array<i32>} : memref<256xi32, #tpu.memory_space<vmem>>, vector<16xi32>,
    tpu.vector_store %arg6[%swap3A_816], %add3A_783 {strides = array<i32>} : memref<256xi32, #tpu.memory_space<vmem>>, vector<16xi32>,
    %swap3A_818 = arith.constant 224 : index
    %swap3A_819 = tpu.vector_load %arg6[%swap3A_818] {strides = array<i32>} : memref<256xi32, #tpu.memory_space<vmem>>, vector<16xi32>,
    tpu.vector_store %arg6[%swap3A_818], %add3A_786 {strides = array<i32>} : memref<256xi32, #tpu.memory_space<vmem>>, vector<16xi32>,
    %swap3A_820 = arith.constant 240 : index
    %swap3A_821 = tpu.vector_load %arg6[%swap3A_820] {strides = array<i32>} : memref<256xi32, #tpu.memory_space<vmem>>, vector<16xi32>,
    tpu.vector_store %arg6[%swap3A_820], %add3A_789 {strides = array<i32>} : memref<256xi32, #tpu.memory_space<vmem>>, vector<16xi32>,
    %sub3A_822 = arith.constant 131072 : i32
    %sub3A_823 = arith.subi %sub3A_822, %select_n3A_552 : i32
    %broadcast_in_dim3A_824 = arith.constant 0 : i32
    %broadcast_in_dim3A_825 = vector.broadcast %broadcast_in_dim3A_824 : i32 to vector<16xi32>
    %get3A_826 = arith.constant 0 : index
    %get3A_827 = tpu.vector_load %arg6[%get3A_826] {strides = array<i32>} : memref<256xi32, #tpu.memory_space<vmem>>, vector<16xi32>,
    %reduce_sum3A_828 = arith.constant true
    %reduce_sum3A_829 = vector.broadcast %reduce_sum3A_828 : i1 to vector<16xi1>
    %reduce_sum3A_830 = tpu.scan <sum>, %get3A_827 masked %reduce_sum3A_829 : vector<16xi32>, vector<16xi1> -> vector<16xi32>
    %reduce_sum3A_831 = vector.extract %reduce_sum3A_830[15] : i32 from vector<16xi32>
    %eq3A_832 = arith.constant 0 : i32
    %eq3A_833 = vector.broadcast %eq3A_832 : i32 to vector<16xi32>
    %eq3A_834 = arith.cmpi eq, %iota3A, %eq3A_833 : vector<16xi32>
    %broadcast_in_dim3A_835 = vector.broadcast %reduce_sum3A_831 : i32 to vector<16xi32>
    %select_n3A_836 = arith.select %eq3A_834, %broadcast_in_dim3A_835, %broadcast_in_dim3A_825 : vector<16xi1>, vector<16xi32>
    %get3A_837 = arith.constant 16 : index
    %get3A_838 = tpu.vector_load %arg6[%get3A_837] {strides = array<i32>} : memref<256xi32, #tpu.memory_space<vmem>>, vector<16xi32>,
    %reduce_sum3A_839 = arith.constant true
    %reduce_sum3A_840 = vector.broadcast %reduce_sum3A_839 : i1 to vector<16xi1>
    %reduce_sum3A_841 = tpu.scan <sum>, %get3A_838 masked %reduce_sum3A_840 : vector<16xi32>, vector<16xi1> -> vector<16xi32>
    %reduce_sum3A_842 = vector.extract %reduce_sum3A_841[15] : i32 from vector<16xi32>
    %eq3A_843 = arith.constant 1 : i32
    %eq3A_844 = vector.broadcast %eq3A_843 : i32 to vector<16xi32>
    %eq3A_845 = arith.cmpi eq, %iota3A, %eq3A_844 : vector<16xi32>
    %broadcast_in_dim3A_846 = vector.broadcast %reduce_sum3A_842 : i32 to vector<16xi32>
    %select_n3A_847 = arith.select %eq3A_845, %broadcast_in_dim3A_846, %select_n3A_836 : vector<16xi1>, vector<16xi32>
    %get3A_848 = arith.constant 32 : index
    %get3A_849 = tpu.vector_load %arg6[%get3A_848] {strides = array<i32>} : memref<256xi32, #tpu.memory_space<vmem>>, vector<16xi32>,
    %reduce_sum3A_850 = arith.constant true
    %reduce_sum3A_851 = vector.broadcast %reduce_sum3A_850 : i1 to vector<16xi1>
    %reduce_sum3A_852 = tpu.scan <sum>, %get3A_849 masked %reduce_sum3A_851 : vector<16xi32>, vector<16xi1> -> vector<16xi32>
    %reduce_sum3A_853 = vector.extract %reduce_sum3A_852[15] : i32 from vector<16xi32>
    %eq3A_854 = arith.constant 2 : i32
    %eq3A_855 = vector.broadcast %eq3A_854 : i32 to vector<16xi32>
    %eq3A_856 = arith.cmpi eq, %iota3A, %eq3A_855 : vector<16xi32>
    %broadcast_in_dim3A_857 = vector.broadcast %reduce_sum3A_853 : i32 to vector<16xi32>
    %select_n3A_858 = arith.select %eq3A_856, %broadcast_in_dim3A_857, %select_n3A_847 : vector<16xi1>, vector<16xi32>
    %get3A_859 = arith.constant 48 : index
    %get3A_860 = tpu.vector_load %arg6[%get3A_859] {strides = array<i32>} : memref<256xi32, #tpu.memory_space<vmem>>, vector<16xi32>,
    %reduce_sum3A_861 = arith.constant true
    %reduce_sum3A_862 = vector.broadcast %reduce_sum3A_861 : i1 to vector<16xi1>
    %reduce_sum3A_863 = tpu.scan <sum>, %get3A_860 masked %reduce_sum3A_862 : vector<16xi32>, vector<16xi1> -> vector<16xi32>
    %reduce_sum3A_864 = vector.extract %reduce_sum3A_863[15] : i32 from vector<16xi32>
    %eq3A_865 = arith.constant 3 : i32
    %eq3A_866 = vector.broadcast %eq3A_865 : i32 to vector<16xi32>
    %eq3A_867 = arith.cmpi eq, %iota3A, %eq3A_866 : vector<16xi32>
    %broadcast_in_dim3A_868 = vector.broadcast %reduce_sum3A_864 : i32 to vector<16xi32>
    %select_n3A_869 = arith.select %eq3A_867, %broadcast_in_dim3A_868, %select_n3A_858 : vector<16xi1>, vector<16xi32>
    %get3A_870 = arith.constant 64 : index
    %get3A_871 = tpu.vector_load %arg6[%get3A_870] {strides = array<i32>} : memref<256xi32, #tpu.memory_space<vmem>>, vector<16xi32>,
    %reduce_sum3A_872 = arith.constant true
    %reduce_sum3A_873 = vector.broadcast %reduce_sum3A_872 : i1 to vector<16xi1>
    %reduce_sum3A_874 = tpu.scan <sum>, %get3A_871 masked %reduce_sum3A_873 : vector<16xi32>, vector<16xi1> -> vector<16xi32>
    %reduce_sum3A_875 = vector.extract %reduce_sum3A_874[15] : i32 from vector<16xi32>
    %eq3A_876 = arith.constant 4 : i32
    %eq3A_877 = vector.broadcast %eq3A_876 : i32 to vector<16xi32>
    %eq3A_878 = arith.cmpi eq, %iota3A, %eq3A_877 : vector<16xi32>
    %broadcast_in_dim3A_879 = vector.broadcast %reduce_sum3A_875 : i32 to vector<16xi32>
    %select_n3A_880 = arith.select %eq3A_878, %broadcast_in_dim3A_879, %select_n3A_869 : vector<16xi1>, vector<16xi32>
    %get3A_881 = arith.constant 80 : index
    %get3A_882 = tpu.vector_load %arg6[%get3A_881] {strides = array<i32>} : memref<256xi32, #tpu.memory_space<vmem>>, vector<16xi32>,
    %reduce_sum3A_883 = arith.constant true
    %reduce_sum3A_884 = vector.broadcast %reduce_sum3A_883 : i1 to vector<16xi1>
    %reduce_sum3A_885 = tpu.scan <sum>, %get3A_882 masked %reduce_sum3A_884 : vector<16xi32>, vector<16xi1> -> vector<16xi32>
    %reduce_sum3A_886 = vector.extract %reduce_sum3A_885[15] : i32 from vector<16xi32>
    %eq3A_887 = arith.constant 5 : i32
    %eq3A_888 = vector.broadcast %eq3A_887 : i32 to vector<16xi32>
    %eq3A_889 = arith.cmpi eq, %iota3A, %eq3A_888 : vector<16xi32>
    %broadcast_in_dim3A_890 = vector.broadcast %reduce_sum3A_886 : i32 to vector<16xi32>
    %select_n3A_891 = arith.select %eq3A_889, %broadcast_in_dim3A_890, %select_n3A_880 : vector<16xi1>, vector<16xi32>
    %get3A_892 = arith.constant 96 : index
    %get3A_893 = tpu.vector_load %arg6[%get3A_892] {strides = array<i32>} : memref<256xi32, #tpu.memory_space<vmem>>, vector<16xi32>,
    %reduce_sum3A_894 = arith.constant true
    %reduce_sum3A_895 = vector.broadcast %reduce_sum3A_894 : i1 to vector<16xi1>
    %reduce_sum3A_896 = tpu.scan <sum>, %get3A_893 masked %reduce_sum3A_895 : vector<16xi32>, vector<16xi1> -> vector<16xi32>
    %reduce_sum3A_897 = vector.extract %reduce_sum3A_896[15] : i32 from vector<16xi32>
    %eq3A_898 = arith.constant 6 : i32
    %eq3A_899 = vector.broadcast %eq3A_898 : i32 to vector<16xi32>
    %eq3A_900 = arith.cmpi eq, %iota3A, %eq3A_899 : vector<16xi32>
    %broadcast_in_dim3A_901 = vector.broadcast %reduce_sum3A_897 : i32 to vector<16xi32>
    %select_n3A_902 = arith.select %eq3A_900, %broadcast_in_dim3A_901, %select_n3A_891 : vector<16xi1>, vector<16xi32>
    %get3A_903 = arith.constant 112 : index
    %get3A_904 = tpu.vector_load %arg6[%get3A_903] {strides = array<i32>} : memref<256xi32, #tpu.memory_space<vmem>>, vector<16xi32>,
    %reduce_sum3A_905 = arith.constant true
    %reduce_sum3A_906 = vector.broadcast %reduce_sum3A_905 : i1 to vector<16xi1>
    %reduce_sum3A_907 = tpu.scan <sum>, %get3A_904 masked %reduce_sum3A_906 : vector<16xi32>, vector<16xi1> -> vector<16xi32>
    %reduce_sum3A_908 = vector.extract %reduce_sum3A_907[15] : i32 from vector<16xi32>
    %eq3A_909 = arith.constant 7 : i32
    %eq3A_910 = vector.broadcast %eq3A_909 : i32 to vector<16xi32>
    %eq3A_911 = arith.cmpi eq, %iota3A, %eq3A_910 : vector<16xi32>
    %broadcast_in_dim3A_912 = vector.broadcast %reduce_sum3A_908 : i32 to vector<16xi32>
    %select_n3A_913 = arith.select %eq3A_911, %broadcast_in_dim3A_912, %select_n3A_902 : vector<16xi1>, vector<16xi32>
    %get3A_914 = arith.constant 128 : index
    %get3A_915 = tpu.vector_load %arg6[%get3A_914] {strides = array<i32>} : memref<256xi32, #tpu.memory_space<vmem>>, vector<16xi32>,
    %reduce_sum3A_916 = arith.constant true
    %reduce_sum3A_917 = vector.broadcast %reduce_sum3A_916 : i1 to vector<16xi1>
    %reduce_sum3A_918 = tpu.scan <sum>, %get3A_915 masked %reduce_sum3A_917 : vector<16xi32>, vector<16xi1> -> vector<16xi32>
    %reduce_sum3A_919 = vector.extract %reduce_sum3A_918[15] : i32 from vector<16xi32>
    %eq3A_920 = arith.constant 8 : i32
    %eq3A_921 = vector.broadcast %eq3A_920 : i32 to vector<16xi32>
    %eq3A_922 = arith.cmpi eq, %iota3A, %eq3A_921 : vector<16xi32>
    %broadcast_in_dim3A_923 = vector.broadcast %reduce_sum3A_919 : i32 to vector<16xi32>
    %select_n3A_924 = arith.select %eq3A_922, %broadcast_in_dim3A_923, %select_n3A_913 : vector<16xi1>, vector<16xi32>
    %get3A_925 = arith.constant 144 : index
    %get3A_926 = tpu.vector_load %arg6[%get3A_925] {strides = array<i32>} : memref<256xi32, #tpu.memory_space<vmem>>, vector<16xi32>,
    %reduce_sum3A_927 = arith.constant true
    %reduce_sum3A_928 = vector.broadcast %reduce_sum3A_927 : i1 to vector<16xi1>
    %reduce_sum3A_929 = tpu.scan <sum>, %get3A_926 masked %reduce_sum3A_928 : vector<16xi32>, vector<16xi1> -> vector<16xi32>
    %reduce_sum3A_930 = vector.extract %reduce_sum3A_929[15] : i32 from vector<16xi32>
    %eq3A_931 = arith.constant 9 : i32
    %eq3A_932 = vector.broadcast %eq3A_931 : i32 to vector<16xi32>
    %eq3A_933 = arith.cmpi eq, %iota3A, %eq3A_932 : vector<16xi32>
    %broadcast_in_dim3A_934 = vector.broadcast %reduce_sum3A_930 : i32 to vector<16xi32>
    %select_n3A_935 = arith.select %eq3A_933, %broadcast_in_dim3A_934, %select_n3A_924 : vector<16xi1>, vector<16xi32>
    %get3A_936 = arith.constant 160 : index
    %get3A_937 = tpu.vector_load %arg6[%get3A_936] {strides = array<i32>} : memref<256xi32, #tpu.memory_space<vmem>>, vector<16xi32>,
    %reduce_sum3A_938 = arith.constant true
    %reduce_sum3A_939 = vector.broadcast %reduce_sum3A_938 : i1 to vector<16xi1>
    %reduce_sum3A_940 = tpu.scan <sum>, %get3A_937 masked %reduce_sum3A_939 : vector<16xi32>, vector<16xi1> -> vector<16xi32>
    %reduce_sum3A_941 = vector.extract %reduce_sum3A_940[15] : i32 from vector<16xi32>
    %eq3A_942 = arith.constant 10 : i32
    %eq3A_943 = vector.broadcast %eq3A_942 : i32 to vector<16xi32>
    %eq3A_944 = arith.cmpi eq, %iota3A, %eq3A_943 : vector<16xi32>
    %broadcast_in_dim3A_945 = vector.broadcast %reduce_sum3A_941 : i32 to vector<16xi32>
    %select_n3A_946 = arith.select %eq3A_944, %broadcast_in_dim3A_945, %select_n3A_935 : vector<16xi1>, vector<16xi32>
    %get3A_947 = arith.constant 176 : index
    %get3A_948 = tpu.vector_load %arg6[%get3A_947] {strides = array<i32>} : memref<256xi32, #tpu.memory_space<vmem>>, vector<16xi32>,
    %reduce_sum3A_949 = arith.constant true
    %reduce_sum3A_950 = vector.broadcast %reduce_sum3A_949 : i1 to vector<16xi1>
    %reduce_sum3A_951 = tpu.scan <sum>, %get3A_948 masked %reduce_sum3A_950 : vector<16xi32>, vector<16xi1> -> vector<16xi32>
    %reduce_sum3A_952 = vector.extract %reduce_sum3A_951[15] : i32 from vector<16xi32>
    %eq3A_953 = arith.constant 11 : i32
    %eq3A_954 = vector.broadcast %eq3A_953 : i32 to vector<16xi32>
    %eq3A_955 = arith.cmpi eq, %iota3A, %eq3A_954 : vector<16xi32>
    %broadcast_in_dim3A_956 = vector.broadcast %reduce_sum3A_952 : i32 to vector<16xi32>
    %select_n3A_957 = arith.select %eq3A_955, %broadcast_in_dim3A_956, %select_n3A_946 : vector<16xi1>, vector<16xi32>
    %get3A_958 = arith.constant 192 : index
    %get3A_959 = tpu.vector_load %arg6[%get3A_958] {strides = array<i32>} : memref<256xi32, #tpu.memory_space<vmem>>, vector<16xi32>,
    %reduce_sum3A_960 = arith.constant true
    %reduce_sum3A_961 = vector.broadcast %reduce_sum3A_960 : i1 to vector<16xi1>
    %reduce_sum3A_962 = tpu.scan <sum>, %get3A_959 masked %reduce_sum3A_961 : vector<16xi32>, vector<16xi1> -> vector<16xi32>
    %reduce_sum3A_963 = vector.extract %reduce_sum3A_962[15] : i32 from vector<16xi32>
    %eq3A_964 = arith.constant 12 : i32
    %eq3A_965 = vector.broadcast %eq3A_964 : i32 to vector<16xi32>
    %eq3A_966 = arith.cmpi eq, %iota3A, %eq3A_965 : vector<16xi32>
    %broadcast_in_dim3A_967 = vector.broadcast %reduce_sum3A_963 : i32 to vector<16xi32>
    %select_n3A_968 = arith.select %eq3A_966, %broadcast_in_dim3A_967, %select_n3A_957 : vector<16xi1>, vector<16xi32>
    %get3A_969 = arith.constant 208 : index
    %get3A_970 = tpu.vector_load %arg6[%get3A_969] {strides = array<i32>} : memref<256xi32, #tpu.memory_space<vmem>>, vector<16xi32>,
    %reduce_sum3A_971 = arith.constant true
    %reduce_sum3A_972 = vector.broadcast %reduce_sum3A_971 : i1 to vector<16xi1>
    %reduce_sum3A_973 = tpu.scan <sum>, %get3A_970 masked %reduce_sum3A_972 : vector<16xi32>, vector<16xi1> -> vector<16xi32>
    %reduce_sum3A_974 = vector.extract %reduce_sum3A_973[15] : i32 from vector<16xi32>
    %eq3A_975 = arith.constant 13 : i32
    %eq3A_976 = vector.broadcast %eq3A_975 : i32 to vector<16xi32>
    %eq3A_977 = arith.cmpi eq, %iota3A, %eq3A_976 : vector<16xi32>
    %broadcast_in_dim3A_978 = vector.broadcast %reduce_sum3A_974 : i32 to vector<16xi32>
    %select_n3A_979 = arith.select %eq3A_977, %broadcast_in_dim3A_978, %select_n3A_968 : vector<16xi1>, vector<16xi32>
    %get3A_980 = arith.constant 224 : index
    %get3A_981 = tpu.vector_load %arg6[%get3A_980] {strides = array<i32>} : memref<256xi32, #tpu.memory_space<vmem>>, vector<16xi32>,
    %reduce_sum3A_982 = arith.constant true
    %reduce_sum3A_983 = vector.broadcast %reduce_sum3A_982 : i1 to vector<16xi1>
    %reduce_sum3A_984 = tpu.scan <sum>, %get3A_981 masked %reduce_sum3A_983 : vector<16xi32>, vector<16xi1> -> vector<16xi32>
    %reduce_sum3A_985 = vector.extract %reduce_sum3A_984[15] : i32 from vector<16xi32>
    %eq3A_986 = arith.constant 14 : i32
    %eq3A_987 = vector.broadcast %eq3A_986 : i32 to vector<16xi32>
    %eq3A_988 = arith.cmpi eq, %iota3A, %eq3A_987 : vector<16xi32>
    %broadcast_in_dim3A_989 = vector.broadcast %reduce_sum3A_985 : i32 to vector<16xi32>
    %select_n3A_990 = arith.select %eq3A_988, %broadcast_in_dim3A_989, %select_n3A_979 : vector<16xi1>, vector<16xi32>
    %get3A_991 = arith.constant 240 : index
    %get3A_992 = tpu.vector_load %arg6[%get3A_991] {strides = array<i32>} : memref<256xi32, #tpu.memory_space<vmem>>, vector<16xi32>,
    %reduce_sum3A_993 = arith.constant true
    %reduce_sum3A_994 = vector.broadcast %reduce_sum3A_993 : i1 to vector<16xi1>
    %reduce_sum3A_995 = tpu.scan <sum>, %get3A_992 masked %reduce_sum3A_994 : vector<16xi32>, vector<16xi1> -> vector<16xi32>
    %reduce_sum3A_996 = vector.extract %reduce_sum3A_995[15] : i32 from vector<16xi32>
    %eq3A_997 = arith.constant 15 : i32
    %eq3A_998 = vector.broadcast %eq3A_997 : i32 to vector<16xi32>
    %eq3A_999 = arith.cmpi eq, %iota3A, %eq3A_998 : vector<16xi32>
    %broadcast_in_dim3A_1000 = vector.broadcast %reduce_sum3A_996 : i32 to vector<16xi32>
    %select_n3A_1001 = arith.select %eq3A_999, %broadcast_in_dim3A_1000, %select_n3A_990 : vector<16xi1>, vector<16xi32>
    %rev3A_1002 = arith.constant 15 : i32
    %rev3A_1003 = vector.broadcast %rev3A_1002 : i32 to vector<16xi32>
    %rev3A_1004 = tpu.iota {dimensions = array<i32: 0>} : vector<16xi32>
    %rev3A_1005 = arith.subi %rev3A_1003, %rev3A_1004 : vector<16xi32>
    %rev3A_1006 = tpu.dynamic_gather %select_n3A_1001[%rev3A_1005] in [0] : vector<16xi32>, vector<16xi32> -> vector<16xi32>
    %broadcast_in_dim3A_1007 = arith.constant true
    %broadcast_in_dim3A_1008 = vector.broadcast %broadcast_in_dim3A_1007 : i1 to vector<16xi1>
    %masked_cumsum3A_1009 = tpu.scan <sum>, %rev3A_1006 masked %broadcast_in_dim3A_1008 : vector<16xi32>, vector<16xi1> -> vector<16xi32>
    %rev3A_1010 = arith.constant 15 : i32
    %rev3A_1011 = vector.broadcast %rev3A_1010 : i32 to vector<16xi32>
    %rev3A_1012 = tpu.iota {dimensions = array<i32: 0>} : vector<16xi32>
    %rev3A_1013 = arith.subi %rev3A_1011, %rev3A_1012 : vector<16xi32>
    %rev3A_1014 = tpu.dynamic_gather %masked_cumsum3A_1009[%rev3A_1013] in [0] : vector<16xi32>, vector<16xi32> -> vector<16xi32>
    %ge3A_1015 = vector.broadcast %sub3A_823 : i32 to vector<16xi32>
    %ge3A_1016 = arith.cmpi sge, %masked_cumsum3A_1009, %ge3A_1015 : vector<16xi32>
    %all_reduce_ffs3A_1017 = tpu.all_reduce %ge3A_1016 {dim = 0 : i64, kind = #tpu.reduction_kind<find_first_set>} : vector<16xi1> -> vector<16xi32>
    %reduce_max3A_1018 = arith.constant true
    %reduce_max3A_1019 = vector.broadcast %reduce_max3A_1018 : i1 to vector<16xi1>
    %reduce_max3A_1020 = arith.constant -2147483648 : i32
    %reduce_max3A_1021 = vector.broadcast %reduce_max3A_1020 : i32 to vector<16xi32>
    %reduce_max3A_1022 = arith.xori %all_reduce_ffs3A_1017, %reduce_max3A_1021 : vector<16xi32>
    %reduce_max3A_1023 = tpu.scan <max>, %reduce_max3A_1022 masked %reduce_max3A_1019 : vector<16xi32>, vector<16xi1> -> vector<16xi32>
    %reduce_max3A_1024 = arith.xori %reduce_max3A_1023, %reduce_max3A_1021 : vector<16xi32>
    %reduce_max3A_1025 = vector.extract %reduce_max3A_1024[15] : i32 from vector<16xi32>
    %sub3A_1026 = arith.constant 15 : i32
    %sub3A_1027 = arith.subi %sub3A_1026, %reduce_max3A_1025 : i32
    %add3A_1028 = arith.constant 1 : i32
    %add3A_1029 = arith.addi %sub3A_1027, %add3A_1028 : i32
    %eq3A_1030 = vector.broadcast %add3A_1029 : i32 to vector<16xi32>
    %eq3A_1031 = arith.cmpi eq, %iota3A, %eq3A_1030 : vector<16xi32>
    %jit3A_1032 = arith.constant 0 : i32
    %broadcast_in_dim3A_1033 = vector.broadcast %jit3A_1032 : i32 to vector<16xi32>
    %select_n3A_1034 = arith.select %eq3A_1031, %rev3A_1014, %broadcast_in_dim3A_1033 : vector<16xi1>, vector<16xi32>
    %reduce_sum3A_1035 = arith.constant true
    %reduce_sum3A_1036 = vector.broadcast %reduce_sum3A_1035 : i1 to vector<16xi1>
    %reduce_sum3A_1037 = tpu.scan <sum>, %select_n3A_1034 masked %reduce_sum3A_1036 : vector<16xi32>, vector<16xi1> -> vector<16xi32>
    %reduce_sum3A_1038 = vector.extract %reduce_sum3A_1037[15] : i32 from vector<16xi32>
    %mul3A_1039 = arith.constant 16 : i32
    %mul3A_1040 = arith.muli %sub3A_1027, %mul3A_1039 : i32
    %get3A_1041 = arith.index_cast %mul3A_1040 : i32 to index
    %get3A_1042 = tpu.vector_load %arg6[%get3A_1041] {strides = array<i32>} : memref<256xi32, #tpu.memory_space<vmem>>, vector<16xi32>,
    %rev3A_1043 = arith.constant 15 : i32
    %rev3A_1044 = vector.broadcast %rev3A_1043 : i32 to vector<16xi32>
    %rev3A_1045 = tpu.iota {dimensions = array<i32: 0>} : vector<16xi32>
    %rev3A_1046 = arith.subi %rev3A_1044, %rev3A_1045 : vector<16xi32>
    %rev3A_1047 = tpu.dynamic_gather %get3A_1042[%rev3A_1046] in [0] : vector<16xi32>, vector<16xi32> -> vector<16xi32>
    %broadcast_in_dim3A_1048 = arith.constant true
    %broadcast_in_dim3A_1049 = vector.broadcast %broadcast_in_dim3A_1048 : i1 to vector<16xi1>
    %masked_cumsum3A_1050 = tpu.scan <sum>, %rev3A_1047 masked %broadcast_in_dim3A_1049 : vector<16xi32>, vector<16xi1> -> vector<16xi32>
    %add3A_1051 = vector.broadcast %reduce_sum3A_1038 : i32 to vector<16xi32>
    %add3A_1052 = arith.addi %masked_cumsum3A_1050, %add3A_1051 : vector<16xi32>
    %rev3A_1053 = arith.constant 15 : i32
    %rev3A_1054 = vector.broadcast %rev3A_1053 : i32 to vector<16xi32>
    %rev3A_1055 = tpu.iota {dimensions = array<i32: 0>} : vector<16xi32>
    %rev3A_1056 = arith.subi %rev3A_1054, %rev3A_1055 : vector<16xi32>
    %rev3A_1057 = tpu.dynamic_gather %add3A_1052[%rev3A_1056] in [0] : vector<16xi32>, vector<16xi32> -> vector<16xi32>
    %ge3A_1058 = vector.broadcast %sub3A_823 : i32 to vector<16xi32>
    %ge3A_1059 = arith.cmpi sge, %add3A_1052, %ge3A_1058 : vector<16xi32>
    %all_reduce_ffs3A_1060 = tpu.all_reduce %ge3A_1059 {dim = 0 : i64, kind = #tpu.reduction_kind<find_first_set>} : vector<16xi1> -> vector<16xi32>
    %reduce_max3A_1061 = arith.constant true
    %reduce_max3A_1062 = vector.broadcast %reduce_max3A_1061 : i1 to vector<16xi1>
    %reduce_max3A_1063 = arith.constant -2147483648 : i32
    %reduce_max3A_1064 = vector.broadcast %reduce_max3A_1063 : i32 to vector<16xi32>
    %reduce_max3A_1065 = arith.xori %all_reduce_ffs3A_1060, %reduce_max3A_1064 : vector<16xi32>
    %reduce_max3A_1066 = tpu.scan <max>, %reduce_max3A_1065 masked %reduce_max3A_1062 : vector<16xi32>, vector<16xi1> -> vector<16xi32>
    %reduce_max3A_1067 = arith.xori %reduce_max3A_1066, %reduce_max3A_1064 : vector<16xi32>
    %reduce_max3A_1068 = vector.extract %reduce_max3A_1067[15] : i32 from vector<16xi32>
    %sub3A_1069 = arith.constant 15 : i32
    %sub3A_1070 = arith.subi %sub3A_1069, %reduce_max3A_1068 : i32
    %ge3A_1071 = arith.constant 15 : i32
    %ge3A_1072 = arith.cmpi sge, %sub3A_1070, %ge3A_1071 : i32
    %add3A_1073 = arith.constant 1 : i32
    %add3A_1074 = arith.addi %sub3A_1070, %add3A_1073 : i32
    %eq3A_1075 = vector.broadcast %add3A_1074 : i32 to vector<16xi32>
    %eq3A_1076 = arith.cmpi eq, %iota3A, %eq3A_1075 : vector<16xi32>
    %jit3A_1077 = arith.constant 0 : i32
    %broadcast_in_dim3A_1078 = vector.broadcast %jit3A_1077 : i32 to vector<16xi32>
    %select_n3A_1079 = arith.select %eq3A_1076, %rev3A_1057, %broadcast_in_dim3A_1078 : vector<16xi1>, vector<16xi32>
    %reduce_sum3A_1080 = arith.constant true
    %reduce_sum3A_1081 = vector.broadcast %reduce_sum3A_1080 : i1 to vector<16xi1>
    %reduce_sum3A_1082 = tpu.scan <sum>, %select_n3A_1079 masked %reduce_sum3A_1081 : vector<16xi32>, vector<16xi1> -> vector<16xi32>
    %reduce_sum3A_1083 = vector.extract %reduce_sum3A_1082[15] : i32 from vector<16xi32>
    %select_n3A_1084 = arith.select %ge3A_1072, %reduce_sum3A_1038, %reduce_sum3A_1083 : i32
    %mul3A_1085 = arith.constant 16 : i32
    %mul3A_1086 = arith.muli %sub3A_1027, %mul3A_1085 : i32
    %add3A_1087 = arith.addi %mul3A_1086, %sub3A_1070 : i32
    %mul3A_1088 = arith.constant 256 : i32
    %mul3A_1089 = arith.muli %add3A_555, %mul3A_1088 : i32
    %add3A_1090 = arith.addi %mul3A_1089, %add3A_1087 : i32
    %broadcast_in_dim3A_1091 = vector.broadcast %add3A_1090 : i32 to vector<16xi32>
    %add3A_1092 = arith.constant 1 : i32
    %add3A_1093 = vector.broadcast %add3A_1092 : i32 to vector<16xi32>
    %add3A_1094 = arith.addi %broadcast_in_dim3A_1091, %add3A_1093 : vector<16xi32>
    %shift_left3A = arith.constant 16 : i32
    %shift_left3A_1095 = vector.broadcast %shift_left3A : i32 to vector<16xi32>
    %shift_left3A_1096 = arith.shli %add3A_1094, %shift_left3A_1095 : vector<16xi32>
    %shift_left3A_1097 = arith.constant 16 : i32
    %shift_left3A_1098 = vector.broadcast %shift_left3A_1097 : i32 to vector<16xi32>
    %shift_left3A_1099 = arith.shli %broadcast_in_dim3A_1091, %shift_left3A_1098 : vector<16xi32>
    %or3A = arith.constant 32768 : i32
    %or3A_1100 = vector.broadcast %or3A : i32 to vector<16xi32>
    %or3A_1101 = arith.ori %shift_left3A_1099, %or3A_1100 : vector<16xi32>
    %ge3A_1102 = arith.constant -2147483648 : i32
    %ge3A_1103 = vector.broadcast %ge3A_1102 : i32 to vector<16xi32>
    %ge3A_1104 = arith.cmpi uge, %shift_left3A_1096, %ge3A_1103 : vector<16xi32>
    %and3A_1105 = arith.constant 2147483647 : i32
    %and3A_1106 = vector.broadcast %and3A_1105 : i32 to vector<16xi32>
    %and3A_1107 = arith.andi %shift_left3A_1096, %and3A_1106 : vector<16xi32>
    %not3A = arith.constant dense<-1> : vector<16xi32>
    %not3A_1108 = arith.xori %shift_left3A_1096, %not3A : vector<16xi32>
    %select_n3A_1109 = arith.select %ge3A_1104, %and3A_1107, %not3A_1108 : vector<16xi1>, vector<16xi32>
    %bitcast_convert_type3A = tpu.bitcast %select_n3A_1109 : vector<16xi32> -> vector<16xf32>
    %ge3A_1110 = arith.constant -2147483648 : i32
    %ge3A_1111 = vector.broadcast %ge3A_1110 : i32 to vector<16xi32>
    %ge3A_1112 = arith.cmpi uge, %or3A_1101, %ge3A_1111 : vector<16xi32>
    %and3A_1113 = arith.constant 2147483647 : i32
    %and3A_1114 = vector.broadcast %and3A_1113 : i32 to vector<16xi32>
    %and3A_1115 = arith.andi %or3A_1101, %and3A_1114 : vector<16xi32>
    %not3A_1116 = arith.constant dense<-1> : vector<16xi32>
    %not3A_1117 = arith.xori %or3A_1101, %not3A_1116 : vector<16xi32>
    %select_n3A_1118 = arith.select %ge3A_1112, %and3A_1115, %not3A_1117 : vector<16xi1>, vector<16xi32>
    %bitcast_convert_type3A_1119 = tpu.bitcast %select_n3A_1118 : vector<16xi32> -> vector<16xf32>
    %broadcast_in_dim3A_1120 = arith.constant 0 : i32
    %broadcast_in_dim3A_1121 = vector.broadcast %broadcast_in_dim3A_1120 : i32 to vector<16xi32>
    %broadcast_in_dim3A_1122 = arith.constant 0.000000e+00 : f32
    %broadcast_in_dim3A_1123 = vector.broadcast %broadcast_in_dim3A_1122 : f32 to vector<16xf32>
    %scan3A_1124 = arith.constant 0 : i32
    %scan3A_1125 = arith.constant 4096 : i32
    %scan3A_1126 = arith.addi %scan3A_1124, %scan3A_1125 : i32
    %scan3A_1127 = arith.constant 1 : i32
    %scan3A_1128:2 = scf.for %scan3A_1156 = %scan3A_1124 to %scan3A_1126 step %scan3A_1127 iter_args(%scan3A_1157 = %broadcast_in_dim3A_1121, %scan3A_1158 = %broadcast_in_dim3A_1123) -> (vector<16xi32>, vector<16xf32>)  : i32 {
      %mul3A_1159 = arith.constant 16 : i32
      %mul3A_1160 = arith.muli %scan3A_1156, %mul3A_1159 : i32
      %get3A_1161 = arith.index_cast %mul3A_1160 : i32 to index
      %get3A_1162 = tpu.vector_load %arg4[%get3A_1161] {strides = array<i32>} : memref<65536xf32, #tpu.memory_space<vmem>>, vector<16xf32>,
      %ge3A_1163 = arith.cmpf oge, %get3A_1162, %bitcast_convert_type3A : vector<16xf32>
      %jit3A_1164 = arith.constant 1 : i32
      %jit3A_1165 = arith.constant 0 : i32
      %broadcast_in_dim3A_1166 = vector.broadcast %jit3A_1164 : i32 to vector<16xi32>
      %broadcast_in_dim3A_1167 = vector.broadcast %jit3A_1165 : i32 to vector<16xi32>
      %select_n3A_1168 = arith.select %ge3A_1163, %broadcast_in_dim3A_1166, %broadcast_in_dim3A_1167 : vector<16xi1>, vector<16xi32>
      %add3A_1169 = arith.addi %scan3A_1157, %select_n3A_1168 : vector<16xi32>
      %jit3A_1170 = arith.constant 0.000000e+00 : f32
      %broadcast_in_dim3A_1171 = vector.broadcast %jit3A_1170 : f32 to vector<16xf32>
      %select_n3A_1172 = arith.select %ge3A_1163, %get3A_1162, %broadcast_in_dim3A_1171 : vector<16xi1>, vector<16xf32>
      %add3A_1173 = arith.addf %scan3A_1158, %select_n3A_1172 : vector<16xf32>
      scf.yield %add3A_1169, %add3A_1173 : vector<16xi32>, vector<16xf32>
    }
    %scan3A_1129 = arith.constant 4096 : i32
    %reduce_sum3A_1130 = arith.constant true
    %reduce_sum3A_1131 = vector.broadcast %reduce_sum3A_1130 : i1 to vector<16xi1>
    %reduce_sum3A_1132 = tpu.scan <sum>, %scan3A_1128#0 masked %reduce_sum3A_1131 : vector<16xi32>, vector<16xi1> -> vector<16xi32>
    %reduce_sum3A_1133 = vector.extract %reduce_sum3A_1132[15] : i32 from vector<16xi32>
    %convert_element_type3A = arith.sitofp %reduce_sum3A_1133 : i32 to f32
    %reduce_sum3A_1134 = arith.constant true
    %reduce_sum3A_1135 = vector.broadcast %reduce_sum3A_1134 : i1 to vector<16xi1>
    %reduce_sum3A_1136 = tpu.scan <sum>, %scan3A_1128#1 masked %reduce_sum3A_1135 : vector<16xf32>, vector<16xi1> -> vector<16xf32>
    %reduce_sum3A_1137 = vector.extract %reduce_sum3A_1136[15] : f32 from vector<16xf32>
    %eq3A_1138 = arith.constant 0 : i32
    %eq3A_1139 = vector.broadcast %eq3A_1138 : i32 to vector<16xi32>
    %eq3A_1140 = arith.cmpi eq, %iota3A, %eq3A_1139 : vector<16xi32>
    %jit3A_1141 = arith.constant 0.000000e+00 : f32
    %broadcast_in_dim3A_1142 = vector.broadcast %convert_element_type3A : f32 to vector<16xf32>
    %broadcast_in_dim3A_1143 = vector.broadcast %jit3A_1141 : f32 to vector<16xf32>
    %select_n3A_1144 = arith.select %eq3A_1140, %broadcast_in_dim3A_1142, %broadcast_in_dim3A_1143 : vector<16xi1>, vector<16xf32>
    %eq3A_1145 = arith.constant 1 : i32
    %eq3A_1146 = vector.broadcast %eq3A_1145 : i32 to vector<16xi32>
    %eq3A_1147 = arith.cmpi eq, %iota3A, %eq3A_1146 : vector<16xi32>
    %broadcast_in_dim3A_1148 = vector.broadcast %reduce_sum3A_1137 : f32 to vector<16xf32>
    %select_n3A_1149 = arith.select %eq3A_1147, %broadcast_in_dim3A_1148, %select_n3A_1144 : vector<16xi1>, vector<16xf32>
    %eq3A_1150 = arith.constant 2 : i32
    %eq3A_1151 = vector.broadcast %eq3A_1150 : i32 to vector<16xi32>
    %eq3A_1152 = arith.cmpi eq, %iota3A, %eq3A_1151 : vector<16xi32>
    %select_n3A_1153 = arith.select %eq3A_1152, %bitcast_convert_type3A_1119, %select_n3A_1149 : vector<16xi1>, vector<16xf32>
    %swap3A_1154 = arith.constant 0 : index
    %swap3A_1155 = tpu.vector_load %arg9[%swap3A_1154] {strides = array<i32>} : memref<16xf32, #tpu.memory_space<vmem>>, vector<16xf32>,
    tpu.vector_store %arg9[%swap3A_1154], %select_n3A_1153 {strides = array<i32>} : memref<16xf32, #tpu.memory_space<vmem>>, vector<16xf32>,
    "tpu.region"() ({
      %run_scoped3A = tpu.sem_alloc : memref<!tpu.dma_semaphore, #tpu.memory_space<semaphore_mem>>
      %dma_start3A = arith.constant 0 : i32
      %dma_start3A_1156 = tpu.memref_slice %arg3[%add3A_33, %dma_start3A] : memref<32x16xf32, #tpu.memory_space<hbm>> -> memref<1x16xf32, #tpu.memory_space<hbm>>
      %dma_start3A_1157 = tpu.memref_squeeze %dma_start3A_1156 : memref<1x16xf32, #tpu.memory_space<hbm>> -> memref<16xf32, #tpu.memory_space<hbm>>
      %dma_start3A_1158 = arith.constant 0 : i32
      %dma_start3A_1159 = tpu.memref_slice %arg3[%add3A_33, %dma_start3A_1158] : memref<32x16xf32, #tpu.memory_space<hbm>> -> memref<1x16xf32, #tpu.memory_space<hbm>>
      %dma_start3A_1160 = tpu.memref_squeeze %dma_start3A_1159 : memref<1x16xf32, #tpu.memory_space<hbm>> -> memref<16xf32, #tpu.memory_space<hbm>>
      tpu.enqueue_dma source(%arg9 : memref<16xf32, #tpu.memory_space<vmem>>) target(%dma_start3A_1160 : memref<16xf32, #tpu.memory_space<hbm>>) target_semaphore(%run_scoped3A : memref<!tpu.dma_semaphore, #tpu.memory_space<semaphore_mem>>)
      %dma_wait3A = arith.constant 0 : i32
      %dma_wait3A_1161 = tpu.memref_slice %arg3[%add3A_33, %dma_wait3A] : memref<32x16xf32, #tpu.memory_space<hbm>> -> memref<1x16xf32, #tpu.memory_space<hbm>>
      %dma_wait3A_1162 = tpu.memref_squeeze %dma_wait3A_1161 : memref<1x16xf32, #tpu.memory_space<hbm>> -> memref<16xf32, #tpu.memory_space<hbm>>
      %dma_wait3A_1163 = arith.constant 0 : i32
      %dma_wait3A_1164 = tpu.memref_slice %arg3[%add3A_33, %dma_wait3A_1163] : memref<32x16xf32, #tpu.memory_space<hbm>> -> memref<1x16xf32, #tpu.memory_space<hbm>>
      %dma_wait3A_1165 = tpu.memref_squeeze %dma_wait3A_1164 : memref<1x16xf32, #tpu.memory_space<hbm>> -> memref<16xf32, #tpu.memory_space<hbm>>
      tpu.wait_dma2 semaphore(%run_scoped3A : memref<!tpu.dma_semaphore, #tpu.memory_space<semaphore_mem>>) src(%arg9 : memref<16xf32, #tpu.memory_space<vmem>>) dst(%dma_wait3A_1165 : memref<16xf32, #tpu.memory_space<hbm>>)
      tpu.yield
    }) : () -> ()
    return
  }
}

module attributes {stable_mosaic.version = 14 : i64} {
  func.func @_ce_kernel(%arg0: i32, %arg1: i32, %arg2: memref<1x19x16384xf32, #tpu.memory_space<vmem>>, %arg3: memref<1x1x16384xi32, #tpu.memory_space<vmem>>, %arg4: memref<1x1x16384xf32, #tpu.memory_space<vmem>>) attributes {dimension_semantics = [#tpu.dimension_semantics<arbitrary>, #tpu.dimension_semantics<arbitrary>], iteration_bounds = array<i64: 8, 16>, scalar_prefetch = 0 : i64, scratch_operands = 0 : i64, tpu.core_type = #tpu.core_type<tc>, window_params = [{transform_indices = @transform_0, window_bounds = array<i64: 1, 19, 16384>}, {transform_indices = @transform_1, window_bounds = array<i64: 1, 1, 16384>}, {transform_indices = @transform_2, window_bounds = array<i64: 1, 1, 16384>}]} {
    %get3A = arith.constant 0 : index
    %get3A_0 = arith.constant 0 : index
    %get3A_1 = arith.constant 0 : index
    %get3A_2 = vector.load %arg2[%get3A, %get3A_0, %get3A_1] : memref<1x19x16384xf32, #tpu.memory_space<vmem>>, vector<1x19x16384xf32>
    %get3A_3 = vector.shape_cast %get3A_2 : vector<1x19x16384xf32> to vector<19x16384xf32>
    %get3A_4 = arith.constant 0 : index
    %get3A_5 = arith.constant 0 : index
    %get3A_6 = arith.constant 0 : index
    %get3A_7 = vector.load %arg3[%get3A_4, %get3A_5, %get3A_6] : memref<1x1x16384xi32, #tpu.memory_space<vmem>>, vector<1x1x16384xi32>
    %get3A_8 = vector.shape_cast %get3A_7 : vector<1x1x16384xi32> to vector<1x16384xi32>
    %exp3A = math.exp %get3A_3 : vector<19x16384xf32>
    %reduce_sum3A = arith.constant dense<0.000000e+00> : vector<16384xf32>
    %reduce_sum3A_9 = vector.multi_reduction <add>, %exp3A, %reduce_sum3A [0] : vector<19x16384xf32> to vector<16384xf32>
    %broadcast_in_dim3A = vector.shape_cast %reduce_sum3A_9 : vector<16384xf32> to vector<1x16384xf32>
    %log3A = math.log %broadcast_in_dim3A : vector<1x16384xf32>
    %iota3A = tpu.iota {dimensions = array<i32: 0>} : vector<19x16384xi32>
    %eq3A = vector.broadcast %get3A_8 : vector<1x16384xi32> to vector<19x16384xi32>
    %eq3A_10 = arith.cmpi eq, %iota3A, %eq3A : vector<19x16384xi32>
    %jit3A = arith.constant 0.000000e+00 : f32
    %broadcast_in_dim3A_11 = vector.broadcast %jit3A : f32 to vector<19x16384xf32>
    %select_n3A = arith.select %eq3A_10, %get3A_3, %broadcast_in_dim3A_11 : vector<19x16384xi1>, vector<19x16384xf32>
    %reduce_sum3A_12 = arith.constant dense<0.000000e+00> : vector<16384xf32>
    %reduce_sum3A_13 = vector.multi_reduction <add>, %select_n3A, %reduce_sum3A_12 [0] : vector<19x16384xf32> to vector<16384xf32>
    %broadcast_in_dim3A_14 = vector.shape_cast %reduce_sum3A_13 : vector<16384xf32> to vector<1x16384xf32>
    %sub3A = arith.subf %log3A, %broadcast_in_dim3A_14 : vector<1x16384xf32>
    %swap3A = arith.constant 0 : index
    %swap3A_15 = arith.constant 0 : index
    %swap3A_16 = arith.constant 0 : index
    %swap3A_17 = vector.load %arg4[%swap3A, %swap3A_15, %swap3A_16] : memref<1x1x16384xf32, #tpu.memory_space<vmem>>, vector<1x1x16384xf32>
    %swap3A_18 = vector.shape_cast %swap3A_17 : vector<1x1x16384xf32> to vector<1x16384xf32>
    %swap3A_19 = vector.shape_cast %sub3A : vector<1x16384xf32> to vector<1x1x16384xf32>
    tpu.vector_store %arg4[%swap3A, %swap3A_15, %swap3A_16], %swap3A_19 {strides = array<i32>} : memref<1x1x16384xf32, #tpu.memory_space<vmem>>, vector<1x1x16384xf32>,
    return
  }
  func.func @transform_0(%arg0: i32, %arg1: i32) -> (i32, i32, i32) {
    %c0_i32 = arith.constant 0 : i32
    %c0_i32_0 = arith.constant 0 : i32
    return %arg0, %c0_i32, %arg1 : i32, i32, i32
  }
  func.func @transform_1(%arg0: i32, %arg1: i32) -> (i32, i32, i32) {
    %c0_i32 = arith.constant 0 : i32
    %c0_i32_0 = arith.constant 0 : i32
    return %arg0, %c0_i32, %arg1 : i32, i32, i32
  }
  func.func @transform_2(%arg0: i32, %arg1: i32) -> (i32, i32, i32) {
    %mul3A = arith.constant 16 : i32
    %mul3A_0 = arith.muli %arg0, %mul3A : i32
    %add3A = arith.addi %mul3A_0, %arg1 : i32
    %c0_i32 = arith.constant 0 : i32
    %c0_i32_1 = arith.constant 0 : i32
    %c0_i32_2 = arith.constant 0 : i32
    return %add3A, %c0_i32, %c0_i32_1 : i32, i32, i32
  }
}

</mosaic_0001>

<sc_bundles>
// kernel: kernel.4.cloned.1.call-start
scs
__scs_entry_jumppad:
0x0: {  	(pc) =	sbr.rel $0x88, $3  }
0x1: {  	(tag) =	ssettag $0x0;
	lr =	simm.s32 $0x1  }
0x2: {  	[smem:$0x3F9F] =	sst lr;
	_ =	strace $0xD0000000  }
0x3: {  	_ = 	snop  }
0x4: {  	_ = 	snop  }
0x5: {  	_ = 	snop  }
0x6: {  	_ = 	snop  }
0x7: {  	_ = 	snop  }
__scs_overlays_trampoline_lowered:
0x8: {  	[smem:$0x3FAE] =	sst s0  }
0x9: {  	[smem:$0x3FAF] =	sst s1  }
0xa: {  	[smem:$0x3FB0] =	sst s2  }
0xb: {  	[smem:$0x3FB1] =	sst s3  }
0xc: {  	[smem:$0x3FB2] =	sst s4  }
0xd: {  	[smem:$0x3FB3] =	sst s5  }
0xe: {  	[smem:$0x3FB4] =	sst s6  }
0xf: {  	[smem:$0x3FB5] =	sst s7  }
0x10: {  	[smem:$0x3FB6] =	sst s8  }
0x11: {  	[smem:$0x3FB7] =	sst s9;
	s0 =	simm.s32 @!p0 $0x0  }
0x12: {  	s1 =	sld [smem:$0x3F9D];
	s0 =	simm.s32 @p0 $0x1  }
0x13: {  	[smem:$0x3FB8] =	sst s0;
	s0 =	simm.s32 @!p1 $0x0  }
0x14: {  	s2 =	sld [smem:$0x3F9C];
	s0 =	simm.s32 @p1 $0x1  }
0x15: {  	[smem:$0x3FB9] =	sst s0;
	s0 =	simm.s32 @!p2 $0x0  }
0x16: {  	s3 =	sld [smem:$0x3FDB];
	s0 =	simm.s32 @p2 $0x1  }
0x17: {  	s4 =	simm.s32 $0x1BF5;
	[smem:$0x3FBB] =	sst s0  }
0x18: {  	s0 =	sld [smem:$0x3F9E];
	_ =	swait.ge [sflag:s4], $0x0  }
0x19: {  	s7 =	sld [smem:$0x3F9F]  }
0x1a: {  	s8 =	sadd.s32 $0xFFFFE003, lr  }
0x1b: {  	s9 =	sadd.s32 $0xFFFFFEF7, lr;
	s5 =	simm.s32 $0xFFFFFFFF;
	p2 =	slt.u32 s8, $0xFFFFF086  }
0x1c: {  	p1 =	slt.u32 s9, $0xF7A;
	s5 =	simm.s32 @!p2 $0x0  }
0x1d: {  	s5 =	simm.s32 @p1 $0x1;
	p0 =	seq.s32 s7, s2  }
0x1e: {  	s7 =	smul.u32 @!p0 $0xF7A, s2;
	p2 =	seq.s32 @!p0 s5, $0x0  }
0x1f: {  	s9 =	smul.u32 $0xF7A, s1;
	s8 =	simm.s32 @!p0 $0x1BF5;
	p2 =	por !p2, p0  }
0x20: {  	[sflag:s8] =	ssyncset.s32 @!p0 $0xFFFFF086;
	s6 =	sadd.s32 @!p0 s3, s7;
	s7 =	simm.s32 @!p0 $0x108  }
0x21: {  	s3 =	sadd.s32 s3, s9;
	s6 =	sadd.s32 @!p0 $0x88, s6;
	s7 =	simm.s32 @p2 $0x1082  }
0x22: {  	[simem:s7], [sflag:s8] =	dma.local @!p0 [hbm:s6], $0xF7A  }
0x23: {  	s9 =	sor.u32 $0xD0000000, s2;
	s6 =	simm.s32 $0x108;
	_ =	swait.ge @!p0 [sflag:s8], $0x0  }
0x24: {  	s3 =	sadd.s32 $0x88, s3;
	s6 =	simm.s32 @!p1 $0x1082;
	[sflag:s4] =	ssyncset.s32 $0xFFFFF086  }
0x25: {  	[simem:s6], [sflag:s4] =	dma.local [hbm:s3], $0xF7A  }
0x26: {  	[smem:$0x3F9F] =	sst s1;
	(tag) =	ssettag s2;
	_ =	strace s9  }
0x27: {  	s1 =	sld [smem:$0x3FAF]  }
0x28: {  	s2 =	sld [smem:$0x3FB0]  }
0x29: {  	s4 =	sld [smem:$0x3FB2]  }
0x2a: {  	p0 =	seq.s32 s5, $0x0;
	s5 =	sld [smem:$0x3FB3]  }
0x2b: {  	s6 =	sld [smem:$0x3FB4]  }
0x2c: {  	s7 =	sld [smem:$0x3FB5]  }
0x2d: {  	s3 =	simm.s32 $0x108;
	s8 =	sld [smem:$0x3FB6]  }
0x2e: {  	s3 =	simm.s32 @!p0 $0x1082;
	s9 =	sld [smem:$0x3FB7]  }
0x2f: {  	lr =	sadd.s32 s0, s3;
	s0 =	sld [smem:$0x3FAE]  }
0x30: {  	s3 =	sld [smem:$0x3FB1]  }
0x31: {  	[smem:$0x3FBA] =	sst s10  }
0x32: {  	s10 =	sld [smem:$0x3FB8];
	_ =	sdelay $0x3  }
0x33: {  	p0 =	seq.s32 s10, $0x1;
	s10 =	sld [smem:$0x3FBA];
	_ =	sdelay $0x3  }
0x34: {  	[smem:$0x3FBA] =	sst s10  }
0x35: {  	s10 =	sld [smem:$0x3FB9];
	_ =	sdelay $0x3  }
0x36: {  	p1 =	seq.s32 s10, $0x1;
	s10 =	sld [smem:$0x3FBA];
	_ =	sdelay $0x3  }
0x37: {  	[smem:$0x3FBA] =	sst s10  }
0x38: {  	s10 =	sld [smem:$0x3FBB]  }
0x39: {  	_ = 	snop;
	(pc) =	sbr.ind lr, $3  }
0x3a: {  	_ = 	snop  }
0x3b: {  	_ = 	snop  }
0x3c: {  	p2 =	seq.s32 s10, $0x1;
	s10 =	sld [smem:$0x3FBA]  }
0x3d: {  	_ =	shalt  }
0x3e: {  	_ =	shalt  }
0x3f: {  	_ =	shalt  }
0x40: {  	_ =	shalt  }
0x41: {  	_ =	shalt  }
0x42: {  	_ =	shalt  }
0x43: {  	_ =	shalt  }
0x44: {  	_ =	shalt  }
0x45: {  	_ =	shalt  }
0x46: {  	_ =	shalt  }
0x47: {  	_ =	shalt  }
0x48: {  	_ =	shalt  }
0x49: {  	_ =	shalt  }
0x4a: {  	_ =	shalt  }
0x4b: {  	_ =	shalt  }
0x4c: {  	_ =	shalt  }
0x4d: {  	_ =	shalt  }
0x4e: {  	_ =	shalt  }
0x4f: {  	_ =	shalt  }
0x50: {  	_ =	shalt  }
0x51: {  	_ =	shalt  }
0x52: {  	_ =	shalt  }
0x53: {  	_ =	shalt  }
0x54: {  	_ =	shalt  }
0x55: {  	_ =	shalt  }
0x56: {  	_ =	shalt  }
0x57: {  	_ =	shalt  }
0x58: {  	_ =	shalt  }
0x59: {  	_ =	shalt  }
0x5a: {  	_ =	shalt  }
0x5b: {  	_ =	shalt  }
0x5c: {  	_ =	shalt  }
0x5d: {  	_ =	shalt  }
0x5e: {  	_ =	shalt  }
0x5f: {  	_ =	shalt  }
0x60: {  	_ =	shalt  }
0x61: {  	_ =	shalt  }
0x62: {  	_ =	shalt  }
0x63: {  	_ =	shalt  }
0x64: {  	_ =	shalt  }
0x65: {  	_ =	shalt  }
0x66: {  	_ =	shalt  }
0x67: {  	_ =	shalt  }
0x68: {  	_ =	shalt  }
0x69: {  	_ =	shalt  }
0x6a: {  	_ =	shalt  }
0x6b: {  	_ =	shalt  }
0x6c: {  	_ =	shalt  }
0x6d: {  	_ =	shalt  }
0x6e: {  	_ =	shalt  }
0x6f: {  	_ =	shalt  }
0x70: {  	_ =	shalt  }
0x71: {  	_ =	shalt  }
0x72: {  	_ =	shalt  }
0x73: {  	_ =	shalt  }
0x74: {  	_ =	shalt  }
0x75: {  	_ =	shalt  }
0x76: {  	_ =	shalt  }
0x77: {  	_ =	shalt  }
0x78: {  	_ =	shalt  }
0x79: {  	_ =	shalt  }
0x7a: {  	_ =	shalt  }
0x7b: {  	_ =	shalt  }
0x7c: {  	_ =	shalt  }
0x7d: {  	_ =	shalt  }
0x7e: {  	_ =	shalt  }
0x7f: {  	_ =	shalt  }
0x80: {  	_ =	shalt  }
0x81: {  	_ =	shalt  }
0x82: {  	_ =	shalt  }
0x83: {  	_ =	shalt  }
0x84: {  	_ =	shalt  }
0x85: {  	_ =	shalt  }
0x86: {  	_ =	shalt  }
0x87: {  	_ =	shalt  }
.Lfunc_end0:
.L_simem_size_0:
called_computation_lowered:
.L_overlay_start_0:
0x88: {  	s2 =	sld [smem:$0x3FD9]  }
0x89: {  	s3 =	sld [smem:$0x3FFE];
	_ =	sdelay $0x1  }
0x8a: {  	s1 =	srdreg.scid  }
0x8b: {  	s0 =	sand.u32 $0x1, s1  }
0x8c: {  	s16 =	sshll.u32 s0, $0xA;
	s2 =	sadd.s32 s3, s2  }
0x8d: {  	s2 =	sadd.s32 s2, s16  }
0x8e: {  	[smem:$0x3FC6] =	sst s2  }
0x8f: {  	_ = 	snop  }
0x90: {  	(tm) =	ssettm $0x1  }
0x91: {  	s17 =	sld [smem:$0x3FFB];
	_ =	sdelay $0x3  }
0x92: {  	_ =	strace s17  }
0x93: {  	s2 =	sld [smem:$0x3FFC];
	_ =	sdelay $0x3  }
0x94: {  	_ =	strace s2  }
0x95: {  	s2 =	sld [smem:$0x3FFD];
	_ =	sdelay $0x3  }
0x96: {  	_ =	strace s2  }
0x97: {  	_ =	strace $0x8FFFFFFF  }
0x98: {  	s18 =	sld [smem:$0x3FDB];
	_ =	sdelay $0x1  }
0x99: {  	s19 =	simm.s32 $_scs_section_size  }
0x9a: {  	s4 =	simm.s32 $_size__tile_overlayer_lowered;
	s5 =	simm.s32 $_tile_overlayer_lowered  }
0x9b: {  	s22 =	simm.s32 $0x1BFF;
	s21 =	sshll.u32 s5, $0x1;
	s2 =	sadd.s32 s19, s18  }
0x9c: {  	s6 =	simm.s32 $0x0;
	s20 =	sshll.u32 s4, $0x1;
	s4 =	sadd.s32 s21, s2  }
0x9d: {  	[timem:s6], [sflag:s22] =	dma.local [hbm:s4], s20  }
0x9e: {  	_ =	swait.ge [sflag:s22], s20  }
0x9f: {  	s3 =	ssub.s32 $0x0, s20;
	[sflag:s22] =	ssyncset.done $0x0  }
0xa0: {  	[sflag:s22] =	ssyncadd.s32 s3;
	_ =	sdelay $0x1  }
0xa1: {  	s23 =	simm.s32 $0x1B8B  }
0xa2: {  	_ =	swait.ge [sflag:s23], $0x1  }
0xa3: {  	[sflag:s23] =	ssyncset.done $0x0  }
0xa4: {  	s25 =	simm.s32 $0x1B8E;
	s24 =	sld [smem:$0x3FFE];
	[sflag:s23] =	ssyncadd.s32 $0xFFFFFFFF  }
0xa5: {  	s26 =	simm.s32 $execute0_lowered;
	[smem:$0x3FD2] =	sst s25  }
0xa6: {  	s4 =	sshll.u32 s26, $0x1;
	_ =	strace $0x80000046;
	[dreg:$0x1] =	wrdreg $0xFFFFFFFF  }
0xa7: {  	s28 =	simm.s32 $_size_execute0_lowered;
	s2 =	sadd.s32 s2, s4;
	[dreg:$0x0] =	wrdreg $0x0  }
0xa8: {  	s4 =	sshll.u32 s28, $0x1;
	[dreg:$0x2] =	wrdreg s2  }
0xa9: {  	[dreg:$0x3] =	wrdreg s4  }
0xaa: {  	[dreg:$0x4] =	wrdreg $0xC0  }
0xab: {  	_ =	task [dreg:s6], $0x5FFFF  }
0xac: {  	[dreg:$0x1] =	wrdreg $0xFFFFFFFF  }
0xad: {  	[dreg:$0x0] =	wrdreg $0x60  }
0xae: {  	[dreg:$0x2] =	wrdreg s24  }
0xaf: {  	[dreg:$0x3] =	wrdreg $0x112800  }
0xb0: {  	[dreg:$0x4] =	wrdreg $0x113800  }
0xb1: {  	[dreg:$0x5] =	wrdreg $0x9  }
0xb2: {  	_ =	task.clear_ibuf [dreg:s6], $0x6FFFF;
	_ =	strace $0x90000046  }
0xb3: {  	s29 =	simm.s32 $0x9;
	_ =	strace $0x80000048  }
0xb4: {  	_ =	swait.ge [sflag:s29], $0x1  }
0xb5: {  	[sflag:s29] =	ssyncadd.s32 $0xFFFFFFFF  }
0xb6: {  	_ =	strace $0x90000048  }
0xb7: {  	_ =	sfence  }
0xb8: {  	s30 =	sld [smem:$0x0];
	_ =	sdelay $0x2  }
0xb9: {  	s31 =	sshll.u32 s1, $0xD;
	s1 =	sshrl.u32 s1, $0x2  }
0xba: {  	s3 =	sand.u32 $0x4000, s31;
	s1 =	sadd.s32 s1, s30  }
0xbb: {  	s0 =	sor.u32 s3, s0;
	s1 =	sshll.u32 s1, $0x11  }
0xbc: {  	s0 =	sor.u32 s1, s0  }
0xbd: {  	s0 =	sadd.s32 $0x8F2B, s0  }
0xbe: {  	[sflag:s0] =	ssyncadd.remote.s32 $0x1  }
0xbf: {  	_ =	sfence.sel $0xFFFF  }
0xc0: {  	[dreg:$0x0] =	wrdreg $0xFFFFFFFF;
	(pc) =	sbr.abs _section_cstart, $3  }
0xc1: {  	[dreg:$0x1] =	wrdreg $0xFFFFFFFF  }
0xc2: {  	_ =	task.clear_ibuf [dreg:s6], $0x2FFFF;
	_ =	strace $0x9FFFFFFF  }
0xc3: {  	(tm) =	ssettm $0x7FFFFFFF  }
tec
execute0_lowered:
.L_overlay_start_1:
0x0: {  	(tag) =	ssettag $0x1  }
0x1: {  	s3 =	rddreg [dreg:$0x0]  }
0x2: {  	s8 =	rddreg [dreg:$0x1]  }
0x3: {  	s13 =	rddreg [dreg:$0x2]  }
0x4: {  	s2 =	srdreg.scid;
	s1 =	stileid.u32  }
0x5: {  	s0 =	rddreg [dreg:$0x3];
	s17 =	simm.s32 $0x400;
	s18 =	simm.s32 $0x1  }
0x6: {  	s19 =	simm.s32 $0x11000;
	s20 =	simm.s32 $0x11100;
	s21 =	simm.s32 $0x11200  }
0x7: {  	s22 =	simm.s32 $0x0;
	s4 =	sand.u32 $0x1, s2;
	s5 =	sshll.u32 s1, $0x7  }
0x8: {  	s2 =	simm.s32 $0x0;
	s11 =	sshll.u32 s1, $0x10;
	s29 =	sshll.u32 s1, $0x2  }
0x9: {  	s30 =	sshll.u32 s1, $0x8;
	s6 =	sshll.u32 s4, $0xB;
	s7 =	sand.u32 $0x400, s5  }
0xa: {  	[smem:$0x7FF] =	sst s2;
	s9 =	sand.u32 $0x380, s5;
	s26 =	ssub.s32 $0x2, s4  }
0xb: {  	s28 =	sand.u32 $0x30000, s11;
	s4 =	sshll.u32 s4, $0x6;
	s5 =	sand.u32 $0x200, s5  }
0xc: {  	s6 =	sor.u32 s6, s7;
	_ =	strace $0x80000047;
	s10 =	sshrl.u32 s26, $0x1  }
0xd: {  	s6 =	sor.u32 s9, s6;
	s15 =	ssub.s32 s26, s10;
	s10 =	sand.u32 $0x800, s30  }
0xe: {  	v0 =	vlaneseq.u32;
	v1 =	vimm.s32 $0x0;
	s7 =	sand.u32 $0x30, s29;
	s6 =	sshrl.u32 s6, $0x3;
	s9 =	sor.u32 s9, s10  }
0xf: {  	v3 =	vimm.s32 $0x1;
	vm0 =	vmmov $0x1;
	vm1 =	vmmov $0x3;
	s10 =	sor.u32 s5, s10;
	s15 =	smax.u32 s15, $0x1;
	s14 =	sadd.s32 s6, s3  }
0x10: {  	v4 =	vimm.s32 $0x0;
	vm2 =	vmmov $0x7;
	vm3 =	vmmov $0xf;
	s3 =	sadd.s32 s3, s4;
	s4 =	sadd.s32 s9, s8;
	s5 =	sadd.s32 s10, s8  }
0x11: {  	vm4 =	vmmov $0x1f;
	vm5 =	vmmov $0x3f;
	vm6 =	vmmov $0x7f;
	s31 =	sor.u32 $0x80, s10;
	s12 =	sor.u32 $0x100, s10;
	s16 =	sor.u32 $0x180, s10  }
0x12: {  	vm7 =	vmmov $0xff;
	vm8 =	vmmov $0x1ff;
	v4 =	vsel vm1, $0xFFFFFFFF, v4;
	s9 =	sadd.s32 s9, s13;
	s10 =	sadd.s32 s10, s13;
	s3 =	sadd.s32 s7, s3  }
0x13: {  	vm9 =	vmmov $0x3ff;
	vm10 =	vmmov $0x7ff;
	[tilespmem:$0x1FFF0] =	vst v4;
	v4 =	vmul.u32 $0xFFFFFFFF, v0;
	s6 =	sadd.s32 s31, s8;
	s7 =	sadd.s32 s12, s8;
	s8 =	sadd.s32 s16, s8  }
0x14: {  	vm11 =	vmmov $0xfff;
	vm12 =	vmmov $0x1fff;
	vm13 =	vmmov $0x3fff;
	s11 =	sadd.s32 s31, s13;
	s12 =	sadd.s32 s12, s13;
	s13 =	sadd.s32 s16, s13  }
0x15: {  	vm14 =	vmmov $0x7fff;
	v2 =	vmul.u32 $0x100, v0;
	v4 =	vadd.s32 $0xF, v4;
	s14 =	sadd.s32 $0x40000, s14;
	s16 =	simm.s32 $0x80;
	s3 =	sadd.s32 s28, s3  }
.LBB2_1:
0x16: {  	[tilespmem:s2], [sflag:$0x1] =	stream.strided.gather [hbm4b:s3+s16], $0x10000, s17, s16, $0x38;
	[tilespmem:$0x11480] =	vst v63  }
0x17: {  	_ =	swait.ge [sflag:s18], $0x10000  }
0x18: {  	[sflag:s18] =	ssyncset.done $0x0  }
0x19: {  	s23 =	simm.s32 $0x40;
	s24 =	simm.s32 $0x0;
	[sflag:s18] =	ssyncadd.s32 $0xFFFF0000  }
.LBB2_2:
0x1a: {  	p0 =	sne.s32 s23, $0x3FC0;
	[tilespmem:s24+$0x10000] =	vst v1;
	s24 =	smov.u32 s23;
	s23 =	sadd.s32 $0x40, s23  }
.Ltmp0:
0x1b: {  	(pc) =	sbr.rel @p0 .LBB2_2-.Ltmp0, $2  }
0x1c: {  	_ =	sdelay $0x2  }
0x1d: {  	s24 =	sshra.s32 s24, $0x2  }
0x1e: {  	[tilespmem:s24+$0x10000] =	vst v1;
	s23 =	simm.s32 $0x0;
	s24 =	simm.s32 $0x0  }
.LBB2_4:
0x1f: {  	s25 =	sshra.s32 s24, $0x2  }
0x20: {  	v5 =	vld [tilespmem:s25+$0x0];
	_ =	sdelay $0x4  }
0x21: {  	v6 =	vand.u32 $0x7FFFFFFF, v5  }
0x22: {  	vm15 =	vlt.f32 v5, $0.0e+00;
	v5 =	vxor.u32 $0xFFFFFFFF, v5;
	v6 =	vxor.u32 $0x80000000, v6  }
0x23: {  	v5 =	vsel vm15, v5, v6  }
0x24: {  	v5 =	vshrl.u32 v5, $0x18  }
0x25: {  	v6 =	vand.u32 $0x80, v5  }
0x26: {  	v5 =	vand.u32 $0x7F, v5;
	v6 =	vor.u32 v2, v6  }
0x27: {  	p0 =	sne.s32 s24, $0x3FFC0;
	v5 =	vor.u32 v5, v6  }
.Ltmp1:
0x28: {  	_ = 	snop;
	(pc) =	sbr.rel @p0 .LBB2_4-.Ltmp1, $3  }
0x29: {  	_ =	sdelay $0x1  }
0x2a: {  	s25 =	simm.s32 $0x10000  }
0x2b: {  	s24 =	sadd.s32 $0x40, s24;
	[tilespmem:v5+s25+$0x0] =	vst.idx.add.s32.msk $0xffff, v3  }
0x2c: {  	s23 =	sand.u32 $0xF0, s23;
	v6 =	vld [tilespmem:s25+$0x0]  }
0x2d: {  	v5 =	vld [tilespmem:s23+$0x10100]  }
0x2e: {  	v7 =	vld [tilespmem:s23+$0x10200]  }
0x2f: {  	v8 =	vld [tilespmem:s23+$0x10300]  }
0x30: {  	v9 =	vld [tilespmem:s23+$0x10400]  }
0x31: {  	v10 =	vld [tilespmem:s23+$0x10500]  }
0x32: {  	v5 =	vadd.s32 v6, v5;
	v6 =	vld [tilespmem:s23+$0x10600]  }
0x33: {  	v5 =	vadd.s32 v7, v5;
	v7 =	vld [tilespmem:s23+$0x10700]  }
0x34: {  	v58 =	vld [tilespmem:s23+$0x10800];
	v5 =	vadd.s32 v8, v5  }
0x35: {  	v59 =	vld [tilespmem:s23+$0x10900];
	v5 =	vadd.s32 v9, v5  }
0x36: {  	v60 =	vld [tilespmem:s23+$0x10A00];
	v5 =	vadd.s32 v10, v5  }
0x37: {  	v5 =	vadd.s32 v6, v5;
	v6 =	vld [tilespmem:s23+$0x10B00]  }
0x38: {  	v5 =	vadd.s32 v7, v5;
	v7 =	vld [tilespmem:s23+$0x10C00]  }
0x39: {  	v61 =	vld [tilespmem:s23+$0x10D00];
	v5 =	vadd.s32 v58, v5  }
0x3a: {  	v62 =	vld [tilespmem:s23+$0x10E00];
	v5 =	vadd.s32 v59, v5  }
0x3b: {  	v63 =	vld [tilespmem:s23+$0x10F00];
	v5 =	vadd.s32 v60, v5  }
0x3c: {  	v5 =	vadd.s32 v6, v5  }
0x3d: {  	v5 =	vadd.s32 v7, v5  }
0x3e: {  	v5 =	vadd.s32 v61, v5  }
0x3f: {  	v5 =	vadd.s32 v62, v5  }
0x40: {  	s24 =	simm.s32 $0x10;
	s23 =	simm.s32 $0x11000;
	v5 =	vadd.s32 v63, v5  }
0x41: {  	s24 =	sand.u32 $0xF0, s24;
	[tilespmem:s23+$0x0] =	vst v5  }
0x42: {  	s26 =	simm.s32 $0x20;
	s25 =	simm.s32 $0x10010;
	v5 =	vld [tilespmem:s24+$0x10100]  }
.LBB2_6:
0x43: {  	p0 =	sne.s32 s26, $0xF0;
	v6 =	vld [tilespmem:s25+$0x0]  }
0x44: {  	v7 =	vld [tilespmem:s24+$0x10200]  }
0x45: {  	v8 =	vld [tilespmem:s24+$0x10300]  }
0x46: {  	v9 =	vld [tilespmem:s24+$0x10400]  }
0x47: {  	v10 =	vld [tilespmem:s24+$0x10500]  }
0x48: {  	v5 =	vadd.s32 v6, v5;
	v6 =	vld [tilespmem:s24+$0x10600]  }
0x49: {  	v5 =	vadd.s32 v7, v5;
	v7 =	vld [tilespmem:s24+$0x10700]  }
0x4a: {  	v5 =	vadd.s32 v8, v5;
	v8 =	vld [tilespmem:s24+$0x10800]  }
0x4b: {  	v5 =	vadd.s32 v9, v5;
	v9 =	vld [tilespmem:s24+$0x10900]  }
0x4c: {  	v5 =	vadd.s32 v10, v5;
	v10 =	vld [tilespmem:s24+$0x10A00]  }
0x4d: {  	v5 =	vadd.s32 v6, v5;
	v6 =	vld [tilespmem:s24+$0x10B00]  }
0x4e: {  	v5 =	vadd.s32 v7, v5;
	v7 =	vld [tilespmem:s24+$0x10C00]  }
0x4f: {  	v5 =	vadd.s32 v8, v5;
	v8 =	vld [tilespmem:s24+$0x10D00]  }
0x50: {  	v5 =	vadd.s32 v9, v5;
	v9 =	vld [tilespmem:s24+$0x10E00]  }
0x51: {  	v5 =	vadd.s32 v10, v5;
	v10 =	vld [tilespmem:s24+$0x10F00]  }
0x52: {  	v5 =	vadd.s32 v6, v5  }
0x53: {  	v5 =	vadd.s32 v7, v5  }
.Ltmp2:
0x54: {  	v5 =	vadd.s32 v8, v5;
	(pc) =	sbr.rel @p0 .LBB2_6-.Ltmp2, $4  }
0x55: {  	v5 =	vadd.s32 v9, v5  }
0x56: {  	s23 =	sadd.s32 $0x10, s23;
	v5 =	vadd.s32 v10, v5  }
0x57: {  	s24 =	sand.u32 $0xF0, s26;
	[tilespmem:s23+$0x0] =	vst v5  }
0x58: {  	s25 =	sadd.s32 $0x10, s25;
	s26 =	sadd.s32 $0x10, s26;
	v5 =	vld [tilespmem:s24+$0x10100]  }
0x59: {  	v6 =	vld [tilespmem:s25+$0x0]  }
0x5a: {  	v7 =	vld [tilespmem:s24+$0x10200]  }
0x5b: {  	v8 =	vld [tilespmem:s24+$0x10300]  }
0x5c: {  	v9 =	vld [tilespmem:s24+$0x10400]  }
0x5d: {  	v10 =	vld [tilespmem:s24+$0x10500]  }
0x5e: {  	v5 =	vadd.s32 v6, v5;
	v6 =	vld [tilespmem:s24+$0x10600]  }
0x5f: {  	v5 =	vadd.s32 v7, v5;
	v7 =	vld [tilespmem:s24+$0x10700]  }
0x60: {  	v5 =	vadd.s32 v8, v5;
	v8 =	vld [tilespmem:s24+$0x10800]  }
0x61: {  	v56 =	vld [tilespmem:s24+$0x10900];
	v5 =	vadd.s32 v9, v5  }
0x62: {  	v57 =	vld [tilespmem:s24+$0x10A00];
	v5 =	vadd.s32 v10, v5  }
0x63: {  	v5 =	vadd.s32 v6, v5;
	v6 =	vld [tilespmem:s24+$0x10B00]  }
0x64: {  	v5 =	vadd.s32 v7, v5;
	v7 =	vld [tilespmem:s24+$0x10C00]  }
0x65: {  	v5 =	vadd.s32 v8, v5;
	v8 =	vld [tilespmem:s24+$0x10D00]  }
0x66: {  	v58 =	vld [tilespmem:s24+$0x10E00];
	v5 =	vadd.s32 v56, v5  }
0x67: {  	v59 =	vld [tilespmem:s24+$0x10F00];
	v5 =	vadd.s32 v57, v5  }
0x68: {  	v5 =	vadd.s32 v6, v5  }
0x69: {  	v5 =	vadd.s32 v7, v5  }
0x6a: {  	v5 =	vadd.s32 v8, v5  }
0x6b: {  	v5 =	vadd.s32 v58, v5  }
0x6c: {  	s23 =	sadd.s32 $0x10, s23;
	v5 =	vadd.s32 v59, v5  }
0x6d: {  	[tilespmem:s23+$0x0] =	vst v5  }
0x6e: {  	[spmem:s4] =	stream.strided.scatter [tilespmem:s19], [sflag:$0x1], $0x100, s17, s16, $0x38;
	[tilespmem:$0x11480] =	vst v63  }
0x6f: {  	_ =	swait.ge [sflag:s18], $0x100  }
0x70: {  	[sflag:s18] =	ssyncset.done $0x0  }
0x71: {  	[sflag:s18] =	ssyncadd.s32 $0xFFFFFF00  }
0x72: {  	[bflag:$0x0] =	sbarrier.arrive $0xFFFF  }
0x73: {  	[tilespmem:s20], [sflag:$0x1] =	stream.strided.gather [spmem:s5], $0x100, s17, s16, $0x38;
	[tilespmem:$0x11480] =	vst v63  }
0x74: {  	_ =	swait.ge [sflag:s18], $0x100  }
0x75: {  	[sflag:s18] =	ssyncset.done $0x0  }
0x76: {  	[sflag:s18] =	ssyncadd.s32 $0xFFFFFF00  }
0x77: {  	v6 =	vld [tilespmem:$0x11100]  }
0x78: {  	v7 =	vld [tilespmem:$0x11110]  }
0x79: {  	v8 =	vld [tilespmem:$0x11120]  }
0x7a: {  	v60 =	vld [tilespmem:$0x11130]  }
0x7b: {  	v61 =	vld [tilespmem:$0x11140]  }
0x7c: {  	v11 =	vld [tilespmem:$0x11150]  }
0x7d: {  	v12 =	vld [tilespmem:$0x11160]  }
0x7e: {  	v13 =	vld [tilespmem:$0x11170]  }
0x7f: {  	v14 =	vld [tilespmem:$0x11180]  }
0x80: {  	v15 =	vld [tilespmem:$0x11190]  }
0x81: {  	v16 =	vld [tilespmem:$0x111A0]  }
0x82: {  	v17 =	vld [tilespmem:$0x111B0]  }
0x83: {  	v18 =	vld [tilespmem:$0x111C0]  }
0x84: {  	v19 =	vld [tilespmem:$0x111D0]  }
0x85: {  	v20 =	vld [tilespmem:$0x111E0]  }
0x86: {  	v5 =	vld [tilespmem:$0x111F0];
	[tilespmem:s20], [sflag:$0x1] =	stream.strided.gather [spmem:s6], $0x100, s17, s16, $0x38  }
0x87: {  	_ =	swait.ge [sflag:s18], $0x100  }
0x88: {  	[sflag:s18] =	ssyncset.done $0x0  }
0x89: {  	[sflag:s18] =	ssyncadd.s32 $0xFFFFFF00  }
0x8a: {  	v21 =	vld [tilespmem:$0x11100]  }
0x8b: {  	v22 =	vld [tilespmem:$0x11110]  }
0x8c: {  	v23 =	vld [tilespmem:$0x11120]  }
0x8d: {  	v24 =	vld [tilespmem:$0x11130]  }
0x8e: {  	v25 =	vld [tilespmem:$0x11140]  }
0x8f: {  	v26 =	vld [tilespmem:$0x11150]  }
0x90: {  	v27 =	vld [tilespmem:$0x11160]  }
0x91: {  	v28 =	vld [tilespmem:$0x11170]  }
0x92: {  	v29 =	vld [tilespmem:$0x11180]  }
0x93: {  	v30 =	vld [tilespmem:$0x11190]  }
0x94: {  	v31 =	vld [tilespmem:$0x111A0]  }
0x95: {  	v32 =	vld [tilespmem:$0x111B0]  }
0x96: {  	v33 =	vld [tilespmem:$0x111C0]  }
0x97: {  	v34 =	vld [tilespmem:$0x111D0]  }
0x98: {  	v35 =	vld [tilespmem:$0x111E0]  }
0x99: {  	v36 =	vld [tilespmem:$0x111F0];
	[tilespmem:s20], [sflag:$0x1] =	stream.strided.gather [spmem:s7], $0x100, s17, s16, $0x38  }
0x9a: {  	_ =	swait.ge [sflag:s18], $0x100  }
0x9b: {  	[sflag:s18] =	ssyncset.done $0x0  }
0x9c: {  	[sflag:s18] =	ssyncadd.s32 $0xFFFFFF00  }
0x9d: {  	v37 =	vld [tilespmem:$0x11100]  }
0x9e: {  	v38 =	vld [tilespmem:$0x11110]  }
0x9f: {  	v39 =	vld [tilespmem:$0x11120]  }
0xa0: {  	v40 =	vld [tilespmem:$0x11130]  }
0xa1: {  	v41 =	vld [tilespmem:$0x11140]  }
0xa2: {  	v42 =	vld [tilespmem:$0x11150]  }
0xa3: {  	v43 =	vld [tilespmem:$0x11160]  }
0xa4: {  	v44 =	vld [tilespmem:$0x11170]  }
0xa5: {  	v45 =	vld [tilespmem:$0x11180]  }
0xa6: {  	v46 =	vld [tilespmem:$0x11190]  }
0xa7: {  	v47 =	vld [tilespmem:$0x111A0]  }
0xa8: {  	v48 =	vld [tilespmem:$0x111B0]  }
0xa9: {  	v49 =	vld [tilespmem:$0x111C0]  }
0xaa: {  	v50 =	vld [tilespmem:$0x111D0]  }
0xab: {  	v51 =	vld [tilespmem:$0x111E0]  }
0xac: {  	v52 =	vld [tilespmem:$0x111F0];
	[tilespmem:s20], [sflag:$0x1] =	stream.strided.gather [spmem:s8], $0x100, s17, s16, $0x38  }
0xad: {  	_ =	swait.ge [sflag:s18], $0x100  }
0xae: {  	[sflag:s18] =	ssyncset.done $0x0  }
0xaf: {  	[sflag:s18] =	ssyncadd.s32 $0xFFFFFF00  }
0xb0: {  	v53 =	vld [tilespmem:$0x11100]  }
0xb1: {  	v62 =	vld [tilespmem:$0x11110]  }
0xb2: {  	v6 =	vadd.s32 v6, v21;
	v7 =	vadd.s32 v7, v22;
	v8 =	vadd.s32 v8, v23;
	v63 =	vld [tilespmem:$0x11120]  }
0xb3: {  	v9 =	vadd.s32 v60, v24;
	v10 =	vadd.s32 v61, v25;
	v13 =	vadd.s32 v13, v28;
	v28 =	vld [tilespmem:$0x11130]  }
0xb4: {  	v11 =	vadd.s32 v11, v26;
	v12 =	vadd.s32 v12, v27;
	v14 =	vadd.s32 v14, v29;
	v54 =	vld [tilespmem:$0x11170]  }
0xb5: {  	v15 =	vadd.s32 v15, v30;
	v16 =	vadd.s32 v16, v31;
	v6 =	vadd.s32 v37, v6;
	v37 =	vld [tilespmem:$0x11140]  }
0xb6: {  	v17 =	vadd.s32 v17, v32;
	v7 =	vadd.s32 v38, v7;
	v38 =	vld [tilespmem:$0x11150];
	v6 =	vadd.s32 v53, v6  }
0xb7: {  	v18 =	vadd.s32 v18, v33;
	v8 =	vadd.s32 v39, v8;
	v7 =	vadd.s32 v62, v7;
	v53 =	vld [tilespmem:$0x11160];
	(xrf0) =	vadd.scan.msk.s32 $0xffff, v6  }
0xb8: {  	v19 =	vadd.s32 v19, v34;
	v55 =	vld [tilespmem:$0x11180];
	v9 =	vadd.s32 v40, v9;
	v8 =	vadd.s32 v63, v8;
	(xrf0) =	vadd.scan.msk.s32 $0xffff, v7  }
0xb9: {  	v20 =	vadd.s32 v20, v35;
	v56 =	vld [tilespmem:$0x11190];
	v10 =	vadd.s32 v41, v10;
	v9 =	vadd.s32 v28, v9;
	(xrf0) =	vadd.scan.msk.s32 $0xffff, v8  }
0xba: {  	v57 =	vld [tilespmem:$0x111A0];
	v11 =	vadd.s32 v42, v11;
	v12 =	vadd.s32 v43, v12;
	v10 =	vadd.s32 v37, v10;
	(xrf0) =	vadd.scan.msk.s32 $0xffff, v9  }
0xbb: {  	v58 =	vld [tilespmem:$0x111B0];
	v13 =	vadd.s32 v44, v13;
	v14 =	vadd.s32 v45, v14;
	v11 =	vadd.s32 v38, v11;
	(xrf0) =	vadd.scan.msk.s32 $0xffff, v10  }
0xbc: {  	v15 =	vadd.s32 v46, v15;
	v16 =	vadd.s32 v47, v16;
	v40 =	vld [tilespmem:$0x1FFF0];
	v12 =	vadd.s32 v53, v12;
	(xrf0) =	vadd.scan.msk.s32 $0xffff, v11  }
0xbd: {  	v59 =	vld [tilespmem:$0x111C0];
	v17 =	vadd.s32 v48, v17;
	v18 =	vadd.s32 v49, v18;
	v13 =	vadd.s32 v54, v13;
	v60, _, _ =	vpop (xrf0);
	(xrf0) =	vadd.scan.msk.s32 $0xffff, v12  }
0xbe: {  	v61 =	vld [tilespmem:$0x111D0];
	v19 =	vadd.s32 v50, v19;
	v20 =	vadd.s32 v51, v20;
	v14 =	vadd.s32 v55, v14;
	v62, _, _ =	vpop (xrf0);
	(xrf0) =	vadd.scan.msk.s32 $0xffff, v13  }
0xbf: {  	v15 =	vadd.s32 v56, v15;
	v63 =	vld [tilespmem:$0x111E0];
	v26 =	vbroadcast v60, $0xF;
	v27 =	vbroadcast v62, $0xF;
	v32, _, _ =	vpop (xrf0);
	(xrf0) =	vadd.scan.msk.s32 $0xffff, v14  }
0xc0: {  	v16 =	vadd.s32 v57, v16;
	v17 =	vadd.s32 v58, v17;
	v33 =	vbroadcast v32, $0xF;
	v34, _, _ =	vpop (xrf0);
	(xrf0) =	vadd.scan.msk.s32 $0xffff, v15  }
0xc1: {  	vm1 =	vnez.u8 v40;
	v35 =	vsel vm0, v26, v27;
	v37 =	vbroadcast v34, $0xF;
	v38, _, _ =	vpop (xrf0);
	(xrf0) =	vadd.scan.msk.s32 $0xffff, v16  }
0xc2: {  	v39 =	vld [tilespmem:$0x111F0];
	v18 =	vadd.s32 v59, v18;
	v21 =	vsel vm1, v35, v33;
	v41 =	vbroadcast v38, $0xF;
	v42, _, _ =	vpop (xrf0);
	(xrf0) =	vadd.scan.msk.s32 $0xffff, v17  }
0xc3: {  	v19 =	vadd.s32 v61, v19;
	v21 =	vsel vm2, v21, v37;
	v43 =	vbroadcast v42, $0xF;
	v44, _, _ =	vpop (xrf0);
	(xrf0) =	vadd.scan.msk.s32 $0xffff, v18  }
0xc4: {  	v20 =	vadd.s32 v63, v20;
	v21 =	vsel vm3, v21, v41;
	v45 =	vbroadcast v44, $0xF;
	v46, _, _ =	vpop (xrf0);
	(xrf0) =	vadd.scan.msk.s32 $0xffff, v19  }
0xc5: {  	v5 =	vadd.s32 v5, v36;
	v21 =	vsel vm4, v21, v43;
	v47 =	vbroadcast v46, $0xF;
	v48, _, _ =	vpop (xrf0);
	(xrf0) =	vadd.scan.msk.s32 $0xffff, v20  }
0xc6: {  	v5 =	vadd.s32 v52, v5;
	v49, _, _ =	vpop (xrf0);
	v21 =	vsel vm5, v21, v45;
	v50 =	vbroadcast v48, $0xF  }
0xc7: {  	v5 =	vadd.s32 v39, v5;
	v51, _, _ =	vpop (xrf0);
	v21 =	vsel vm6, v21, v47;
	v52 =	vbroadcast v49, $0xF  }
0xc8: {  	(xrf0) =	vadd.scan.msk.s32 $0xffff, v5;
	v21 =	vsel vm7, v21, v50;
	v53 =	vbroadcast v51, $0xF;
	v54, _, _ =	vpop (xrf0)  }
0xc9: {  	v55, _, _ =	vpop (xrf0);
	v21 =	vsel vm8, v21, v52;
	v56 =	vbroadcast v54, $0xF  }
0xca: {  	v57, _, _ =	vpop (xrf0);
	v21 =	vsel vm9, v21, v53;
	v58 =	vbroadcast v55, $0xF  }
0xcb: {  	v21 =	vsel vm10, v21, v56;
	v59 =	vbroadcast v57, $0xF;
	v60, _, _ =	vpop (xrf0)  }
0xcc: {  	v21 =	vsel vm11, v21, v58;
	v61 =	vbroadcast v60, $0xF  }
0xcd: {  	v21 =	vsel vm12, v21, v59  }
0xce: {  	v62, _, _ =	vpop (xrf0);
	v21 =	vsel vm13, v21, v61  }
0xcf: {  	v21 =	vsel vm14, v21, v62  }
0xd0: {  	v21 =	vperm.xlane v21, v4;
	_ =	sdelay $0x1  }
0xd1: {  	(xrf0) =	vadd.scan.msk.s32 $0xffff, v21;
	_ =	sdelay $0x5  }
0xd2: {  	v21, _, _ =	vpop (xrf0)  }
0xd3: {  	vm15 =	vgt.s32 v21, $0x1FFFF  }
0xd4: {  	v63 =	vmctz.xlane vm15;
	_ =	sdelay $0x1  }
0xd5: {  	v22 =	vxor.u32 $0x80000000, v63  }
0xd6: {  	(xrf0) =	vmax.scan.msk.u32 $0xffff, v22;
	_ =	sdelay $0x5  }
0xd7: {  	v22, _, _ =	vpop (xrf0)  }
0xd8: {  	(v2sf) =	vpush v22, $0xF;
	_ =	sdelay $0x1  }
0xd9: {  	[tilespmem:$0x11000] =	vst v6  }
0xda: {  	[tilespmem:$0x11010] =	vst v7  }
0xdb: {  	[tilespmem:$0x11020] =	vst v8  }
0xdc: {  	[tilespmem:$0x11030] =	vst v9  }
0xdd: {  	[tilespmem:$0x11070] =	vst v13  }
0xde: {  	[tilespmem:$0x11080] =	vst v14  }
0xdf: {  	[tilespmem:$0x11090] =	vst v15  }
0xe0: {  	[tilespmem:$0x110A0] =	vst v16  }
0xe1: {  	[tilespmem:$0x110B0] =	vst v17  }
0xe2: {  	[tilespmem:$0x110C0] =	vst v18  }
0xe3: {  	[tilespmem:$0x110D0] =	vst v19  }
0xe4: {  	[tilespmem:$0x11040] =	vst v10  }
0xe5: {  	[tilespmem:$0x11050] =	vst v11  }
0xe6: {  	[tilespmem:$0x110F0] =	vst v5;
	s29 =	spop (v2sf)  }
0xe7: {  	[tilespmem:$0x11060] =	vst v12;
	s30 =	sshll.u32 s29, $0x4  }
0xe8: {  	[tilespmem:$0x110E0] =	vst v20;
	s31 =	ssub.s32 $0x110F0, s30  }
0xe9: {  	s23 =	sxor.u32 $0x80000000, s29;
	v5 =	vld [tilespmem:s31+$0x0]  }
0xea: {  	s23 =	ssub.s32 $0x10, s23  }
0xeb: {  	v6 =	vperm.xlane v21, v4;
	v7 =	vmov s23  }
0xec: {  	vm15 =	veq.s32 v7, v0  }
0xed: {  	v6 =	vnsel vm15, $0x0, v6  }
0xee: {  	(xrf0) =	vadd.scan.msk.s32 $0xffff, v6;
	v5 =	vperm.xlane v5, v4;
	_ =	sdelay $0x1  }
0xef: {  	(xrf0) =	vadd.scan.msk.s32 $0xffff, v5;
	_ =	sdelay $0x3  }
0xf0: {  	v5, _, _ =	vpop (xrf0)  }
0xf1: {  	v6 =	vbroadcast v5, $0xF  }
0xf2: {  	v7, _, _ =	vpop (xrf0)  }
0xf3: {  	v6 =	vadd.s32 v7, v6  }
0xf4: {  	vm15 =	vgt.s32 v6, $0x1FFFF  }
0xf5: {  	s25 =	simm.s32 $0x0;
	s24 =	simm.s32 $0x40;
	s23 =	ssub.s32 $0xF0, s30;
	v6 =	vperm.xlane v6, v4;
	v7 =	vmctz.xlane vm15  }
.LBB2_8:
0xf6: {  	p0 =	seq.s32 s24, $0x3FC0;
	[tilespmem:s25+$0x10000] =	vst v1;
	s25 =	smov.u32 s24;
	s24 =	sadd.s32 $0x40, s24  }
.Ltmp3:
0xf7: {  	(pc) =	sbr.rel @!p0 .LBB2_8-.Ltmp3, $2  }
0xf8: {  	_ =	sdelay $0x2  }
0xf9: {  	s25 =	sshra.s32 s25, $0x2  }
0xfa: {  	v7 =	vxor.u32 $0x80000000, v7  }
0xfb: {  	(xrf0) =	vmax.scan.msk.u32 $0xffff, v7;
	_ =	sdelay $0x5  }
0xfc: {  	v7, _, _ =	vpop (xrf0)  }
0xfd: {  	(v2sf) =	vpush v7, $0xF;
	_ =	sdelay $0xe  }
0xfe: {  	s24 =	spop (v2sf)  }
0xff: {  	[tilespmem:s25+$0x10000] =	vst v1;
	s25 =	sxor.u32 $0x80000000, s24  }
0x100: {  	s24 =	ssub.s32 $0xF, s25  }
0x101: {  	s23 =	sadd.s32 s23, s24  }
0x102: {  	s26 =	simm.s32 $0x0;
	s28 =	simm.s32 $0x0;
	v7 =	vmov s23  }
.LBB2_10:
0x103: {  	s29 =	sshra.s32 s28, $0x2  }
0x104: {  	v8 =	vld [tilespmem:s29+$0x0];
	_ =	sdelay $0x4  }
0x105: {  	v9 =	vand.u32 $0x7FFFFFFF, v8  }
0x106: {  	vm15 =	vlt.f32 v8, $0.0e+00;
	v8 =	vxor.u32 $0xFFFFFFFF, v8;
	v9 =	vxor.u32 $0x80000000, v9  }
0x107: {  	v8 =	vsel vm15, v8, v9  }
0x108: {  	v9 =	vshrl.u32 v8, $0x10;
	v8 =	vshrl.u32 v8, $0x18  }
0x109: {  	vm15 =	veq.s32 v8, v7;
	v8 =	vand.u32 $0xFF, v9  }
0x10a: {  	p0 =	sne.s32 s28, $0x3FFC0;
	v8 =	vor.u32 v2, v8  }
.Ltmp4:
0x10b: {  	_ = 	snop;
	(pc) =	sbr.rel @p0 .LBB2_10-.Ltmp4, $3  }
0x10c: {  	_ =	sdelay $0x1  }
0x10d: {  	s29 =	simm.s32 $0x10000  }
0x10e: {  	s28 =	sadd.s32 $0x40, s28;
	[tilespmem:v8+s29+$0x0] =	vst.idx.add.s32.msk vm15, v3  }
0x10f: {  	s26 =	sand.u32 $0xF0, s26;
	v8 =	vld [tilespmem:s29+$0x0]  }
0x110: {  	v7 =	vld [tilespmem:s26+$0x10100]  }
0x111: {  	v9 =	vld [tilespmem:s26+$0x10200]  }
0x112: {  	v10 =	vld [tilespmem:s26+$0x10300]  }
0x113: {  	v11 =	vld [tilespmem:s26+$0x10400]  }
0x114: {  	v12 =	vld [tilespmem:s26+$0x10500]  }
0x115: {  	v7 =	vadd.s32 v8, v7;
	v8 =	vld [tilespmem:s26+$0x10600]  }
0x116: {  	v56 =	vld [tilespmem:s26+$0x10700];
	v7 =	vadd.s32 v9, v7  }
0x117: {  	v57 =	vld [tilespmem:s26+$0x10800];
	v7 =	vadd.s32 v10, v7  }
0x118: {  	v58 =	vld [tilespmem:s26+$0x10900];
	v7 =	vadd.s32 v11, v7  }
0x119: {  	v59 =	vld [tilespmem:s26+$0x10A00];
	v7 =	vadd.s32 v12, v7  }
0x11a: {  	v7 =	vadd.s32 v8, v7;
	v8 =	vld [tilespmem:s26+$0x10B00]  }
0x11b: {  	v60 =	vld [tilespmem:s26+$0x10C00];
	v7 =	vadd.s32 v56, v7  }
0x11c: {  	v61 =	vld [tilespmem:s26+$0x10D00];
	v7 =	vadd.s32 v57, v7  }
0x11d: {  	v62 =	vld [tilespmem:s26+$0x10E00];
	v7 =	vadd.s32 v58, v7  }
0x11e: {  	v63 =	vld [tilespmem:s26+$0x10F00];
	v7 =	vadd.s32 v59, v7  }
0x11f: {  	v7 =	vadd.s32 v8, v7  }
0x120: {  	v7 =	vadd.s32 v60, v7  }
0x121: {  	v7 =	vadd.s32 v61, v7  }
0x122: {  	v7 =	vadd.s32 v62, v7  }
0x123: {  	s28 =	simm.s32 $0x10;
	s26 =	simm.s32 $0x11000;
	v7 =	vadd.s32 v63, v7  }
0x124: {  	s28 =	sand.u32 $0xF0, s28;
	[tilespmem:s26+$0x0] =	vst v7  }
0x125: {  	s30 =	simm.s32 $0x20;
	s29 =	simm.s32 $0x10010;
	v7 =	vld [tilespmem:s28+$0x10100]  }
.LBB2_12:
0x126: {  	p0 =	sne.s32 s30, $0xF0;
	v8 =	vld [tilespmem:s29+$0x0]  }
0x127: {  	v9 =	vld [tilespmem:s28+$0x10200]  }
0x128: {  	v10 =	vld [tilespmem:s28+$0x10300]  }
0x129: {  	v11 =	vld [tilespmem:s28+$0x10400]  }
0x12a: {  	v12 =	vld [tilespmem:s28+$0x10500]  }
0x12b: {  	v7 =	vadd.s32 v8, v7;
	v8 =	vld [tilespmem:s28+$0x10600]  }
0x12c: {  	v7 =	vadd.s32 v9, v7;
	v9 =	vld [tilespmem:s28+$0x10700]  }
0x12d: {  	v7 =	vadd.s32 v10, v7;
	v10 =	vld [tilespmem:s28+$0x10800]  }
0x12e: {  	v7 =	vadd.s32 v11, v7;
	v11 =	vld [tilespmem:s28+$0x10900]  }
0x12f: {  	v7 =	vadd.s32 v12, v7;
	v12 =	vld [tilespmem:s28+$0x10A00]  }
0x130: {  	v7 =	vadd.s32 v8, v7;
	v8 =	vld [tilespmem:s28+$0x10B00]  }
0x131: {  	v7 =	vadd.s32 v9, v7;
	v9 =	vld [tilespmem:s28+$0x10C00]  }
0x132: {  	v7 =	vadd.s32 v10, v7;
	v10 =	vld [tilespmem:s28+$0x10D00]  }
0x133: {  	v7 =	vadd.s32 v11, v7;
	v11 =	vld [tilespmem:s28+$0x10E00]  }
0x134: {  	v7 =	vadd.s32 v12, v7;
	v12 =	vld [tilespmem:s28+$0x10F00]  }
0x135: {  	v7 =	vadd.s32 v8, v7  }
0x136: {  	v7 =	vadd.s32 v9, v7  }
.Ltmp5:
0x137: {  	v7 =	vadd.s32 v10, v7;
	(pc) =	sbr.rel @p0 .LBB2_12-.Ltmp5, $4  }
0x138: {  	v7 =	vadd.s32 v11, v7  }
0x139: {  	s26 =	sadd.s32 $0x10, s26;
	v7 =	vadd.s32 v12, v7  }
0x13a: {  	s28 =	sand.u32 $0xF0, s30;
	[tilespmem:s26+$0x0] =	vst v7  }
0x13b: {  	s29 =	sadd.s32 $0x10, s29;
	s30 =	sadd.s32 $0x10, s30;
	v7 =	vld [tilespmem:s28+$0x10100]  }
0x13c: {  	s25 =	ssub.s32 $0x10, s25  }
0x13d: {  	v8 =	vmov s25  }
0x13e: {  	vm15 =	veq.s32 v8, v0  }
0x13f: {  	v6 =	vnsel vm15, $0x0, v6  }
0x140: {  	(xrf0) =	vadd.scan.msk.s32 $0xffff, v6;
	_ =	sdelay $0x1  }
0x141: {  	v6 =	vld [tilespmem:s29+$0x0]  }
0x142: {  	v8 =	vld [tilespmem:s28+$0x10200]  }
0x143: {  	v9 =	vld [tilespmem:s28+$0x10300]  }
0x144: {  	v10 =	vld [tilespmem:s28+$0x10400]  }
0x145: {  	v11 =	vld [tilespmem:s28+$0x10500];
	(v2sf) =	vpush v5, $0xF;
	v5, _, _ =	vpop (xrf0)  }
0x146: {  	v6 =	vadd.s32 v6, v7;
	v7 =	vld [tilespmem:s28+$0x10600];
	(v2sf) =	vpush v5, $0xF  }
0x147: {  	v5 =	vadd.s32 v8, v6;
	v6 =	vld [tilespmem:s28+$0x10700]  }
0x148: {  	v8 =	vld [tilespmem:s28+$0x10800];
	v5 =	vadd.s32 v9, v5  }
0x149: {  	v9 =	vld [tilespmem:s28+$0x10900];
	v5 =	vadd.s32 v10, v5  }
0x14a: {  	v10 =	vld [tilespmem:s28+$0x10A00];
	v5 =	vadd.s32 v11, v5  }
0x14b: {  	v5 =	vadd.s32 v7, v5;
	v7 =	vld [tilespmem:s28+$0x10B00]  }
0x14c: {  	v5 =	vadd.s32 v6, v5;
	v6 =	vld [tilespmem:s28+$0x10C00]  }
0x14d: {  	v5 =	vadd.s32 v8, v5;
	v8 =	vld [tilespmem:s28+$0x10D00]  }
0x14e: {  	v5 =	vadd.s32 v9, v5;
	v9 =	vld [tilespmem:s28+$0x10E00]  }
0x14f: {  	v5 =	vadd.s32 v10, v5;
	v10 =	vld [tilespmem:s28+$0x10F00]  }
0x150: {  	v5 =	vadd.s32 v7, v5  }
0x151: {  	v5 =	vadd.s32 v6, v5  }
0x152: {  	v5 =	vadd.s32 v8, v5  }
0x153: {  	v5 =	vadd.s32 v9, v5  }
0x154: {  	s26 =	sadd.s32 $0x10, s26;
	s25 =	spop (v2sf);
	v5 =	vadd.s32 v10, v5  }
0x155: {  	[tilespmem:s26+$0x0] =	vst v5;
	s26 =	spop (v2sf)  }
0x156: {  	[spmem:s9] =	stream.strided.scatter [tilespmem:s19], [sflag:$0x1], $0x100, s17, s16, $0x38;
	[tilespmem:$0x11480] =	vst v63  }
0x157: {  	_ =	swait.ge [sflag:s18], $0x100  }
0x158: {  	[sflag:s18] =	ssyncset.done $0x0  }
0x159: {  	[sflag:s18] =	ssyncadd.s32 $0xFFFFFF00  }
0x15a: {  	[bflag:$0x0] =	sbarrier.arrive $0xFFFF  }
0x15b: {  	[tilespmem:s20], [sflag:$0x1] =	stream.strided.gather [spmem:s10], $0x100, s17, s16, $0x38;
	[tilespmem:$0x11480] =	vst v63  }
0x15c: {  	_ =	swait.ge [sflag:s18], $0x100  }
0x15d: {  	[sflag:s18] =	ssyncset.done $0x0  }
0x15e: {  	[sflag:s18] =	ssyncadd.s32 $0xFFFFFF00  }
0x15f: {  	v6 =	vld [tilespmem:$0x11100]  }
0x160: {  	v7 =	vld [tilespmem:$0x11110]  }
0x161: {  	v8 =	vld [tilespmem:$0x11120]  }
0x162: {  	v9 =	vld [tilespmem:$0x11130]  }
0x163: {  	v10 =	vld [tilespmem:$0x11140]  }
0x164: {  	v11 =	vld [tilespmem:$0x11150]  }
0x165: {  	v12 =	vld [tilespmem:$0x11160]  }
0x166: {  	v13 =	vld [tilespmem:$0x11170]  }
0x167: {  	v14 =	vld [tilespmem:$0x11180]  }
0x168: {  	v15 =	vld [tilespmem:$0x11190]  }
0x169: {  	v16 =	vld [tilespmem:$0x111A0]  }
0x16a: {  	v17 =	vld [tilespmem:$0x111B0]  }
0x16b: {  	v18 =	vld [tilespmem:$0x111C0]  }
0x16c: {  	v19 =	vld [tilespmem:$0x111D0]  }
0x16d: {  	v20 =	vld [tilespmem:$0x111E0]  }
0x16e: {  	v5 =	vld [tilespmem:$0x111F0];
	[tilespmem:s20], [sflag:$0x1] =	stream.strided.gather [spmem:s11], $0x100, s17, s16, $0x38  }
0x16f: {  	_ =	swait.ge [sflag:s18], $0x100  }
0x170: {  	[sflag:s18] =	ssyncset.done $0x0  }
0x171: {  	[sflag:s18] =	ssyncadd.s32 $0xFFFFFF00  }
0x172: {  	v21 =	vld [tilespmem:$0x11100]  }
0x173: {  	v22 =	vld [tilespmem:$0x11110]  }
0x174: {  	v23 =	vld [tilespmem:$0x11120]  }
0x175: {  	v24 =	vld [tilespmem:$0x11130]  }
0x176: {  	v25 =	vld [tilespmem:$0x11140]  }
0x177: {  	v26 =	vld [tilespmem:$0x11150]  }
0x178: {  	v27 =	vld [tilespmem:$0x11160]  }
0x179: {  	v28 =	vld [tilespmem:$0x11170]  }
0x17a: {  	v29 =	vld [tilespmem:$0x11180]  }
0x17b: {  	v30 =	vld [tilespmem:$0x11190]  }
0x17c: {  	v31 =	vld [tilespmem:$0x111A0]  }
0x17d: {  	v32 =	vld [tilespmem:$0x111B0]  }
0x17e: {  	v33 =	vld [tilespmem:$0x111C0]  }
0x17f: {  	v34 =	vld [tilespmem:$0x111D0]  }
0x180: {  	v35 =	vld [tilespmem:$0x111E0]  }
0x181: {  	v36 =	vld [tilespmem:$0x111F0];
	[tilespmem:s20], [sflag:$0x1] =	stream.strided.gather [spmem:s12], $0x100, s17, s16, $0x38  }
0x182: {  	_ =	swait.ge [sflag:s18], $0x100  }
0x183: {  	[sflag:s18] =	ssyncset.done $0x0  }
0x184: {  	[sflag:s18] =	ssyncadd.s32 $0xFFFFFF00  }
0x185: {  	v37 =	vld [tilespmem:$0x11100]  }
0x186: {  	v38 =	vld [tilespmem:$0x11110]  }
0x187: {  	v39 =	vld [tilespmem:$0x11120]  }
0x188: {  	v40 =	vld [tilespmem:$0x11130]  }
0x189: {  	v41 =	vld [tilespmem:$0x11140]  }
0x18a: {  	v42 =	vld [tilespmem:$0x11150]  }
0x18b: {  	v43 =	vld [tilespmem:$0x11160]  }
0x18c: {  	v44 =	vld [tilespmem:$0x11170]  }
0x18d: {  	v45 =	vld [tilespmem:$0x11180]  }
0x18e: {  	v46 =	vld [tilespmem:$0x11190]  }
0x18f: {  	v47 =	vld [tilespmem:$0x111A0]  }
0x190: {  	v48 =	vld [tilespmem:$0x111B0]  }
0x191: {  	v49 =	vld [tilespmem:$0x111C0]  }
0x192: {  	v50 =	vld [tilespmem:$0x111D0]  }
0x193: {  	v51 =	vld [tilespmem:$0x111E0]  }
0x194: {  	v52 =	vld [tilespmem:$0x111F0];
	[tilespmem:s20], [sflag:$0x1] =	stream.strided.gather [spmem:s13], $0x100, s17, s16, $0x38  }
0x195: {  	_ =	swait.ge [sflag:s18], $0x100  }
0x196: {  	[sflag:s18] =	ssyncset.done $0x0  }
0x197: {  	[sflag:s18] =	ssyncadd.s32 $0xFFFFFF00  }
0x198: {  	v53 =	vld [tilespmem:$0x11100]  }
0x199: {  	vm1 =	vmmov vm0;
	v62 =	vld [tilespmem:$0x11110]  }
0x19a: {  	v6 =	vadd.s32 v6, v21;
	v7 =	vadd.s32 v7, v22;
	v8 =	vadd.s32 v8, v23;
	v63 =	vld [tilespmem:$0x11120]  }
0x19b: {  	v9 =	vadd.s32 v9, v24;
	v10 =	vadd.s32 v10, v25;
	v13 =	vadd.s32 v13, v28;
	v28 =	vld [tilespmem:$0x11130]  }
0x19c: {  	v11 =	vadd.s32 v11, v26;
	v12 =	vadd.s32 v12, v27;
	v14 =	vadd.s32 v14, v29;
	v54 =	vld [tilespmem:$0x11170]  }
0x19d: {  	v15 =	vadd.s32 v15, v30;
	v16 =	vadd.s32 v16, v31;
	v6 =	vadd.s32 v37, v6;
	v37 =	vld [tilespmem:$0x11140]  }
0x19e: {  	v17 =	vadd.s32 v17, v32;
	v7 =	vadd.s32 v38, v7;
	v38 =	vld [tilespmem:$0x11150];
	v6 =	vadd.s32 v53, v6  }
0x19f: {  	v18 =	vadd.s32 v18, v33;
	v8 =	vadd.s32 v39, v8;
	v7 =	vadd.s32 v62, v7;
	v53 =	vld [tilespmem:$0x11160];
	(xrf0) =	vadd.scan.msk.s32 $0xffff, v6  }
0x1a0: {  	v19 =	vadd.s32 v19, v34;
	v55 =	vld [tilespmem:$0x11180];
	v9 =	vadd.s32 v40, v9;
	v8 =	vadd.s32 v63, v8;
	(xrf0) =	vadd.scan.msk.s32 $0xffff, v7  }
0x1a1: {  	v20 =	vadd.s32 v20, v35;
	v56 =	vld [tilespmem:$0x11190];
	v10 =	vadd.s32 v41, v10;
	v9 =	vadd.s32 v28, v9;
	(xrf0) =	vadd.scan.msk.s32 $0xffff, v8  }
0x1a2: {  	v57 =	vld [tilespmem:$0x111A0];
	v11 =	vadd.s32 v42, v11;
	v12 =	vadd.s32 v43, v12;
	v10 =	vadd.s32 v37, v10;
	(xrf0) =	vadd.scan.msk.s32 $0xffff, v9  }
0x1a3: {  	v58 =	vld [tilespmem:$0x111B0];
	v13 =	vadd.s32 v44, v13;
	v14 =	vadd.s32 v45, v14;
	v11 =	vadd.s32 v38, v11;
	(xrf0) =	vadd.scan.msk.s32 $0xffff, v10  }
0x1a4: {  	v15 =	vadd.s32 v46, v15;
	v16 =	vadd.s32 v47, v16;
	v40 =	vld [tilespmem:$0x1FFF0];
	v12 =	vadd.s32 v53, v12;
	(xrf0) =	vadd.scan.msk.s32 $0xffff, v11  }
0x1a5: {  	v59 =	vld [tilespmem:$0x111C0];
	v17 =	vadd.s32 v48, v17;
	v18 =	vadd.s32 v49, v18;
	v13 =	vadd.s32 v54, v13;
	v60, _, _ =	vpop (xrf0);
	(xrf0) =	vadd.scan.msk.s32 $0xffff, v12  }
0x1a6: {  	v61 =	vld [tilespmem:$0x111D0];
	v19 =	vadd.s32 v50, v19;
	v20 =	vadd.s32 v51, v20;
	v14 =	vadd.s32 v55, v14;
	v62, _, _ =	vpop (xrf0);
	(xrf0) =	vadd.scan.msk.s32 $0xffff, v13  }
0x1a7: {  	v15 =	vadd.s32 v56, v15;
	v63 =	vld [tilespmem:$0x111E0];
	v26 =	vbroadcast v60, $0xF;
	v27 =	vbroadcast v62, $0xF;
	v32, _, _ =	vpop (xrf0);
	(xrf0) =	vadd.scan.msk.s32 $0xffff, v14  }
0x1a8: {  	v16 =	vadd.s32 v57, v16;
	v17 =	vadd.s32 v58, v17;
	v33 =	vbroadcast v32, $0xF;
	v34, _, _ =	vpop (xrf0);
	(xrf0) =	vadd.scan.msk.s32 $0xffff, v15  }
0x1a9: {  	v35 =	vsel vm0, v26, v27;
	v37 =	vbroadcast v34, $0xF;
	v38, _, _ =	vpop (xrf0);
	(xrf0) =	vadd.scan.msk.s32 $0xffff, v16;
	vm0 =	vnez.u8 v40  }
0x1aa: {  	v39 =	vld [tilespmem:$0x111F0];
	v18 =	vadd.s32 v59, v18;
	v21 =	vsel vm0, v35, v33;
	v41 =	vbroadcast v38, $0xF;
	v42, _, _ =	vpop (xrf0);
	(xrf0) =	vadd.scan.msk.s32 $0xffff, v17  }
0x1ab: {  	v19 =	vadd.s32 v61, v19;
	v21 =	vsel vm2, v21, v37;
	v43 =	vbroadcast v42, $0xF;
	v44, _, _ =	vpop (xrf0);
	(xrf0) =	vadd.scan.msk.s32 $0xffff, v18  }
0x1ac: {  	v20 =	vadd.s32 v63, v20;
	v21 =	vsel vm3, v21, v41;
	v45 =	vbroadcast v44, $0xF;
	v46, _, _ =	vpop (xrf0);
	(xrf0) =	vadd.scan.msk.s32 $0xffff, v19  }
0x1ad: {  	v5 =	vadd.s32 v5, v36;
	v21 =	vsel vm4, v21, v43;
	v47 =	vbroadcast v46, $0xF;
	v48, _, _ =	vpop (xrf0);
	(xrf0) =	vadd.scan.msk.s32 $0xffff, v20  }
0x1ae: {  	v5 =	vadd.s32 v52, v5;
	v49, _, _ =	vpop (xrf0);
	v21 =	vsel vm5, v21, v45;
	v50 =	vbroadcast v48, $0xF  }
0x1af: {  	v5 =	vadd.s32 v39, v5;
	v51, _, _ =	vpop (xrf0);
	v21 =	vsel vm6, v21, v47;
	v52 =	vbroadcast v49, $0xF  }
0x1b0: {  	(xrf0) =	vadd.scan.msk.s32 $0xffff, v5;
	v21 =	vsel vm7, v21, v50;
	v53 =	vbroadcast v51, $0xF;
	v54, _, _ =	vpop (xrf0)  }
0x1b1: {  	v55, _, _ =	vpop (xrf0);
	v21 =	vsel vm8, v21, v52;
	v56 =	vbroadcast v54, $0xF  }
0x1b2: {  	v57, _, _ =	vpop (xrf0);
	v21 =	vsel vm9, v21, v53;
	v58 =	vbroadcast v55, $0xF  }
0x1b3: {  	v21 =	vsel vm10, v21, v56;
	v59 =	vbroadcast v57, $0xF;
	v60, _, _ =	vpop (xrf0)  }
0x1b4: {  	v21 =	vsel vm11, v21, v58;
	v61 =	vbroadcast v60, $0xF  }
0x1b5: {  	v21 =	vsel vm12, v21, v59  }
0x1b6: {  	v62, _, _ =	vpop (xrf0);
	v21 =	vsel vm13, v21, v61  }
0x1b7: {  	v21 =	vsel vm14, v21, v62  }
0x1b8: {  	v21 =	vperm.xlane v21, v4;
	_ =	sdelay $0x1  }
0x1b9: {  	(xrf0) =	vadd.scan.msk.s32 $0xffff, v21;
	_ =	sdelay $0x3  }
0x1ba: {  	p0 =	sgt.s32 s24, $0xE  }
0x1bb: {  	s26 =	smov.u32 @p0 s25  }
0x1bc: {  	s26 =	ssub.s32 $0x20000, s26;
	v21, _, _ =	vpop (xrf0)  }
0x1bd: {  	vm15 =	vge.s32 v21, s26  }
0x1be: {  	v63 =	vmctz.xlane vm15;
	_ =	sdelay $0x1  }
0x1bf: {  	v22 =	vxor.u32 $0x80000000, v63  }
0x1c0: {  	(xrf0) =	vmax.scan.msk.u32 $0xffff, v22;
	_ =	sdelay $0x5  }
0x1c1: {  	v22, _, _ =	vpop (xrf0)  }
0x1c2: {  	(v2sf) =	vpush v22, $0xF;
	_ =	sdelay $0x1  }
0x1c3: {  	[tilespmem:$0x11000] =	vst v6  }
0x1c4: {  	[tilespmem:$0x11010] =	vst v7  }
0x1c5: {  	[tilespmem:$0x11020] =	vst v8  }
0x1c6: {  	[tilespmem:$0x11030] =	vst v9  }
0x1c7: {  	[tilespmem:$0x11070] =	vst v13  }
0x1c8: {  	[tilespmem:$0x11080] =	vst v14  }
0x1c9: {  	[tilespmem:$0x11090] =	vst v15  }
0x1ca: {  	[tilespmem:$0x110A0] =	vst v16  }
0x1cb: {  	[tilespmem:$0x110B0] =	vst v17  }
0x1cc: {  	[tilespmem:$0x110C0] =	vst v18  }
0x1cd: {  	[tilespmem:$0x110D0] =	vst v19  }
0x1ce: {  	[tilespmem:$0x11040] =	vst v10  }
0x1cf: {  	[tilespmem:$0x11050] =	vst v11  }
0x1d0: {  	[tilespmem:$0x110F0] =	vst v5;
	s30 =	spop (v2sf)  }
0x1d1: {  	[tilespmem:$0x11060] =	vst v12;
	s31 =	sshll.u32 s30, $0x4  }
0x1d2: {  	[tilespmem:$0x110E0] =	vst v20;
	s29 =	ssub.s32 $0x110F0, s31  }
0x1d3: {  	s25 =	sxor.u32 $0x80000000, s30;
	v5 =	vld [tilespmem:s29+$0x0]  }
0x1d4: {  	s25 =	ssub.s32 $0x10, s25  }
0x1d5: {  	v6 =	vperm.xlane v21, v4;
	v7 =	vmov s25  }
0x1d6: {  	vm15 =	veq.s32 v7, v0  }
0x1d7: {  	v6 =	vnsel vm15, $0x0, v6  }
0x1d8: {  	(xrf0) =	vadd.scan.msk.s32 $0xffff, v6;
	v5 =	vperm.xlane v5, v4;
	_ =	sdelay $0x1  }
0x1d9: {  	(xrf0) =	vadd.scan.msk.s32 $0xffff, v5;
	_ =	sdelay $0x3  }
0x1da: {  	v5, _, _ =	vpop (xrf0)  }
0x1db: {  	v5 =	vbroadcast v5, $0xF  }
0x1dc: {  	v6, _, _ =	vpop (xrf0)  }
0x1dd: {  	v5 =	vadd.s32 v6, v5  }
0x1de: {  	vm15 =	vge.s32 v5, s26  }
0x1df: {  	v5 =	vmctz.xlane vm15;
	_ =	sdelay $0x1  }
0x1e0: {  	v5 =	vxor.u32 $0x80000000, v5  }
0x1e1: {  	(xrf0) =	vmax.scan.msk.u32 $0xffff, v5;
	_ =	sdelay $0x5  }
0x1e2: {  	v5, _, _ =	vpop (xrf0)  }
0x1e3: {  	(v2sf) =	vpush v5, $0xF;
	_ =	sdelay $0xd  }
0x1e4: {  	s23 =	sshll.u32 s23, $0x8  }
0x1e5: {  	s23 =	ssub.s32 s23, s31;
	s30 =	spop (v2sf)  }
0x1e6: {  	s23 =	ssub.s32 s23, s30  }
0x1e7: {  	s23 =	sadd.s32 $0xFF, s23  }
0x1e8: {  	v5 =	vmov s23  }
0x1e9: {  	v5 =	vshll.u32 v5, $0x10  }
0x1ea: {  	v5 =	vbroadcast v5, $0x0;
	_ =	sdelay $0x1  }
0x1eb: {  	v6 =	vadd.s32 $0x10000, v5  }
0x1ec: {  	s31 =	simm.s32 $0x0;
	v8 =	vsub.s32 $0xFFFEFFFF, v5;
	vm15 =	vlt.s32 v6, $0x0;
	v6 =	vand.u32 $0x7FFF0000, v6  }
0x1ed: {  	v9 =	vsel vm15, v6, v8;
	v8 =	vld [tilespmem:s31+$0x0]  }
0x1ee: {  	v7 =	vimm.s32 $0x0;
	s23 =	simm.s32 $0x40;
	v6 =	vimm.f32 $0.0e+00  }
.LBB2_14:
0x1ef: {  	p0 =	sne.s32 s23, $0x3FFC0  }
.Ltmp6:
0x1f0: {  	_ = 	snop;
	(pc) =	sbr.rel @p0 .LBB2_14-.Ltmp6, $4  }
0x1f1: {  	_ = 	snop  }
0x1f2: {  	s24 =	sshra.s32 s23, $0x2;
	s23 =	sadd.s32 $0x40, s23;
	vm15 =	vge.f32 v8, v9  }
0x1f3: {  	v10 =	vsel vm15, $0x1, v1;
	v11 =	vnsel vm15, $0x0, v8;
	v8 =	vld [tilespmem:s24+$0x0]  }
0x1f4: {  	v7 =	vadd.s32 v10, v7;
	v6 =	vadd.f32 v11, v6  }
0x1f5: {  	_ =	sdelay $0x2  }
0x1f6: {  	vm15 =	vge.f32 v8, v9  }
0x1f7: {  	v9 =	vsel vm15, $0x1, v1  }
0x1f8: {  	v7 =	vadd.s32 v9, v7  }
0x1f9: {  	(xrf0) =	vadd.scan.msk.s32 $0xffff, v7;
	_ =	sdelay $0x5  }
0x1fa: {  	v7, _, _ =	vpop (xrf0)  }
0x1fb: {  	(v2sf) =	vpush v7, $0xF;
	_ =	sdelay $0x3  }
0x1fc: {  	v7 =	vnsel vm15, $0x0, v8  }
0x1fd: {  	v6 =	vadd.f32 v7, v6;
	_ =	sdelay $0x1  }
0x1fe: {  	(xrf2) =	vadd.scan.msk.f32 $0xffff, v6;
	_ =	sdelay $0x7  }
0x1ff: {  	s23 =	spop (v2sf)  }
0x200: {  	s23 =	scvt.s32.f32 s23  }
0x201: {  	vm0 =	vcmask $0x300;
	vm15 =	vlt.s32 v5, $0x0;
	v7 =	vand.u32 $0x7FFF0000, v5;
	v6, _, _ =	vpop (xrf2)  }
0x202: {  	v5 =	vxor.u32 $0xFFFF7FFF, v5;
	v6 =	vbroadcast v6, $0xF;
	v63 =	vmov s23  }
0x203: {  	v7 =	vor.u32 $0x8000, v7;
	v8 =	vnsel vm0, $0x0, v63;
	vm0 =	vcmask $0x704  }
0x204: {  	s22 =	sadd.s32 $0x1, s22;
	v5 =	vsel vm15, v7, v5;
	v6 =	vsel vm0, v6, v8;
	vm0 =	vcmask $0x70C  }
0x205: {  	p0 =	sne.s32 s22, s15;
	v5 =	vsel vm0, v6, v5  }
.Ltmp7:
0x206: {  	[tilespmem:$0x11200] =	vst v5;
	(pc) =	sbr.rel @p0 .LBB2_1-.Ltmp7, $4  }
0x207: {  	[hbm4b:s14+s2] =	stream.linear.scatter [tilespmem:s21], [sflag:$0x1], $0x80, $0x38;
	[tilespmem:$0x11480] =	vst v63  }
0x208: {  	_ =	swait.ge [sflag:s18], $0x80  }
0x209: {  	[sflag:s18] =	ssyncset.done $0x0  }
0x20a: {  	vm0 =	vmmov vm1;
	[sflag:s18] =	ssyncadd.s32 $0xFFFFFF80  }
0x20b: {  	_ =	sfence.sel $0x180000  }
0x20c: {  	[bflag:$0x0] =	sbarrier.arrive $0xFFFF  }
0x20d: {  	p0 =	sne.s32 s1, $0x0;
	_ =	strace $0x90000047  }
0x20e: {  	s0 =	sadd.s32 @!p0 $0x100000, s0;
	[bflag:$0x2] =	sbarrier.arrive $0xFFFF  }
0x20f: {  	[sflag:s0] =	ssyncadd.tile.s32 @!p0 $0x1;
	_ =	shalt  }
.Lfunc_end2:
_tile_overlayer_lowered:
.L_overlay_start_2:
0x210: {  	(tag) =	ssettag $0x2  }
0x211: {  	s0 =	rddreg [dreg:$0x0];
	s2 =	stileid.u32  }
0x212: {  	s1 =	rddreg [dreg:$0x1];
	p0 =	sne.s32 s2, $0x0  }
0x213: {  	s3 =	rddreg [dreg:$0x2];
	[bflag:$0x3] =	sbarrier.arrive $0xFFFF;
	s2 =	simm.s32 @!p0 $0x1C01  }
0x214: {  	[timem:s3], [sflag:s2] =	dma.local @!p0 [hbm:s0], s1  }
0x215: {  	s0 =	simm.s32 @!p0 $0x1  }
0x216: {  	_ =	swait.ge @!p0 [sflag:s0], s1  }
0x217: {  	s1 =	ssub.s32 @!p0 $0x0, s1;
	[sflag:s0] =	ssyncset.done @!p0 $0x0  }
0x218: {  	[sflag:s0] =	ssyncadd.s32 @!p0 s1  }
0x219: {  	[bflag:$0x3] =	sbarrier.arrive $0xFFFF  }
0x21a: {  	_ =	shalt  }

</sc_bundles>
